<compile_context>
chip_gen: v7x
topology: tpu7x:2x2x1
jax: 0.10.2.dev20260603
libtpu: 0.0.44.dev20260713+nightly
codegen_flags: <defaults>
</compile_context>

<pallas_src>
import functools

import jax
import jax.numpy as jnp
import numpy as np
from jax import lax
from jax.experimental import pallas as pl
from jax.experimental.pallas import tpu as pltpu
from jax.experimental.pallas import tpu_sc as plsc

VOCAB = 1_000_000
D = 32
BATCH = 16384
HIST = 200
B = BATCH * HIST

NC = 2
NS = 16
NW = NC * NS
BPW = B // NW

C = 640
K = 3
NCHUNK = BPW // C
ROW_UNROLL = 4

SCALE = np.float32(np.sqrt(np.float32(D)))

_mesh = plsc.VectorSubcoreMesh(
    core_axis_name="c", subcore_axis_name="s", num_cores=NC, num_subcores=NS
)


@functools.partial(
    pl.kernel,
    out_type=jax.ShapeDtypeStruct((B, D), jnp.float32),
    mesh=_mesh,
    compiler_params=pltpu.CompilerParams(use_tc_tiling_on_sc=False),
    scratch_types=[
        pltpu.VMEM((K, 1, C), jnp.int32),
        pltpu.VMEM((K, C, D), jnp.float32),
        pltpu.VMEM((K, C, D), jnp.float32),
        [pltpu.SemaphoreType.DMA] * K,
        [pltpu.SemaphoreType.DMA] * K,
        [pltpu.SemaphoreType.DMA] * K,
    ],
)
def _embed_kernel(x_hbm, tab_hbm, out_hbm, idx_v, rows_v, srows_v,
                  isems, gsems, ssems):
    wid = lax.axis_index("s") * NC + lax.axis_index("c")
    base = wid * BPW
    xrow0 = wid * NCHUNK

    def prefetch_idx(b, c):
        return pltpu.async_copy(
            x_hbm.at[pl.ds(xrow0 + c, 1)], idx_v.at[b], isems[b]
        )

    def fire_gather(b, idx_copy):
        idx_copy.wait()
        pltpu.async_copy(tab_hbm.at[idx_v.at[b, 0]], rows_v.at[b], gsems[b])

    def wait_gather(b):
        pltpu.make_async_copy(
            tab_hbm.at[idx_v.at[b, 0]], rows_v.at[b], gsems[b]
        ).wait()

    def wait_store(b, c):
        pltpu.make_async_copy(
            srows_v.at[b], out_hbm.at[pl.ds(base + c * C, C)], ssems[b]
        ).wait()

    def scale_chunk(b):
        @pl.loop(0, C, step=ROW_UNROLL)
        def _(i):
            for di in range(ROW_UNROLL):
                for h in range(D // 16):
                    v = rows_v[b, i + di, pl.ds(16 * h, 16)]
                    srows_v[b, i + di, pl.ds(16 * h, 16)] = v * SCALE

    def start_store(b, c):
        pltpu.async_copy(
            srows_v.at[b], out_hbm.at[pl.ds(base + c * C, C)], ssems[b]
        )

    def turn(b, c, *, skip_store_wait, fire):
        wait_gather(b)
        if fire:
            icopy = prefetch_idx(b, c + K)
        if not skip_store_wait:
            wait_store(b, c - K)
        scale_chunk(b)
        if fire:
            fire_gather(b, icopy)
        start_store(b, c)

    for c in range(K):
        fire_gather(c, prefetch_idx(c, c))

    for c in range(K):
        turn(c, c, skip_store_wait=True, fire=True)

    full_lo, full_hi = K, NCHUNK - K
    n_loop = ((full_hi - full_lo) // K) * K

    @pl.loop(full_lo, full_lo + n_loop, step=K)
    def _(g):
        for db in range(K):
            turn(db, g + db, skip_store_wait=False, fire=True)

    for c in range(full_lo + n_loop, full_hi):
        turn(c % K, c, skip_store_wait=False, fire=True)

    for c in range(full_hi, NCHUNK):
        turn(c % K, c, skip_store_wait=False, fire=False)

    for c in range(NCHUNK - K, NCHUNK):
        wait_store(c % K, c)


def kernel(x, input_embedding_table):
    x2d = x.reshape(B // C, C)
    out = _embed_kernel(x2d, input_embedding_table)
    return out.reshape(BATCH, HIST, D)

# --- scband reference (transcript-rebuilt; emitter-appended) ---
"""Pipeline reference for scband-embedder-73203422593617 (READ-ONLY COPY).

The authoritative reference and input builder live on the scoring server;
editing this copy changes nothing except your own understanding.
"""

import jax, jax.numpy as jnp
import numpy as np

VOCAB_SIZE = 1000000
EMBED_DIM = 32
BATCH = 16384
HIST_LEN = 200


def setup_inputs(seed: int = 0) -> dict:
    key = jax.random.key(seed)
    k_idx, k_tab = jax.random.split(key)
    x = jax.random.randint(k_idx, (BATCH, HIST_LEN), 0, VOCAB_SIZE, dtype=jnp.int64 if jax.config.jax_enable_x64 else jnp.int32)
    # nn.initializers.normal() default stddev = 1e-2
    input_embedding_table = jax.random.normal(k_tab, (VOCAB_SIZE, EMBED_DIM), dtype=jnp.float32) * 0.01
    return {"x": x, "input_embedding_table": input_embedding_table}


def reference(x, input_embedding_table):
    # Embedder.encode: gather rows then scale by sqrt(embed_dim)
    out = jnp.take(input_embedding_table, x, axis=0)
    out = out * jnp.sqrt(jnp.asarray(EMBED_DIM, dtype=out.dtype)).astype(out.dtype)
    return out

if __name__ == "__main__":
    import jax
    _d = setup_inputs()
    print(jax.jit(kernel)(*tuple(_d.values())))

</pallas_src>

<mosaic_0001>
#map = affine_map<(d0, d1) -> (0, 0)>
module attributes {stable_mosaic.version = 14 : i64} {
  func.func @_embed_kernel(%arg0: i32, %arg1: i32, %arg2: memref<5120x640xi32, #tpu.memory_space<hbm>>, %arg3: memref<1000000x32xf32, #tpu.memory_space<hbm>>, %arg4: memref<3276800x32xf32, #tpu.memory_space<hbm>>, %arg5: memref<3x1x640xi32, #tpu.memory_space<vmem>>, %arg6: memref<3x640x32xf32, #tpu.memory_space<vmem>>, %arg7: memref<3x640x32xf32, #tpu.memory_space<vmem>>, %arg8: memref<!tpu.dma_semaphore, #tpu.memory_space<semaphore_mem>>, %arg9: memref<!tpu.dma_semaphore, #tpu.memory_space<semaphore_mem>>, %arg10: memref<!tpu.dma_semaphore, #tpu.memory_space<semaphore_mem>>, %arg11: memref<!tpu.dma_semaphore, #tpu.memory_space<semaphore_mem>>, %arg12: memref<!tpu.dma_semaphore, #tpu.memory_space<semaphore_mem>>, %arg13: memref<!tpu.dma_semaphore, #tpu.memory_space<semaphore_mem>>, %arg14: memref<!tpu.dma_semaphore, #tpu.memory_space<semaphore_mem>>, %arg15: memref<!tpu.dma_semaphore, #tpu.memory_space<semaphore_mem>>, %arg16: memref<!tpu.dma_semaphore, #tpu.memory_space<semaphore_mem>>) attributes {dimension_semantics = [#tpu.dimension_semantics<core_parallel>, #tpu.dimension_semantics<subcore_parallel>], iteration_bounds = array<i64: 2, 16>, scalar_prefetch = 0 : i64, scratch_operands = 12 : i64, tpu.core_type = #tpu.core_type<sc_vector_subcore>, window_params = [{transform_indices = #map}, {transform_indices = #map}, {transform_indices = #map}]} {
    %mul3A = arith.constant 2 : i32
    %mul3A_0 = arith.muli %arg1, %mul3A : i32
    %add3A = arith.addi %mul3A_0, %arg0 : i32
    %mul3A_1 = arith.constant 102400 : i32
    %mul3A_2 = arith.muli %add3A, %mul3A_1 : i32
    %mul3A_3 = arith.constant 160 : i32
    %mul3A_4 = arith.muli %add3A, %mul3A_3 : i32
    %add3A_5 = arith.constant 0 : i32
    %add3A_6 = arith.addi %mul3A_4, %add3A_5 : i32
    %dma_start3A = arith.constant 0 : i32
    %dma_start3A_7 = arith.constant 0 : i32
    %dma_start3A_8 = arith.constant 0 : i32
    %dma_start3A_9 = tpu.memref_slice %arg5[%dma_start3A, %dma_start3A_7, %dma_start3A_8] : memref<3x1x640xi32, #tpu.memory_space<vmem>> -> memref<1x1x640xi32, #tpu.memory_space<vmem>>
    %dma_start3A_10 = tpu.memref_squeeze %dma_start3A_9 : memref<1x1x640xi32, #tpu.memory_space<vmem>> -> memref<1x640xi32, #tpu.memory_space<vmem>>
    %dma_start3A_11 = arith.constant 0 : i32
    %dma_start3A_12 = tpu.memref_slice %arg2[%add3A_6, %dma_start3A_11] : memref<5120x640xi32, #tpu.memory_space<hbm>> -> memref<1x640xi32, #tpu.memory_space<hbm>>
    %dma_start3A_13 = arith.constant 0 : i32
    %dma_start3A_14 = arith.constant 0 : i32
    %dma_start3A_15 = tpu.memref_slice %arg5[%dma_start3A, %dma_start3A_13, %dma_start3A_14] : memref<3x1x640xi32, #tpu.memory_space<vmem>> -> memref<1x1x640xi32, #tpu.memory_space<vmem>>
    %dma_start3A_16 = tpu.memref_squeeze %dma_start3A_15 : memref<1x1x640xi32, #tpu.memory_space<vmem>> -> memref<1x640xi32, #tpu.memory_space<vmem>>
    %dma_start3A_17 = arith.constant 0 : i32
    %dma_start3A_18 = tpu.memref_slice %arg2[%add3A_6, %dma_start3A_17] : memref<5120x640xi32, #tpu.memory_space<hbm>> -> memref<1x640xi32, #tpu.memory_space<hbm>>
    tpu.enqueue_dma source(%dma_start3A_18 : memref<1x640xi32, #tpu.memory_space<hbm>>) target(%dma_start3A_16 : memref<1x640xi32, #tpu.memory_space<vmem>>) target_semaphore(%arg8 : memref<!tpu.dma_semaphore, #tpu.memory_space<semaphore_mem>>)
    %dma_wait3A = arith.constant 0 : i32
    %dma_wait3A_19 = arith.constant 0 : i32
    %dma_wait3A_20 = arith.constant 0 : i32
    %dma_wait3A_21 = tpu.memref_slice %arg5[%dma_wait3A, %dma_wait3A_19, %dma_wait3A_20] : memref<3x1x640xi32, #tpu.memory_space<vmem>> -> memref<1x1x640xi32, #tpu.memory_space<vmem>>
    %dma_wait3A_22 = tpu.memref_squeeze %dma_wait3A_21 : memref<1x1x640xi32, #tpu.memory_space<vmem>> -> memref<1x640xi32, #tpu.memory_space<vmem>>
    %dma_wait3A_23 = arith.constant 0 : i32
    %dma_wait3A_24 = tpu.memref_slice %arg2[%add3A_6, %dma_wait3A_23] : memref<5120x640xi32, #tpu.memory_space<hbm>> -> memref<1x640xi32, #tpu.memory_space<hbm>>
    %dma_wait3A_25 = arith.constant 0 : i32
    %dma_wait3A_26 = arith.constant 0 : i32
    %dma_wait3A_27 = tpu.memref_slice %arg5[%dma_wait3A, %dma_wait3A_25, %dma_wait3A_26] : memref<3x1x640xi32, #tpu.memory_space<vmem>> -> memref<1x1x640xi32, #tpu.memory_space<vmem>>
    %dma_wait3A_28 = tpu.memref_squeeze %dma_wait3A_27 : memref<1x1x640xi32, #tpu.memory_space<vmem>> -> memref<1x640xi32, #tpu.memory_space<vmem>>
    %dma_wait3A_29 = arith.constant 0 : i32
    %dma_wait3A_30 = tpu.memref_slice %arg2[%add3A_6, %dma_wait3A_29] : memref<5120x640xi32, #tpu.memory_space<hbm>> -> memref<1x640xi32, #tpu.memory_space<hbm>>
    tpu.wait_dma2 semaphore(%arg8 : memref<!tpu.dma_semaphore, #tpu.memory_space<semaphore_mem>>) src(%dma_wait3A_30 : memref<1x640xi32, #tpu.memory_space<hbm>>) dst(%dma_wait3A_28 : memref<1x640xi32, #tpu.memory_space<vmem>>)
    %dma_start3A_31 = arith.constant 0 : i32
    %dma_start3A_32 = arith.constant 0 : i32
    %dma_start3A_33 = arith.constant 0 : i32
    %dma_start3A_34 = arith.constant 0 : i32
    %dma_start3A_35 = arith.constant 0 : i32
    %dma_start3A_36 = tpu.memref_slice %arg6[%dma_start3A_33, %dma_start3A_34, %dma_start3A_35] : memref<3x640x32xf32, #tpu.memory_space<vmem>> -> memref<1x640x32xf32, #tpu.memory_space<vmem>>
    %dma_start3A_37 = tpu.memref_squeeze %dma_start3A_36 : memref<1x640x32xf32, #tpu.memory_space<vmem>> -> memref<640x32xf32, #tpu.memory_space<vmem>>
    %dma_start3A_38 = arith.constant 0 : i32
    %dma_start3A_39 = tpu.memref_slice %arg5[%dma_start3A_31, %dma_start3A_32, %dma_start3A_38] : memref<3x1x640xi32, #tpu.memory_space<vmem>> -> memref<1x1x640xi32, #tpu.memory_space<vmem>>
    %dma_start3A_40 = tpu.memref_squeeze %dma_start3A_39 : memref<1x1x640xi32, #tpu.memory_space<vmem>> -> memref<640xi32, #tpu.memory_space<vmem>>
    %dma_start3A_41 = arith.constant 0 : i32
    %dma_start3A_42 = arith.constant 0 : i32
    %dma_start3A_43 = tpu.memref_slice %arg3[%dma_start3A_41, %dma_start3A_42] : memref<1000000x32xf32, #tpu.memory_space<hbm>> -> memref<1000000x32xf32, #tpu.memory_space<hbm>>
    tpu.enqueue_indirect_dma source(%dma_start3A_43 : memref<1000000x32xf32, #tpu.memory_space<hbm>>) target(%dma_start3A_37 : memref<640x32xf32, #tpu.memory_space<vmem>>) offsets(%dma_start3A_40 : memref<640xi32, #tpu.memory_space<vmem>>) semaphore(%arg11 : memref<!tpu.dma_semaphore, #tpu.memory_space<semaphore_mem>>)
    %add3A_44 = arith.constant 1 : i32
    %add3A_45 = arith.addi %mul3A_4, %add3A_44 : i32
    %dma_start3A_46 = arith.constant 1 : i32
    %dma_start3A_47 = arith.constant 0 : i32
    %dma_start3A_48 = arith.constant 0 : i32
    %dma_start3A_49 = tpu.memref_slice %arg5[%dma_start3A_46, %dma_start3A_47, %dma_start3A_48] : memref<3x1x640xi32, #tpu.memory_space<vmem>> -> memref<1x1x640xi32, #tpu.memory_space<vmem>>
    %dma_start3A_50 = tpu.memref_squeeze %dma_start3A_49 : memref<1x1x640xi32, #tpu.memory_space<vmem>> -> memref<1x640xi32, #tpu.memory_space<vmem>>
    %dma_start3A_51 = arith.constant 0 : i32
    %dma_start3A_52 = tpu.memref_slice %arg2[%add3A_45, %dma_start3A_51] : memref<5120x640xi32, #tpu.memory_space<hbm>> -> memref<1x640xi32, #tpu.memory_space<hbm>>
    %dma_start3A_53 = arith.constant 0 : i32
    %dma_start3A_54 = arith.constant 0 : i32
    %dma_start3A_55 = tpu.memref_slice %arg5[%dma_start3A_46, %dma_start3A_53, %dma_start3A_54] : memref<3x1x640xi32, #tpu.memory_space<vmem>> -> memref<1x1x640xi32, #tpu.memory_space<vmem>>
    %dma_start3A_56 = tpu.memref_squeeze %dma_start3A_55 : memref<1x1x640xi32, #tpu.memory_space<vmem>> -> memref<1x640xi32, #tpu.memory_space<vmem>>
    %dma_start3A_57 = arith.constant 0 : i32
    %dma_start3A_58 = tpu.memref_slice %arg2[%add3A_45, %dma_start3A_57] : memref<5120x640xi32, #tpu.memory_space<hbm>> -> memref<1x640xi32, #tpu.memory_space<hbm>>
    tpu.enqueue_dma source(%dma_start3A_58 : memref<1x640xi32, #tpu.memory_space<hbm>>) target(%dma_start3A_56 : memref<1x640xi32, #tpu.memory_space<vmem>>) target_semaphore(%arg9 : memref<!tpu.dma_semaphore, #tpu.memory_space<semaphore_mem>>)
    %dma_wait3A_59 = arith.constant 1 : i32
    %dma_wait3A_60 = arith.constant 0 : i32
    %dma_wait3A_61 = arith.constant 0 : i32
    %dma_wait3A_62 = tpu.memref_slice %arg5[%dma_wait3A_59, %dma_wait3A_60, %dma_wait3A_61] : memref<3x1x640xi32, #tpu.memory_space<vmem>> -> memref<1x1x640xi32, #tpu.memory_space<vmem>>
    %dma_wait3A_63 = tpu.memref_squeeze %dma_wait3A_62 : memref<1x1x640xi32, #tpu.memory_space<vmem>> -> memref<1x640xi32, #tpu.memory_space<vmem>>
    %dma_wait3A_64 = arith.constant 0 : i32
    %dma_wait3A_65 = tpu.memref_slice %arg2[%add3A_45, %dma_wait3A_64] : memref<5120x640xi32, #tpu.memory_space<hbm>> -> memref<1x640xi32, #tpu.memory_space<hbm>>
    %dma_wait3A_66 = arith.constant 0 : i32
    %dma_wait3A_67 = arith.constant 0 : i32
    %dma_wait3A_68 = tpu.memref_slice %arg5[%dma_wait3A_59, %dma_wait3A_66, %dma_wait3A_67] : memref<3x1x640xi32, #tpu.memory_space<vmem>> -> memref<1x1x640xi32, #tpu.memory_space<vmem>>
    %dma_wait3A_69 = tpu.memref_squeeze %dma_wait3A_68 : memref<1x1x640xi32, #tpu.memory_space<vmem>> -> memref<1x640xi32, #tpu.memory_space<vmem>>
    %dma_wait3A_70 = arith.constant 0 : i32
    %dma_wait3A_71 = tpu.memref_slice %arg2[%add3A_45, %dma_wait3A_70] : memref<5120x640xi32, #tpu.memory_space<hbm>> -> memref<1x640xi32, #tpu.memory_space<hbm>>
    tpu.wait_dma2 semaphore(%arg9 : memref<!tpu.dma_semaphore, #tpu.memory_space<semaphore_mem>>) src(%dma_wait3A_71 : memref<1x640xi32, #tpu.memory_space<hbm>>) dst(%dma_wait3A_69 : memref<1x640xi32, #tpu.memory_space<vmem>>)
    %dma_start3A_72 = arith.constant 1 : i32
    %dma_start3A_73 = arith.constant 0 : i32
    %dma_start3A_74 = arith.constant 1 : i32
    %dma_start3A_75 = arith.constant 0 : i32
    %dma_start3A_76 = arith.constant 0 : i32
    %dma_start3A_77 = tpu.memref_slice %arg6[%dma_start3A_74, %dma_start3A_75, %dma_start3A_76] : memref<3x640x32xf32, #tpu.memory_space<vmem>> -> memref<1x640x32xf32, #tpu.memory_space<vmem>>
    %dma_start3A_78 = tpu.memref_squeeze %dma_start3A_77 : memref<1x640x32xf32, #tpu.memory_space<vmem>> -> memref<640x32xf32, #tpu.memory_space<vmem>>
    %dma_start3A_79 = arith.constant 0 : i32
    %dma_start3A_80 = tpu.memref_slice %arg5[%dma_start3A_72, %dma_start3A_73, %dma_start3A_79] : memref<3x1x640xi32, #tpu.memory_space<vmem>> -> memref<1x1x640xi32, #tpu.memory_space<vmem>>
    %dma_start3A_81 = tpu.memref_squeeze %dma_start3A_80 : memref<1x1x640xi32, #tpu.memory_space<vmem>> -> memref<640xi32, #tpu.memory_space<vmem>>
    %dma_start3A_82 = arith.constant 0 : i32
    %dma_start3A_83 = arith.constant 0 : i32
    %dma_start3A_84 = tpu.memref_slice %arg3[%dma_start3A_82, %dma_start3A_83] : memref<1000000x32xf32, #tpu.memory_space<hbm>> -> memref<1000000x32xf32, #tpu.memory_space<hbm>>
    tpu.enqueue_indirect_dma source(%dma_start3A_84 : memref<1000000x32xf32, #tpu.memory_space<hbm>>) target(%dma_start3A_78 : memref<640x32xf32, #tpu.memory_space<vmem>>) offsets(%dma_start3A_81 : memref<640xi32, #tpu.memory_space<vmem>>) semaphore(%arg12 : memref<!tpu.dma_semaphore, #tpu.memory_space<semaphore_mem>>)
    %add3A_85 = arith.constant 2 : i32
    %add3A_86 = arith.addi %mul3A_4, %add3A_85 : i32
    %dma_start3A_87 = arith.constant 2 : i32
    %dma_start3A_88 = arith.constant 0 : i32
    %dma_start3A_89 = arith.constant 0 : i32
    %dma_start3A_90 = tpu.memref_slice %arg5[%dma_start3A_87, %dma_start3A_88, %dma_start3A_89] : memref<3x1x640xi32, #tpu.memory_space<vmem>> -> memref<1x1x640xi32, #tpu.memory_space<vmem>>
    %dma_start3A_91 = tpu.memref_squeeze %dma_start3A_90 : memref<1x1x640xi32, #tpu.memory_space<vmem>> -> memref<1x640xi32, #tpu.memory_space<vmem>>
    %dma_start3A_92 = arith.constant 0 : i32
    %dma_start3A_93 = tpu.memref_slice %arg2[%add3A_86, %dma_start3A_92] : memref<5120x640xi32, #tpu.memory_space<hbm>> -> memref<1x640xi32, #tpu.memory_space<hbm>>
    %dma_start3A_94 = arith.constant 0 : i32
    %dma_start3A_95 = arith.constant 0 : i32
    %dma_start3A_96 = tpu.memref_slice %arg5[%dma_start3A_87, %dma_start3A_94, %dma_start3A_95] : memref<3x1x640xi32, #tpu.memory_space<vmem>> -> memref<1x1x640xi32, #tpu.memory_space<vmem>>
    %dma_start3A_97 = tpu.memref_squeeze %dma_start3A_96 : memref<1x1x640xi32, #tpu.memory_space<vmem>> -> memref<1x640xi32, #tpu.memory_space<vmem>>
    %dma_start3A_98 = arith.constant 0 : i32
    %dma_start3A_99 = tpu.memref_slice %arg2[%add3A_86, %dma_start3A_98] : memref<5120x640xi32, #tpu.memory_space<hbm>> -> memref<1x640xi32, #tpu.memory_space<hbm>>
    tpu.enqueue_dma source(%dma_start3A_99 : memref<1x640xi32, #tpu.memory_space<hbm>>) target(%dma_start3A_97 : memref<1x640xi32, #tpu.memory_space<vmem>>) target_semaphore(%arg10 : memref<!tpu.dma_semaphore, #tpu.memory_space<semaphore_mem>>)
    %dma_wait3A_100 = arith.constant 2 : i32
    %dma_wait3A_101 = arith.constant 0 : i32
    %dma_wait3A_102 = arith.constant 0 : i32
    %dma_wait3A_103 = tpu.memref_slice %arg5[%dma_wait3A_100, %dma_wait3A_101, %dma_wait3A_102] : memref<3x1x640xi32, #tpu.memory_space<vmem>> -> memref<1x1x640xi32, #tpu.memory_space<vmem>>
    %dma_wait3A_104 = tpu.memref_squeeze %dma_wait3A_103 : memref<1x1x640xi32, #tpu.memory_space<vmem>> -> memref<1x640xi32, #tpu.memory_space<vmem>>
    %dma_wait3A_105 = arith.constant 0 : i32
    %dma_wait3A_106 = tpu.memref_slice %arg2[%add3A_86, %dma_wait3A_105] : memref<5120x640xi32, #tpu.memory_space<hbm>> -> memref<1x640xi32, #tpu.memory_space<hbm>>
    %dma_wait3A_107 = arith.constant 0 : i32
    %dma_wait3A_108 = arith.constant 0 : i32
    %dma_wait3A_109 = tpu.memref_slice %arg5[%dma_wait3A_100, %dma_wait3A_107, %dma_wait3A_108] : memref<3x1x640xi32, #tpu.memory_space<vmem>> -> memref<1x1x640xi32, #tpu.memory_space<vmem>>
    %dma_wait3A_110 = tpu.memref_squeeze %dma_wait3A_109 : memref<1x1x640xi32, #tpu.memory_space<vmem>> -> memref<1x640xi32, #tpu.memory_space<vmem>>
    %dma_wait3A_111 = arith.constant 0 : i32
    %dma_wait3A_112 = tpu.memref_slice %arg2[%add3A_86, %dma_wait3A_111] : memref<5120x640xi32, #tpu.memory_space<hbm>> -> memref<1x640xi32, #tpu.memory_space<hbm>>
    tpu.wait_dma2 semaphore(%arg10 : memref<!tpu.dma_semaphore, #tpu.memory_space<semaphore_mem>>) src(%dma_wait3A_112 : memref<1x640xi32, #tpu.memory_space<hbm>>) dst(%dma_wait3A_110 : memref<1x640xi32, #tpu.memory_space<vmem>>)
    %dma_start3A_113 = arith.constant 2 : i32
    %dma_start3A_114 = arith.constant 0 : i32
    %dma_start3A_115 = arith.constant 2 : i32
    %dma_start3A_116 = arith.constant 0 : i32
    %dma_start3A_117 = arith.constant 0 : i32
    %dma_start3A_118 = tpu.memref_slice %arg6[%dma_start3A_115, %dma_start3A_116, %dma_start3A_117] : memref<3x640x32xf32, #tpu.memory_space<vmem>> -> memref<1x640x32xf32, #tpu.memory_space<vmem>>
    %dma_start3A_119 = tpu.memref_squeeze %dma_start3A_118 : memref<1x640x32xf32, #tpu.memory_space<vmem>> -> memref<640x32xf32, #tpu.memory_space<vmem>>
    %dma_start3A_120 = arith.constant 0 : i32
    %dma_start3A_121 = tpu.memref_slice %arg5[%dma_start3A_113, %dma_start3A_114, %dma_start3A_120] : memref<3x1x640xi32, #tpu.memory_space<vmem>> -> memref<1x1x640xi32, #tpu.memory_space<vmem>>
    %dma_start3A_122 = tpu.memref_squeeze %dma_start3A_121 : memref<1x1x640xi32, #tpu.memory_space<vmem>> -> memref<640xi32, #tpu.memory_space<vmem>>
    %dma_start3A_123 = arith.constant 0 : i32
    %dma_start3A_124 = arith.constant 0 : i32
    %dma_start3A_125 = tpu.memref_slice %arg3[%dma_start3A_123, %dma_start3A_124] : memref<1000000x32xf32, #tpu.memory_space<hbm>> -> memref<1000000x32xf32, #tpu.memory_space<hbm>>
    tpu.enqueue_indirect_dma source(%dma_start3A_125 : memref<1000000x32xf32, #tpu.memory_space<hbm>>) target(%dma_start3A_119 : memref<640x32xf32, #tpu.memory_space<vmem>>) offsets(%dma_start3A_122 : memref<640xi32, #tpu.memory_space<vmem>>) semaphore(%arg13 : memref<!tpu.dma_semaphore, #tpu.memory_space<semaphore_mem>>)
    %dma_wait3A_126 = arith.constant 0 : i32
    %dma_wait3A_127 = arith.constant 0 : i32
    %dma_wait3A_128 = arith.constant 0 : i32
    %dma_wait3A_129 = arith.constant 0 : i32
    %dma_wait3A_130 = arith.constant 0 : i32
    %dma_wait3A_131 = tpu.memref_slice %arg6[%dma_wait3A_128, %dma_wait3A_129, %dma_wait3A_130] : memref<3x640x32xf32, #tpu.memory_space<vmem>> -> memref<1x640x32xf32, #tpu.memory_space<vmem>>
    %dma_wait3A_132 = tpu.memref_squeeze %dma_wait3A_131 : memref<1x640x32xf32, #tpu.memory_space<vmem>> -> memref<640x32xf32, #tpu.memory_space<vmem>>
    %dma_wait3A_133 = arith.constant 0 : i32
    %dma_wait3A_134 = tpu.memref_slice %arg5[%dma_wait3A_126, %dma_wait3A_127, %dma_wait3A_133] : memref<3x1x640xi32, #tpu.memory_space<vmem>> -> memref<1x1x640xi32, #tpu.memory_space<vmem>>
    %dma_wait3A_135 = tpu.memref_squeeze %dma_wait3A_134 : memref<1x1x640xi32, #tpu.memory_space<vmem>> -> memref<640xi32, #tpu.memory_space<vmem>>
    %dma_wait3A_136 = arith.constant 0 : i32
    %dma_wait3A_137 = arith.constant 0 : i32
    %dma_wait3A_138 = tpu.memref_slice %arg3[%dma_wait3A_136, %dma_wait3A_137] : memref<1000000x32xf32, #tpu.memory_space<hbm>> -> memref<1000000x32xf32, #tpu.memory_space<hbm>>
    tpu.wait_indirect_dma semaphore(%arg11 : memref<!tpu.dma_semaphore, #tpu.memory_space<semaphore_mem>>) src(%dma_wait3A_138 : memref<1000000x32xf32, #tpu.memory_space<hbm>>) dst(%dma_wait3A_132 : memref<640x32xf32, #tpu.memory_space<vmem>>)
    %add3A_139 = arith.constant 3 : i32
    %add3A_140 = arith.addi %mul3A_4, %add3A_139 : i32
    %dma_start3A_141 = arith.constant 0 : i32
    %dma_start3A_142 = arith.constant 0 : i32
    %dma_start3A_143 = arith.constant 0 : i32
    %dma_start3A_144 = tpu.memref_slice %arg5[%dma_start3A_141, %dma_start3A_142, %dma_start3A_143] : memref<3x1x640xi32, #tpu.memory_space<vmem>> -> memref<1x1x640xi32, #tpu.memory_space<vmem>>
    %dma_start3A_145 = tpu.memref_squeeze %dma_start3A_144 : memref<1x1x640xi32, #tpu.memory_space<vmem>> -> memref<1x640xi32, #tpu.memory_space<vmem>>
    %dma_start3A_146 = arith.constant 0 : i32
    %dma_start3A_147 = tpu.memref_slice %arg2[%add3A_140, %dma_start3A_146] : memref<5120x640xi32, #tpu.memory_space<hbm>> -> memref<1x640xi32, #tpu.memory_space<hbm>>
    %dma_start3A_148 = arith.constant 0 : i32
    %dma_start3A_149 = arith.constant 0 : i32
    %dma_start3A_150 = tpu.memref_slice %arg5[%dma_start3A_141, %dma_start3A_148, %dma_start3A_149] : memref<3x1x640xi32, #tpu.memory_space<vmem>> -> memref<1x1x640xi32, #tpu.memory_space<vmem>>
    %dma_start3A_151 = tpu.memref_squeeze %dma_start3A_150 : memref<1x1x640xi32, #tpu.memory_space<vmem>> -> memref<1x640xi32, #tpu.memory_space<vmem>>
    %dma_start3A_152 = arith.constant 0 : i32
    %dma_start3A_153 = tpu.memref_slice %arg2[%add3A_140, %dma_start3A_152] : memref<5120x640xi32, #tpu.memory_space<hbm>> -> memref<1x640xi32, #tpu.memory_space<hbm>>
    tpu.enqueue_dma source(%dma_start3A_153 : memref<1x640xi32, #tpu.memory_space<hbm>>) target(%dma_start3A_151 : memref<1x640xi32, #tpu.memory_space<vmem>>) target_semaphore(%arg8 : memref<!tpu.dma_semaphore, #tpu.memory_space<semaphore_mem>>)
    %scan3A = arith.constant 0 : i32
    %scan3A_154 = arith.constant 160 : i32
    %scan3A_155 = arith.addi %scan3A, %scan3A_154 : i32
    %scan3A_156 = arith.constant 1 : i32
    scf.for %scan3A_630 = %scan3A to %scan3A_155 step %scan3A_156  : i32 {
      %mul3A_631 = arith.constant 4 : i32
      %mul3A_632 = arith.muli %scan3A_630, %mul3A_631 : i32
      %add3A_633 = arith.constant 0 : i32
      %add3A_634 = arith.addi %add3A_633, %mul3A_632 : i32
      %add3A_635 = arith.constant 0 : i32
      %add3A_636 = arith.addi %add3A_634, %add3A_635 : i32
      %get3A = arith.constant 0 : i32
      %get3A_637 = arith.index_cast %get3A : i32 to index
      %get3A_638 = arith.index_cast %add3A_636 : i32 to index
      %get3A_639 = arith.constant 0 : index
      %get3A_640 = tpu.vector_load %arg6[%get3A_637, %get3A_638, %get3A_639] {strides = array<i32>} : memref<3x640x32xf32, #tpu.memory_space<vmem>>, vector<1x1x16xf32>,
      %get3A_641 = vector.shape_cast %get3A_640 : vector<1x1x16xf32> to vector<16xf32>
      %mul3A_642 = arith.constant 5.65685415 : f32
      %mul3A_643 = vector.broadcast %mul3A_642 : f32 to vector<16xf32>
      %mul3A_644 = arith.mulf %get3A_641, %mul3A_643 : vector<16xf32>
      %add3A_645 = arith.constant 0 : i32
      %add3A_646 = arith.addi %add3A_634, %add3A_645 : i32
      %swap3A = arith.constant 0 : i32
      %swap3A_647 = arith.index_cast %swap3A : i32 to index
      %swap3A_648 = arith.index_cast %add3A_646 : i32 to index
      %swap3A_649 = arith.constant 0 : index
      %swap3A_650 = tpu.vector_load %arg7[%swap3A_647, %swap3A_648, %swap3A_649] {strides = array<i32>} : memref<3x640x32xf32, #tpu.memory_space<vmem>>, vector<1x1x16xf32>,
      %swap3A_651 = vector.shape_cast %swap3A_650 : vector<1x1x16xf32> to vector<16xf32>
      %swap3A_652 = vector.shape_cast %mul3A_644 : vector<16xf32> to vector<1x1x16xf32>
      tpu.vector_store %arg7[%swap3A_647, %swap3A_648, %swap3A_649], %swap3A_652 {strides = array<i32>} : memref<3x640x32xf32, #tpu.memory_space<vmem>>, vector<1x1x16xf32>,
      %add3A_653 = arith.constant 0 : i32
      %add3A_654 = arith.addi %add3A_634, %add3A_653 : i32
      %get3A_655 = arith.constant 0 : i32
      %get3A_656 = arith.index_cast %get3A_655 : i32 to index
      %get3A_657 = arith.index_cast %add3A_654 : i32 to index
      %get3A_658 = arith.constant 16 : index
      %get3A_659 = tpu.vector_load %arg6[%get3A_656, %get3A_657, %get3A_658] {strides = array<i32>} : memref<3x640x32xf32, #tpu.memory_space<vmem>>, vector<1x1x16xf32>,
      %get3A_660 = vector.shape_cast %get3A_659 : vector<1x1x16xf32> to vector<16xf32>
      %mul3A_661 = arith.constant 5.65685415 : f32
      %mul3A_662 = vector.broadcast %mul3A_661 : f32 to vector<16xf32>
      %mul3A_663 = arith.mulf %get3A_660, %mul3A_662 : vector<16xf32>
      %add3A_664 = arith.constant 0 : i32
      %add3A_665 = arith.addi %add3A_634, %add3A_664 : i32
      %swap3A_666 = arith.constant 0 : i32
      %swap3A_667 = arith.index_cast %swap3A_666 : i32 to index
      %swap3A_668 = arith.index_cast %add3A_665 : i32 to index
      %swap3A_669 = arith.constant 16 : index
      %swap3A_670 = tpu.vector_load %arg7[%swap3A_667, %swap3A_668, %swap3A_669] {strides = array<i32>} : memref<3x640x32xf32, #tpu.memory_space<vmem>>, vector<1x1x16xf32>,
      %swap3A_671 = vector.shape_cast %swap3A_670 : vector<1x1x16xf32> to vector<16xf32>
      %swap3A_672 = vector.shape_cast %mul3A_663 : vector<16xf32> to vector<1x1x16xf32>
      tpu.vector_store %arg7[%swap3A_667, %swap3A_668, %swap3A_669], %swap3A_672 {strides = array<i32>} : memref<3x640x32xf32, #tpu.memory_space<vmem>>, vector<1x1x16xf32>,
      %add3A_673 = arith.constant 1 : i32
      %add3A_674 = arith.addi %add3A_634, %add3A_673 : i32
      %get3A_675 = arith.constant 0 : i32
      %get3A_676 = arith.index_cast %get3A_675 : i32 to index
      %get3A_677 = arith.index_cast %add3A_674 : i32 to index
      %get3A_678 = arith.constant 0 : index
      %get3A_679 = tpu.vector_load %arg6[%get3A_676, %get3A_677, %get3A_678] {strides = array<i32>} : memref<3x640x32xf32, #tpu.memory_space<vmem>>, vector<1x1x16xf32>,
      %get3A_680 = vector.shape_cast %get3A_679 : vector<1x1x16xf32> to vector<16xf32>
      %mul3A_681 = arith.constant 5.65685415 : f32
      %mul3A_682 = vector.broadcast %mul3A_681 : f32 to vector<16xf32>
      %mul3A_683 = arith.mulf %get3A_680, %mul3A_682 : vector<16xf32>
      %add3A_684 = arith.constant 1 : i32
      %add3A_685 = arith.addi %add3A_634, %add3A_684 : i32
      %swap3A_686 = arith.constant 0 : i32
      %swap3A_687 = arith.index_cast %swap3A_686 : i32 to index
      %swap3A_688 = arith.index_cast %add3A_685 : i32 to index
      %swap3A_689 = arith.constant 0 : index
      %swap3A_690 = tpu.vector_load %arg7[%swap3A_687, %swap3A_688, %swap3A_689] {strides = array<i32>} : memref<3x640x32xf32, #tpu.memory_space<vmem>>, vector<1x1x16xf32>,
      %swap3A_691 = vector.shape_cast %swap3A_690 : vector<1x1x16xf32> to vector<16xf32>
      %swap3A_692 = vector.shape_cast %mul3A_683 : vector<16xf32> to vector<1x1x16xf32>
      tpu.vector_store %arg7[%swap3A_687, %swap3A_688, %swap3A_689], %swap3A_692 {strides = array<i32>} : memref<3x640x32xf32, #tpu.memory_space<vmem>>, vector<1x1x16xf32>,
      %add3A_693 = arith.constant 1 : i32
      %add3A_694 = arith.addi %add3A_634, %add3A_693 : i32
      %get3A_695 = arith.constant 0 : i32
      %get3A_696 = arith.index_cast %get3A_695 : i32 to index
      %get3A_697 = arith.index_cast %add3A_694 : i32 to index
      %get3A_698 = arith.constant 16 : index
      %get3A_699 = tpu.vector_load %arg6[%get3A_696, %get3A_697, %get3A_698] {strides = array<i32>} : memref<3x640x32xf32, #tpu.memory_space<vmem>>, vector<1x1x16xf32>,
      %get3A_700 = vector.shape_cast %get3A_699 : vector<1x1x16xf32> to vector<16xf32>
      %mul3A_701 = arith.constant 5.65685415 : f32
      %mul3A_702 = vector.broadcast %mul3A_701 : f32 to vector<16xf32>
      %mul3A_703 = arith.mulf %get3A_700, %mul3A_702 : vector<16xf32>
      %add3A_704 = arith.constant 1 : i32
      %add3A_705 = arith.addi %add3A_634, %add3A_704 : i32
      %swap3A_706 = arith.constant 0 : i32
      %swap3A_707 = arith.index_cast %swap3A_706 : i32 to index
      %swap3A_708 = arith.index_cast %add3A_705 : i32 to index
      %swap3A_709 = arith.constant 16 : index
      %swap3A_710 = tpu.vector_load %arg7[%swap3A_707, %swap3A_708, %swap3A_709] {strides = array<i32>} : memref<3x640x32xf32, #tpu.memory_space<vmem>>, vector<1x1x16xf32>,
      %swap3A_711 = vector.shape_cast %swap3A_710 : vector<1x1x16xf32> to vector<16xf32>
      %swap3A_712 = vector.shape_cast %mul3A_703 : vector<16xf32> to vector<1x1x16xf32>
      tpu.vector_store %arg7[%swap3A_707, %swap3A_708, %swap3A_709], %swap3A_712 {strides = array<i32>} : memref<3x640x32xf32, #tpu.memory_space<vmem>>, vector<1x1x16xf32>,
      %add3A_713 = arith.constant 2 : i32
      %add3A_714 = arith.addi %add3A_634, %add3A_713 : i32
      %get3A_715 = arith.constant 0 : i32
      %get3A_716 = arith.index_cast %get3A_715 : i32 to index
      %get3A_717 = arith.index_cast %add3A_714 : i32 to index
      %get3A_718 = arith.constant 0 : index
      %get3A_719 = tpu.vector_load %arg6[%get3A_716, %get3A_717, %get3A_718] {strides = array<i32>} : memref<3x640x32xf32, #tpu.memory_space<vmem>>, vector<1x1x16xf32>,
      %get3A_720 = vector.shape_cast %get3A_719 : vector<1x1x16xf32> to vector<16xf32>
      %mul3A_721 = arith.constant 5.65685415 : f32
      %mul3A_722 = vector.broadcast %mul3A_721 : f32 to vector<16xf32>
      %mul3A_723 = arith.mulf %get3A_720, %mul3A_722 : vector<16xf32>
      %add3A_724 = arith.constant 2 : i32
      %add3A_725 = arith.addi %add3A_634, %add3A_724 : i32
      %swap3A_726 = arith.constant 0 : i32
      %swap3A_727 = arith.index_cast %swap3A_726 : i32 to index
      %swap3A_728 = arith.index_cast %add3A_725 : i32 to index
      %swap3A_729 = arith.constant 0 : index
      %swap3A_730 = tpu.vector_load %arg7[%swap3A_727, %swap3A_728, %swap3A_729] {strides = array<i32>} : memref<3x640x32xf32, #tpu.memory_space<vmem>>, vector<1x1x16xf32>,
      %swap3A_731 = vector.shape_cast %swap3A_730 : vector<1x1x16xf32> to vector<16xf32>
      %swap3A_732 = vector.shape_cast %mul3A_723 : vector<16xf32> to vector<1x1x16xf32>
      tpu.vector_store %arg7[%swap3A_727, %swap3A_728, %swap3A_729], %swap3A_732 {strides = array<i32>} : memref<3x640x32xf32, #tpu.memory_space<vmem>>, vector<1x1x16xf32>,
      %add3A_733 = arith.constant 2 : i32
      %add3A_734 = arith.addi %add3A_634, %add3A_733 : i32
      %get3A_735 = arith.constant 0 : i32
      %get3A_736 = arith.index_cast %get3A_735 : i32 to index
      %get3A_737 = arith.index_cast %add3A_734 : i32 to index
      %get3A_738 = arith.constant 16 : index
      %get3A_739 = tpu.vector_load %arg6[%get3A_736, %get3A_737, %get3A_738] {strides = array<i32>} : memref<3x640x32xf32, #tpu.memory_space<vmem>>, vector<1x1x16xf32>,
      %get3A_740 = vector.shape_cast %get3A_739 : vector<1x1x16xf32> to vector<16xf32>
      %mul3A_741 = arith.constant 5.65685415 : f32
      %mul3A_742 = vector.broadcast %mul3A_741 : f32 to vector<16xf32>
      %mul3A_743 = arith.mulf %get3A_740, %mul3A_742 : vector<16xf32>
      %add3A_744 = arith.constant 2 : i32
      %add3A_745 = arith.addi %add3A_634, %add3A_744 : i32
      %swap3A_746 = arith.constant 0 : i32
      %swap3A_747 = arith.index_cast %swap3A_746 : i32 to index
      %swap3A_748 = arith.index_cast %add3A_745 : i32 to index
      %swap3A_749 = arith.constant 16 : index
      %swap3A_750 = tpu.vector_load %arg7[%swap3A_747, %swap3A_748, %swap3A_749] {strides = array<i32>} : memref<3x640x32xf32, #tpu.memory_space<vmem>>, vector<1x1x16xf32>,
      %swap3A_751 = vector.shape_cast %swap3A_750 : vector<1x1x16xf32> to vector<16xf32>
      %swap3A_752 = vector.shape_cast %mul3A_743 : vector<16xf32> to vector<1x1x16xf32>
      tpu.vector_store %arg7[%swap3A_747, %swap3A_748, %swap3A_749], %swap3A_752 {strides = array<i32>} : memref<3x640x32xf32, #tpu.memory_space<vmem>>, vector<1x1x16xf32>,
      %add3A_753 = arith.constant 3 : i32
      %add3A_754 = arith.addi %add3A_634, %add3A_753 : i32
      %get3A_755 = arith.constant 0 : i32
      %get3A_756 = arith.index_cast %get3A_755 : i32 to index
      %get3A_757 = arith.index_cast %add3A_754 : i32 to index
      %get3A_758 = arith.constant 0 : index
      %get3A_759 = tpu.vector_load %arg6[%get3A_756, %get3A_757, %get3A_758] {strides = array<i32>} : memref<3x640x32xf32, #tpu.memory_space<vmem>>, vector<1x1x16xf32>,
      %get3A_760 = vector.shape_cast %get3A_759 : vector<1x1x16xf32> to vector<16xf32>
      %mul3A_761 = arith.constant 5.65685415 : f32
      %mul3A_762 = vector.broadcast %mul3A_761 : f32 to vector<16xf32>
      %mul3A_763 = arith.mulf %get3A_760, %mul3A_762 : vector<16xf32>
      %add3A_764 = arith.constant 3 : i32
      %add3A_765 = arith.addi %add3A_634, %add3A_764 : i32
      %swap3A_766 = arith.constant 0 : i32
      %swap3A_767 = arith.index_cast %swap3A_766 : i32 to index
      %swap3A_768 = arith.index_cast %add3A_765 : i32 to index
      %swap3A_769 = arith.constant 0 : index
      %swap3A_770 = tpu.vector_load %arg7[%swap3A_767, %swap3A_768, %swap3A_769] {strides = array<i32>} : memref<3x640x32xf32, #tpu.memory_space<vmem>>, vector<1x1x16xf32>,
      %swap3A_771 = vector.shape_cast %swap3A_770 : vector<1x1x16xf32> to vector<16xf32>
      %swap3A_772 = vector.shape_cast %mul3A_763 : vector<16xf32> to vector<1x1x16xf32>
      tpu.vector_store %arg7[%swap3A_767, %swap3A_768, %swap3A_769], %swap3A_772 {strides = array<i32>} : memref<3x640x32xf32, #tpu.memory_space<vmem>>, vector<1x1x16xf32>,
      %add3A_773 = arith.constant 3 : i32
      %add3A_774 = arith.addi %add3A_634, %add3A_773 : i32
      %get3A_775 = arith.constant 0 : i32
      %get3A_776 = arith.index_cast %get3A_775 : i32 to index
      %get3A_777 = arith.index_cast %add3A_774 : i32 to index
      %get3A_778 = arith.constant 16 : index
      %get3A_779 = tpu.vector_load %arg6[%get3A_776, %get3A_777, %get3A_778] {strides = array<i32>} : memref<3x640x32xf32, #tpu.memory_space<vmem>>, vector<1x1x16xf32>,
      %get3A_780 = vector.shape_cast %get3A_779 : vector<1x1x16xf32> to vector<16xf32>
      %mul3A_781 = arith.constant 5.65685415 : f32
      %mul3A_782 = vector.broadcast %mul3A_781 : f32 to vector<16xf32>
      %mul3A_783 = arith.mulf %get3A_780, %mul3A_782 : vector<16xf32>
      %add3A_784 = arith.constant 3 : i32
      %add3A_785 = arith.addi %add3A_634, %add3A_784 : i32
      %swap3A_786 = arith.constant 0 : i32
      %swap3A_787 = arith.index_cast %swap3A_786 : i32 to index
      %swap3A_788 = arith.index_cast %add3A_785 : i32 to index
      %swap3A_789 = arith.constant 16 : index
      %swap3A_790 = tpu.vector_load %arg7[%swap3A_787, %swap3A_788, %swap3A_789] {strides = array<i32>} : memref<3x640x32xf32, #tpu.memory_space<vmem>>, vector<1x1x16xf32>,
      %swap3A_791 = vector.shape_cast %swap3A_790 : vector<1x1x16xf32> to vector<16xf32>
      %swap3A_792 = vector.shape_cast %mul3A_783 : vector<16xf32> to vector<1x1x16xf32>
      tpu.vector_store %arg7[%swap3A_787, %swap3A_788, %swap3A_789], %swap3A_792 {strides = array<i32>} : memref<3x640x32xf32, #tpu.memory_space<vmem>>, vector<1x1x16xf32>,
    }
    %scan3A_157 = arith.constant 160 : i32
    %dma_wait3A_158 = arith.constant 0 : i32
    %dma_wait3A_159 = arith.constant 0 : i32
    %dma_wait3A_160 = arith.constant 0 : i32
    %dma_wait3A_161 = tpu.memref_slice %arg5[%dma_wait3A_158, %dma_wait3A_159, %dma_wait3A_160] : memref<3x1x640xi32, #tpu.memory_space<vmem>> -> memref<1x1x640xi32, #tpu.memory_space<vmem>>
    %dma_wait3A_162 = tpu.memref_squeeze %dma_wait3A_161 : memref<1x1x640xi32, #tpu.memory_space<vmem>> -> memref<1x640xi32, #tpu.memory_space<vmem>>
    %dma_wait3A_163 = arith.constant 0 : i32
    %dma_wait3A_164 = tpu.memref_slice %arg2[%add3A_140, %dma_wait3A_163] : memref<5120x640xi32, #tpu.memory_space<hbm>> -> memref<1x640xi32, #tpu.memory_space<hbm>>
    %dma_wait3A_165 = arith.constant 0 : i32
    %dma_wait3A_166 = arith.constant 0 : i32
    %dma_wait3A_167 = tpu.memref_slice %arg5[%dma_wait3A_158, %dma_wait3A_165, %dma_wait3A_166] : memref<3x1x640xi32, #tpu.memory_space<vmem>> -> memref<1x1x640xi32, #tpu.memory_space<vmem>>
    %dma_wait3A_168 = tpu.memref_squeeze %dma_wait3A_167 : memref<1x1x640xi32, #tpu.memory_space<vmem>> -> memref<1x640xi32, #tpu.memory_space<vmem>>
    %dma_wait3A_169 = arith.constant 0 : i32
    %dma_wait3A_170 = tpu.memref_slice %arg2[%add3A_140, %dma_wait3A_169] : memref<5120x640xi32, #tpu.memory_space<hbm>> -> memref<1x640xi32, #tpu.memory_space<hbm>>
    tpu.wait_dma2 semaphore(%arg8 : memref<!tpu.dma_semaphore, #tpu.memory_space<semaphore_mem>>) src(%dma_wait3A_170 : memref<1x640xi32, #tpu.memory_space<hbm>>) dst(%dma_wait3A_168 : memref<1x640xi32, #tpu.memory_space<vmem>>)
    %dma_start3A_171 = arith.constant 0 : i32
    %dma_start3A_172 = arith.constant 0 : i32
    %dma_start3A_173 = arith.constant 0 : i32
    %dma_start3A_174 = arith.constant 0 : i32
    %dma_start3A_175 = arith.constant 0 : i32
    %dma_start3A_176 = tpu.memref_slice %arg6[%dma_start3A_173, %dma_start3A_174, %dma_start3A_175] : memref<3x640x32xf32, #tpu.memory_space<vmem>> -> memref<1x640x32xf32, #tpu.memory_space<vmem>>
    %dma_start3A_177 = tpu.memref_squeeze %dma_start3A_176 : memref<1x640x32xf32, #tpu.memory_space<vmem>> -> memref<640x32xf32, #tpu.memory_space<vmem>>
    %dma_start3A_178 = arith.constant 0 : i32
    %dma_start3A_179 = tpu.memref_slice %arg5[%dma_start3A_171, %dma_start3A_172, %dma_start3A_178] : memref<3x1x640xi32, #tpu.memory_space<vmem>> -> memref<1x1x640xi32, #tpu.memory_space<vmem>>
    %dma_start3A_180 = tpu.memref_squeeze %dma_start3A_179 : memref<1x1x640xi32, #tpu.memory_space<vmem>> -> memref<640xi32, #tpu.memory_space<vmem>>
    %dma_start3A_181 = arith.constant 0 : i32
    %dma_start3A_182 = arith.constant 0 : i32
    %dma_start3A_183 = tpu.memref_slice %arg3[%dma_start3A_181, %dma_start3A_182] : memref<1000000x32xf32, #tpu.memory_space<hbm>> -> memref<1000000x32xf32, #tpu.memory_space<hbm>>
    tpu.enqueue_indirect_dma source(%dma_start3A_183 : memref<1000000x32xf32, #tpu.memory_space<hbm>>) target(%dma_start3A_177 : memref<640x32xf32, #tpu.memory_space<vmem>>) offsets(%dma_start3A_180 : memref<640xi32, #tpu.memory_space<vmem>>) semaphore(%arg11 : memref<!tpu.dma_semaphore, #tpu.memory_space<semaphore_mem>>)
    %add3A_184 = arith.constant 0 : i32
    %add3A_185 = arith.addi %mul3A_2, %add3A_184 : i32
    %dma_start3A_186 = arith.constant 0 : i32
    %dma_start3A_187 = arith.constant 0 : i32
    %dma_start3A_188 = arith.constant 0 : i32
    %dma_start3A_189 = tpu.memref_slice %arg7[%dma_start3A_186, %dma_start3A_187, %dma_start3A_188] : memref<3x640x32xf32, #tpu.memory_space<vmem>> -> memref<1x640x32xf32, #tpu.memory_space<vmem>>
    %dma_start3A_190 = tpu.memref_squeeze %dma_start3A_189 : memref<1x640x32xf32, #tpu.memory_space<vmem>> -> memref<640x32xf32, #tpu.memory_space<vmem>>
    %dma_start3A_191 = arith.constant 0 : i32
    %dma_start3A_192 = tpu.memref_slice %arg4[%add3A_185, %dma_start3A_191] : memref<3276800x32xf32, #tpu.memory_space<hbm>> -> memref<640x32xf32, #tpu.memory_space<hbm>>
    %dma_start3A_193 = arith.constant 0 : i32
    %dma_start3A_194 = tpu.memref_slice %arg4[%add3A_185, %dma_start3A_193] : memref<3276800x32xf32, #tpu.memory_space<hbm>> -> memref<640x32xf32, #tpu.memory_space<hbm>>
    %dma_start3A_195 = arith.constant 0 : i32
    %dma_start3A_196 = arith.constant 0 : i32
    %dma_start3A_197 = tpu.memref_slice %arg7[%dma_start3A_186, %dma_start3A_195, %dma_start3A_196] : memref<3x640x32xf32, #tpu.memory_space<vmem>> -> memref<1x640x32xf32, #tpu.memory_space<vmem>>
    %dma_start3A_198 = tpu.memref_squeeze %dma_start3A_197 : memref<1x640x32xf32, #tpu.memory_space<vmem>> -> memref<640x32xf32, #tpu.memory_space<vmem>>
    tpu.enqueue_dma source(%dma_start3A_198 : memref<640x32xf32, #tpu.memory_space<vmem>>) target(%dma_start3A_194 : memref<640x32xf32, #tpu.memory_space<hbm>>) target_semaphore(%arg14 : memref<!tpu.dma_semaphore, #tpu.memory_space<semaphore_mem>>)
    %dma_wait3A_199 = arith.constant 1 : i32
    %dma_wait3A_200 = arith.constant 0 : i32
    %dma_wait3A_201 = arith.constant 1 : i32
    %dma_wait3A_202 = arith.constant 0 : i32
    %dma_wait3A_203 = arith.constant 0 : i32
    %dma_wait3A_204 = tpu.memref_slice %arg6[%dma_wait3A_201, %dma_wait3A_202, %dma_wait3A_203] : memref<3x640x32xf32, #tpu.memory_space<vmem>> -> memref<1x640x32xf32, #tpu.memory_space<vmem>>
    %dma_wait3A_205 = tpu.memref_squeeze %dma_wait3A_204 : memref<1x640x32xf32, #tpu.memory_space<vmem>> -> memref<640x32xf32, #tpu.memory_space<vmem>>
    %dma_wait3A_206 = arith.constant 0 : i32
    %dma_wait3A_207 = tpu.memref_slice %arg5[%dma_wait3A_199, %dma_wait3A_200, %dma_wait3A_206] : memref<3x1x640xi32, #tpu.memory_space<vmem>> -> memref<1x1x640xi32, #tpu.memory_space<vmem>>
    %dma_wait3A_208 = tpu.memref_squeeze %dma_wait3A_207 : memref<1x1x640xi32, #tpu.memory_space<vmem>> -> memref<640xi32, #tpu.memory_space<vmem>>
    %dma_wait3A_209 = arith.constant 0 : i32
    %dma_wait3A_210 = arith.constant 0 : i32
    %dma_wait3A_211 = tpu.memref_slice %arg3[%dma_wait3A_209, %dma_wait3A_210] : memref<1000000x32xf32, #tpu.memory_space<hbm>> -> memref<1000000x32xf32, #tpu.memory_space<hbm>>
    tpu.wait_indirect_dma semaphore(%arg12 : memref<!tpu.dma_semaphore, #tpu.memory_space<semaphore_mem>>) src(%dma_wait3A_211 : memref<1000000x32xf32, #tpu.memory_space<hbm>>) dst(%dma_wait3A_205 : memref<640x32xf32, #tpu.memory_space<vmem>>)
    %add3A_212 = arith.constant 4 : i32
    %add3A_213 = arith.addi %mul3A_4, %add3A_212 : i32
    %dma_start3A_214 = arith.constant 1 : i32
    %dma_start3A_215 = arith.constant 0 : i32
    %dma_start3A_216 = arith.constant 0 : i32
    %dma_start3A_217 = tpu.memref_slice %arg5[%dma_start3A_214, %dma_start3A_215, %dma_start3A_216] : memref<3x1x640xi32, #tpu.memory_space<vmem>> -> memref<1x1x640xi32, #tpu.memory_space<vmem>>
    %dma_start3A_218 = tpu.memref_squeeze %dma_start3A_217 : memref<1x1x640xi32, #tpu.memory_space<vmem>> -> memref<1x640xi32, #tpu.memory_space<vmem>>
    %dma_start3A_219 = arith.constant 0 : i32
    %dma_start3A_220 = tpu.memref_slice %arg2[%add3A_213, %dma_start3A_219] : memref<5120x640xi32, #tpu.memory_space<hbm>> -> memref<1x640xi32, #tpu.memory_space<hbm>>
    %dma_start3A_221 = arith.constant 0 : i32
    %dma_start3A_222 = arith.constant 0 : i32
    %dma_start3A_223 = tpu.memref_slice %arg5[%dma_start3A_214, %dma_start3A_221, %dma_start3A_222] : memref<3x1x640xi32, #tpu.memory_space<vmem>> -> memref<1x1x640xi32, #tpu.memory_space<vmem>>
    %dma_start3A_224 = tpu.memref_squeeze %dma_start3A_223 : memref<1x1x640xi32, #tpu.memory_space<vmem>> -> memref<1x640xi32, #tpu.memory_space<vmem>>
    %dma_start3A_225 = arith.constant 0 : i32
    %dma_start3A_226 = tpu.memref_slice %arg2[%add3A_213, %dma_start3A_225] : memref<5120x640xi32, #tpu.memory_space<hbm>> -> memref<1x640xi32, #tpu.memory_space<hbm>>
    tpu.enqueue_dma source(%dma_start3A_226 : memref<1x640xi32, #tpu.memory_space<hbm>>) target(%dma_start3A_224 : memref<1x640xi32, #tpu.memory_space<vmem>>) target_semaphore(%arg9 : memref<!tpu.dma_semaphore, #tpu.memory_space<semaphore_mem>>)
    %scan3A_227 = arith.constant 0 : i32
    %scan3A_228 = arith.constant 160 : i32
    %scan3A_229 = arith.addi %scan3A_227, %scan3A_228 : i32
    %scan3A_230 = arith.constant 1 : i32
    scf.for %scan3A_630 = %scan3A_227 to %scan3A_229 step %scan3A_230  : i32 {
      %mul3A_631 = arith.constant 4 : i32
      %mul3A_632 = arith.muli %scan3A_630, %mul3A_631 : i32
      %add3A_633 = arith.constant 0 : i32
      %add3A_634 = arith.addi %add3A_633, %mul3A_632 : i32
      %add3A_635 = arith.constant 0 : i32
      %add3A_636 = arith.addi %add3A_634, %add3A_635 : i32
      %get3A = arith.constant 1 : i32
      %get3A_637 = arith.index_cast %get3A : i32 to index
      %get3A_638 = arith.index_cast %add3A_636 : i32 to index
      %get3A_639 = arith.constant 0 : index
      %get3A_640 = tpu.vector_load %arg6[%get3A_637, %get3A_638, %get3A_639] {strides = array<i32>} : memref<3x640x32xf32, #tpu.memory_space<vmem>>, vector<1x1x16xf32>,
      %get3A_641 = vector.shape_cast %get3A_640 : vector<1x1x16xf32> to vector<16xf32>
      %mul3A_642 = arith.constant 5.65685415 : f32
      %mul3A_643 = vector.broadcast %mul3A_642 : f32 to vector<16xf32>
      %mul3A_644 = arith.mulf %get3A_641, %mul3A_643 : vector<16xf32>
      %add3A_645 = arith.constant 0 : i32
      %add3A_646 = arith.addi %add3A_634, %add3A_645 : i32
      %swap3A = arith.constant 1 : i32
      %swap3A_647 = arith.index_cast %swap3A : i32 to index
      %swap3A_648 = arith.index_cast %add3A_646 : i32 to index
      %swap3A_649 = arith.constant 0 : index
      %swap3A_650 = tpu.vector_load %arg7[%swap3A_647, %swap3A_648, %swap3A_649] {strides = array<i32>} : memref<3x640x32xf32, #tpu.memory_space<vmem>>, vector<1x1x16xf32>,
      %swap3A_651 = vector.shape_cast %swap3A_650 : vector<1x1x16xf32> to vector<16xf32>
      %swap3A_652 = vector.shape_cast %mul3A_644 : vector<16xf32> to vector<1x1x16xf32>
      tpu.vector_store %arg7[%swap3A_647, %swap3A_648, %swap3A_649], %swap3A_652 {strides = array<i32>} : memref<3x640x32xf32, #tpu.memory_space<vmem>>, vector<1x1x16xf32>,
      %add3A_653 = arith.constant 0 : i32
      %add3A_654 = arith.addi %add3A_634, %add3A_653 : i32
      %get3A_655 = arith.constant 1 : i32
      %get3A_656 = arith.index_cast %get3A_655 : i32 to index
      %get3A_657 = arith.index_cast %add3A_654 : i32 to index
      %get3A_658 = arith.constant 16 : index
      %get3A_659 = tpu.vector_load %arg6[%get3A_656, %get3A_657, %get3A_658] {strides = array<i32>} : memref<3x640x32xf32, #tpu.memory_space<vmem>>, vector<1x1x16xf32>,
      %get3A_660 = vector.shape_cast %get3A_659 : vector<1x1x16xf32> to vector<16xf32>
      %mul3A_661 = arith.constant 5.65685415 : f32
      %mul3A_662 = vector.broadcast %mul3A_661 : f32 to vector<16xf32>
      %mul3A_663 = arith.mulf %get3A_660, %mul3A_662 : vector<16xf32>
      %add3A_664 = arith.constant 0 : i32
      %add3A_665 = arith.addi %add3A_634, %add3A_664 : i32
      %swap3A_666 = arith.constant 1 : i32
      %swap3A_667 = arith.index_cast %swap3A_666 : i32 to index
      %swap3A_668 = arith.index_cast %add3A_665 : i32 to index
      %swap3A_669 = arith.constant 16 : index
      %swap3A_670 = tpu.vector_load %arg7[%swap3A_667, %swap3A_668, %swap3A_669] {strides = array<i32>} : memref<3x640x32xf32, #tpu.memory_space<vmem>>, vector<1x1x16xf32>,
      %swap3A_671 = vector.shape_cast %swap3A_670 : vector<1x1x16xf32> to vector<16xf32>
      %swap3A_672 = vector.shape_cast %mul3A_663 : vector<16xf32> to vector<1x1x16xf32>
      tpu.vector_store %arg7[%swap3A_667, %swap3A_668, %swap3A_669], %swap3A_672 {strides = array<i32>} : memref<3x640x32xf32, #tpu.memory_space<vmem>>, vector<1x1x16xf32>,
      %add3A_673 = arith.constant 1 : i32
      %add3A_674 = arith.addi %add3A_634, %add3A_673 : i32
      %get3A_675 = arith.constant 1 : i32
      %get3A_676 = arith.index_cast %get3A_675 : i32 to index
      %get3A_677 = arith.index_cast %add3A_674 : i32 to index
      %get3A_678 = arith.constant 0 : index
      %get3A_679 = tpu.vector_load %arg6[%get3A_676, %get3A_677, %get3A_678] {strides = array<i32>} : memref<3x640x32xf32, #tpu.memory_space<vmem>>, vector<1x1x16xf32>,
      %get3A_680 = vector.shape_cast %get3A_679 : vector<1x1x16xf32> to vector<16xf32>
      %mul3A_681 = arith.constant 5.65685415 : f32
      %mul3A_682 = vector.broadcast %mul3A_681 : f32 to vector<16xf32>
      %mul3A_683 = arith.mulf %get3A_680, %mul3A_682 : vector<16xf32>
      %add3A_684 = arith.constant 1 : i32
      %add3A_685 = arith.addi %add3A_634, %add3A_684 : i32
      %swap3A_686 = arith.constant 1 : i32
      %swap3A_687 = arith.index_cast %swap3A_686 : i32 to index
      %swap3A_688 = arith.index_cast %add3A_685 : i32 to index
      %swap3A_689 = arith.constant 0 : index
      %swap3A_690 = tpu.vector_load %arg7[%swap3A_687, %swap3A_688, %swap3A_689] {strides = array<i32>} : memref<3x640x32xf32, #tpu.memory_space<vmem>>, vector<1x1x16xf32>,
      %swap3A_691 = vector.shape_cast %swap3A_690 : vector<1x1x16xf32> to vector<16xf32>
      %swap3A_692 = vector.shape_cast %mul3A_683 : vector<16xf32> to vector<1x1x16xf32>
      tpu.vector_store %arg7[%swap3A_687, %swap3A_688, %swap3A_689], %swap3A_692 {strides = array<i32>} : memref<3x640x32xf32, #tpu.memory_space<vmem>>, vector<1x1x16xf32>,
      %add3A_693 = arith.constant 1 : i32
      %add3A_694 = arith.addi %add3A_634, %add3A_693 : i32
      %get3A_695 = arith.constant 1 : i32
      %get3A_696 = arith.index_cast %get3A_695 : i32 to index
      %get3A_697 = arith.index_cast %add3A_694 : i32 to index
      %get3A_698 = arith.constant 16 : index
      %get3A_699 = tpu.vector_load %arg6[%get3A_696, %get3A_697, %get3A_698] {strides = array<i32>} : memref<3x640x32xf32, #tpu.memory_space<vmem>>, vector<1x1x16xf32>,
      %get3A_700 = vector.shape_cast %get3A_699 : vector<1x1x16xf32> to vector<16xf32>
      %mul3A_701 = arith.constant 5.65685415 : f32
      %mul3A_702 = vector.broadcast %mul3A_701 : f32 to vector<16xf32>
      %mul3A_703 = arith.mulf %get3A_700, %mul3A_702 : vector<16xf32>
      %add3A_704 = arith.constant 1 : i32
      %add3A_705 = arith.addi %add3A_634, %add3A_704 : i32
      %swap3A_706 = arith.constant 1 : i32
      %swap3A_707 = arith.index_cast %swap3A_706 : i32 to index
      %swap3A_708 = arith.index_cast %add3A_705 : i32 to index
      %swap3A_709 = arith.constant 16 : index
      %swap3A_710 = tpu.vector_load %arg7[%swap3A_707, %swap3A_708, %swap3A_709] {strides = array<i32>} : memref<3x640x32xf32, #tpu.memory_space<vmem>>, vector<1x1x16xf32>,
      %swap3A_711 = vector.shape_cast %swap3A_710 : vector<1x1x16xf32> to vector<16xf32>
      %swap3A_712 = vector.shape_cast %mul3A_703 : vector<16xf32> to vector<1x1x16xf32>
      tpu.vector_store %arg7[%swap3A_707, %swap3A_708, %swap3A_709], %swap3A_712 {strides = array<i32>} : memref<3x640x32xf32, #tpu.memory_space<vmem>>, vector<1x1x16xf32>,
      %add3A_713 = arith.constant 2 : i32
      %add3A_714 = arith.addi %add3A_634, %add3A_713 : i32
      %get3A_715 = arith.constant 1 : i32
      %get3A_716 = arith.index_cast %get3A_715 : i32 to index
      %get3A_717 = arith.index_cast %add3A_714 : i32 to index
      %get3A_718 = arith.constant 0 : index
      %get3A_719 = tpu.vector_load %arg6[%get3A_716, %get3A_717, %get3A_718] {strides = array<i32>} : memref<3x640x32xf32, #tpu.memory_space<vmem>>, vector<1x1x16xf32>,
      %get3A_720 = vector.shape_cast %get3A_719 : vector<1x1x16xf32> to vector<16xf32>
      %mul3A_721 = arith.constant 5.65685415 : f32
      %mul3A_722 = vector.broadcast %mul3A_721 : f32 to vector<16xf32>
      %mul3A_723 = arith.mulf %get3A_720, %mul3A_722 : vector<16xf32>
      %add3A_724 = arith.constant 2 : i32
      %add3A_725 = arith.addi %add3A_634, %add3A_724 : i32
      %swap3A_726 = arith.constant 1 : i32
      %swap3A_727 = arith.index_cast %swap3A_726 : i32 to index
      %swap3A_728 = arith.index_cast %add3A_725 : i32 to index
      %swap3A_729 = arith.constant 0 : index
      %swap3A_730 = tpu.vector_load %arg7[%swap3A_727, %swap3A_728, %swap3A_729] {strides = array<i32>} : memref<3x640x32xf32, #tpu.memory_space<vmem>>, vector<1x1x16xf32>,
      %swap3A_731 = vector.shape_cast %swap3A_730 : vector<1x1x16xf32> to vector<16xf32>
      %swap3A_732 = vector.shape_cast %mul3A_723 : vector<16xf32> to vector<1x1x16xf32>
      tpu.vector_store %arg7[%swap3A_727, %swap3A_728, %swap3A_729], %swap3A_732 {strides = array<i32>} : memref<3x640x32xf32, #tpu.memory_space<vmem>>, vector<1x1x16xf32>,
      %add3A_733 = arith.constant 2 : i32
      %add3A_734 = arith.addi %add3A_634, %add3A_733 : i32
      %get3A_735 = arith.constant 1 : i32
      %get3A_736 = arith.index_cast %get3A_735 : i32 to index
      %get3A_737 = arith.index_cast %add3A_734 : i32 to index
      %get3A_738 = arith.constant 16 : index
      %get3A_739 = tpu.vector_load %arg6[%get3A_736, %get3A_737, %get3A_738] {strides = array<i32>} : memref<3x640x32xf32, #tpu.memory_space<vmem>>, vector<1x1x16xf32>,
      %get3A_740 = vector.shape_cast %get3A_739 : vector<1x1x16xf32> to vector<16xf32>
      %mul3A_741 = arith.constant 5.65685415 : f32
      %mul3A_742 = vector.broadcast %mul3A_741 : f32 to vector<16xf32>
      %mul3A_743 = arith.mulf %get3A_740, %mul3A_742 : vector<16xf32>
      %add3A_744 = arith.constant 2 : i32
      %add3A_745 = arith.addi %add3A_634, %add3A_744 : i32
      %swap3A_746 = arith.constant 1 : i32
      %swap3A_747 = arith.index_cast %swap3A_746 : i32 to index
      %swap3A_748 = arith.index_cast %add3A_745 : i32 to index
      %swap3A_749 = arith.constant 16 : index
      %swap3A_750 = tpu.vector_load %arg7[%swap3A_747, %swap3A_748, %swap3A_749] {strides = array<i32>} : memref<3x640x32xf32, #tpu.memory_space<vmem>>, vector<1x1x16xf32>,
      %swap3A_751 = vector.shape_cast %swap3A_750 : vector<1x1x16xf32> to vector<16xf32>
      %swap3A_752 = vector.shape_cast %mul3A_743 : vector<16xf32> to vector<1x1x16xf32>
      tpu.vector_store %arg7[%swap3A_747, %swap3A_748, %swap3A_749], %swap3A_752 {strides = array<i32>} : memref<3x640x32xf32, #tpu.memory_space<vmem>>, vector<1x1x16xf32>,
      %add3A_753 = arith.constant 3 : i32
      %add3A_754 = arith.addi %add3A_634, %add3A_753 : i32
      %get3A_755 = arith.constant 1 : i32
      %get3A_756 = arith.index_cast %get3A_755 : i32 to index
      %get3A_757 = arith.index_cast %add3A_754 : i32 to index
      %get3A_758 = arith.constant 0 : index
      %get3A_759 = tpu.vector_load %arg6[%get3A_756, %get3A_757, %get3A_758] {strides = array<i32>} : memref<3x640x32xf32, #tpu.memory_space<vmem>>, vector<1x1x16xf32>,
      %get3A_760 = vector.shape_cast %get3A_759 : vector<1x1x16xf32> to vector<16xf32>
      %mul3A_761 = arith.constant 5.65685415 : f32
      %mul3A_762 = vector.broadcast %mul3A_761 : f32 to vector<16xf32>
      %mul3A_763 = arith.mulf %get3A_760, %mul3A_762 : vector<16xf32>
      %add3A_764 = arith.constant 3 : i32
      %add3A_765 = arith.addi %add3A_634, %add3A_764 : i32
      %swap3A_766 = arith.constant 1 : i32
      %swap3A_767 = arith.index_cast %swap3A_766 : i32 to index
      %swap3A_768 = arith.index_cast %add3A_765 : i32 to index
      %swap3A_769 = arith.constant 0 : index
      %swap3A_770 = tpu.vector_load %arg7[%swap3A_767, %swap3A_768, %swap3A_769] {strides = array<i32>} : memref<3x640x32xf32, #tpu.memory_space<vmem>>, vector<1x1x16xf32>,
      %swap3A_771 = vector.shape_cast %swap3A_770 : vector<1x1x16xf32> to vector<16xf32>
      %swap3A_772 = vector.shape_cast %mul3A_763 : vector<16xf32> to vector<1x1x16xf32>
      tpu.vector_store %arg7[%swap3A_767, %swap3A_768, %swap3A_769], %swap3A_772 {strides = array<i32>} : memref<3x640x32xf32, #tpu.memory_space<vmem>>, vector<1x1x16xf32>,
      %add3A_773 = arith.constant 3 : i32
      %add3A_774 = arith.addi %add3A_634, %add3A_773 : i32
      %get3A_775 = arith.constant 1 : i32
      %get3A_776 = arith.index_cast %get3A_775 : i32 to index
      %get3A_777 = arith.index_cast %add3A_774 : i32 to index
      %get3A_778 = arith.constant 16 : index
      %get3A_779 = tpu.vector_load %arg6[%get3A_776, %get3A_777, %get3A_778] {strides = array<i32>} : memref<3x640x32xf32, #tpu.memory_space<vmem>>, vector<1x1x16xf32>,
      %get3A_780 = vector.shape_cast %get3A_779 : vector<1x1x16xf32> to vector<16xf32>
      %mul3A_781 = arith.constant 5.65685415 : f32
      %mul3A_782 = vector.broadcast %mul3A_781 : f32 to vector<16xf32>
      %mul3A_783 = arith.mulf %get3A_780, %mul3A_782 : vector<16xf32>
      %add3A_784 = arith.constant 3 : i32
      %add3A_785 = arith.addi %add3A_634, %add3A_784 : i32
      %swap3A_786 = arith.constant 1 : i32
      %swap3A_787 = arith.index_cast %swap3A_786 : i32 to index
      %swap3A_788 = arith.index_cast %add3A_785 : i32 to index
      %swap3A_789 = arith.constant 16 : index
      %swap3A_790 = tpu.vector_load %arg7[%swap3A_787, %swap3A_788, %swap3A_789] {strides = array<i32>} : memref<3x640x32xf32, #tpu.memory_space<vmem>>, vector<1x1x16xf32>,
      %swap3A_791 = vector.shape_cast %swap3A_790 : vector<1x1x16xf32> to vector<16xf32>
      %swap3A_792 = vector.shape_cast %mul3A_783 : vector<16xf32> to vector<1x1x16xf32>
      tpu.vector_store %arg7[%swap3A_787, %swap3A_788, %swap3A_789], %swap3A_792 {strides = array<i32>} : memref<3x640x32xf32, #tpu.memory_space<vmem>>, vector<1x1x16xf32>,
    }
    %scan3A_231 = arith.constant 160 : i32
    %dma_wait3A_232 = arith.constant 1 : i32
    %dma_wait3A_233 = arith.constant 0 : i32
    %dma_wait3A_234 = arith.constant 0 : i32
    %dma_wait3A_235 = tpu.memref_slice %arg5[%dma_wait3A_232, %dma_wait3A_233, %dma_wait3A_234] : memref<3x1x640xi32, #tpu.memory_space<vmem>> -> memref<1x1x640xi32, #tpu.memory_space<vmem>>
    %dma_wait3A_236 = tpu.memref_squeeze %dma_wait3A_235 : memref<1x1x640xi32, #tpu.memory_space<vmem>> -> memref<1x640xi32, #tpu.memory_space<vmem>>
    %dma_wait3A_237 = arith.constant 0 : i32
    %dma_wait3A_238 = tpu.memref_slice %arg2[%add3A_213, %dma_wait3A_237] : memref<5120x640xi32, #tpu.memory_space<hbm>> -> memref<1x640xi32, #tpu.memory_space<hbm>>
    %dma_wait3A_239 = arith.constant 0 : i32
    %dma_wait3A_240 = arith.constant 0 : i32
    %dma_wait3A_241 = tpu.memref_slice %arg5[%dma_wait3A_232, %dma_wait3A_239, %dma_wait3A_240] : memref<3x1x640xi32, #tpu.memory_space<vmem>> -> memref<1x1x640xi32, #tpu.memory_space<vmem>>
    %dma_wait3A_242 = tpu.memref_squeeze %dma_wait3A_241 : memref<1x1x640xi32, #tpu.memory_space<vmem>> -> memref<1x640xi32, #tpu.memory_space<vmem>>
    %dma_wait3A_243 = arith.constant 0 : i32
    %dma_wait3A_244 = tpu.memref_slice %arg2[%add3A_213, %dma_wait3A_243] : memref<5120x640xi32, #tpu.memory_space<hbm>> -> memref<1x640xi32, #tpu.memory_space<hbm>>
    tpu.wait_dma2 semaphore(%arg9 : memref<!tpu.dma_semaphore, #tpu.memory_space<semaphore_mem>>) src(%dma_wait3A_244 : memref<1x640xi32, #tpu.memory_space<hbm>>) dst(%dma_wait3A_242 : memref<1x640xi32, #tpu.memory_space<vmem>>)
    %dma_start3A_245 = arith.constant 1 : i32
    %dma_start3A_246 = arith.constant 0 : i32
    %dma_start3A_247 = arith.constant 1 : i32
    %dma_start3A_248 = arith.constant 0 : i32
    %dma_start3A_249 = arith.constant 0 : i32
    %dma_start3A_250 = tpu.memref_slice %arg6[%dma_start3A_247, %dma_start3A_248, %dma_start3A_249] : memref<3x640x32xf32, #tpu.memory_space<vmem>> -> memref<1x640x32xf32, #tpu.memory_space<vmem>>
    %dma_start3A_251 = tpu.memref_squeeze %dma_start3A_250 : memref<1x640x32xf32, #tpu.memory_space<vmem>> -> memref<640x32xf32, #tpu.memory_space<vmem>>
    %dma_start3A_252 = arith.constant 0 : i32
    %dma_start3A_253 = tpu.memref_slice %arg5[%dma_start3A_245, %dma_start3A_246, %dma_start3A_252] : memref<3x1x640xi32, #tpu.memory_space<vmem>> -> memref<1x1x640xi32, #tpu.memory_space<vmem>>
    %dma_start3A_254 = tpu.memref_squeeze %dma_start3A_253 : memref<1x1x640xi32, #tpu.memory_space<vmem>> -> memref<640xi32, #tpu.memory_space<vmem>>
    %dma_start3A_255 = arith.constant 0 : i32
    %dma_start3A_256 = arith.constant 0 : i32
    %dma_start3A_257 = tpu.memref_slice %arg3[%dma_start3A_255, %dma_start3A_256] : memref<1000000x32xf32, #tpu.memory_space<hbm>> -> memref<1000000x32xf32, #tpu.memory_space<hbm>>
    tpu.enqueue_indirect_dma source(%dma_start3A_257 : memref<1000000x32xf32, #tpu.memory_space<hbm>>) target(%dma_start3A_251 : memref<640x32xf32, #tpu.memory_space<vmem>>) offsets(%dma_start3A_254 : memref<640xi32, #tpu.memory_space<vmem>>) semaphore(%arg12 : memref<!tpu.dma_semaphore, #tpu.memory_space<semaphore_mem>>)
    %add3A_258 = arith.constant 640 : i32
    %add3A_259 = arith.addi %mul3A_2, %add3A_258 : i32
    %dma_start3A_260 = arith.constant 1 : i32
    %dma_start3A_261 = arith.constant 0 : i32
    %dma_start3A_262 = arith.constant 0 : i32
    %dma_start3A_263 = tpu.memref_slice %arg7[%dma_start3A_260, %dma_start3A_261, %dma_start3A_262] : memref<3x640x32xf32, #tpu.memory_space<vmem>> -> memref<1x640x32xf32, #tpu.memory_space<vmem>>
    %dma_start3A_264 = tpu.memref_squeeze %dma_start3A_263 : memref<1x640x32xf32, #tpu.memory_space<vmem>> -> memref<640x32xf32, #tpu.memory_space<vmem>>
    %dma_start3A_265 = arith.constant 0 : i32
    %dma_start3A_266 = tpu.memref_slice %arg4[%add3A_259, %dma_start3A_265] : memref<3276800x32xf32, #tpu.memory_space<hbm>> -> memref<640x32xf32, #tpu.memory_space<hbm>>
    %dma_start3A_267 = arith.constant 0 : i32
    %dma_start3A_268 = tpu.memref_slice %arg4[%add3A_259, %dma_start3A_267] : memref<3276800x32xf32, #tpu.memory_space<hbm>> -> memref<640x32xf32, #tpu.memory_space<hbm>>
    %dma_start3A_269 = arith.constant 0 : i32
    %dma_start3A_270 = arith.constant 0 : i32
    %dma_start3A_271 = tpu.memref_slice %arg7[%dma_start3A_260, %dma_start3A_269, %dma_start3A_270] : memref<3x640x32xf32, #tpu.memory_space<vmem>> -> memref<1x640x32xf32, #tpu.memory_space<vmem>>
    %dma_start3A_272 = tpu.memref_squeeze %dma_start3A_271 : memref<1x640x32xf32, #tpu.memory_space<vmem>> -> memref<640x32xf32, #tpu.memory_space<vmem>>
    tpu.enqueue_dma source(%dma_start3A_272 : memref<640x32xf32, #tpu.memory_space<vmem>>) target(%dma_start3A_268 : memref<640x32xf32, #tpu.memory_space<hbm>>) target_semaphore(%arg15 : memref<!tpu.dma_semaphore, #tpu.memory_space<semaphore_mem>>)
    %dma_wait3A_273 = arith.constant 2 : i32
    %dma_wait3A_274 = arith.constant 0 : i32
    %dma_wait3A_275 = arith.constant 2 : i32
    %dma_wait3A_276 = arith.constant 0 : i32
    %dma_wait3A_277 = arith.constant 0 : i32
    %dma_wait3A_278 = tpu.memref_slice %arg6[%dma_wait3A_275, %dma_wait3A_276, %dma_wait3A_277] : memref<3x640x32xf32, #tpu.memory_space<vmem>> -> memref<1x640x32xf32, #tpu.memory_space<vmem>>
    %dma_wait3A_279 = tpu.memref_squeeze %dma_wait3A_278 : memref<1x640x32xf32, #tpu.memory_space<vmem>> -> memref<640x32xf32, #tpu.memory_space<vmem>>
    %dma_wait3A_280 = arith.constant 0 : i32
    %dma_wait3A_281 = tpu.memref_slice %arg5[%dma_wait3A_273, %dma_wait3A_274, %dma_wait3A_280] : memref<3x1x640xi32, #tpu.memory_space<vmem>> -> memref<1x1x640xi32, #tpu.memory_space<vmem>>
    %dma_wait3A_282 = tpu.memref_squeeze %dma_wait3A_281 : memref<1x1x640xi32, #tpu.memory_space<vmem>> -> memref<640xi32, #tpu.memory_space<vmem>>
    %dma_wait3A_283 = arith.constant 0 : i32
    %dma_wait3A_284 = arith.constant 0 : i32
    %dma_wait3A_285 = tpu.memref_slice %arg3[%dma_wait3A_283, %dma_wait3A_284] : memref<1000000x32xf32, #tpu.memory_space<hbm>> -> memref<1000000x32xf32, #tpu.memory_space<hbm>>
    tpu.wait_indirect_dma semaphore(%arg13 : memref<!tpu.dma_semaphore, #tpu.memory_space<semaphore_mem>>) src(%dma_wait3A_285 : memref<1000000x32xf32, #tpu.memory_space<hbm>>) dst(%dma_wait3A_279 : memref<640x32xf32, #tpu.memory_space<vmem>>)
    %add3A_286 = arith.constant 5 : i32
    %add3A_287 = arith.addi %mul3A_4, %add3A_286 : i32
    %dma_start3A_288 = arith.constant 2 : i32
    %dma_start3A_289 = arith.constant 0 : i32
    %dma_start3A_290 = arith.constant 0 : i32
    %dma_start3A_291 = tpu.memref_slice %arg5[%dma_start3A_288, %dma_start3A_289, %dma_start3A_290] : memref<3x1x640xi32, #tpu.memory_space<vmem>> -> memref<1x1x640xi32, #tpu.memory_space<vmem>>
    %dma_start3A_292 = tpu.memref_squeeze %dma_start3A_291 : memref<1x1x640xi32, #tpu.memory_space<vmem>> -> memref<1x640xi32, #tpu.memory_space<vmem>>
    %dma_start3A_293 = arith.constant 0 : i32
    %dma_start3A_294 = tpu.memref_slice %arg2[%add3A_287, %dma_start3A_293] : memref<5120x640xi32, #tpu.memory_space<hbm>> -> memref<1x640xi32, #tpu.memory_space<hbm>>
    %dma_start3A_295 = arith.constant 0 : i32
    %dma_start3A_296 = arith.constant 0 : i32
    %dma_start3A_297 = tpu.memref_slice %arg5[%dma_start3A_288, %dma_start3A_295, %dma_start3A_296] : memref<3x1x640xi32, #tpu.memory_space<vmem>> -> memref<1x1x640xi32, #tpu.memory_space<vmem>>
    %dma_start3A_298 = tpu.memref_squeeze %dma_start3A_297 : memref<1x1x640xi32, #tpu.memory_space<vmem>> -> memref<1x640xi32, #tpu.memory_space<vmem>>
    %dma_start3A_299 = arith.constant 0 : i32
    %dma_start3A_300 = tpu.memref_slice %arg2[%add3A_287, %dma_start3A_299] : memref<5120x640xi32, #tpu.memory_space<hbm>> -> memref<1x640xi32, #tpu.memory_space<hbm>>
    tpu.enqueue_dma source(%dma_start3A_300 : memref<1x640xi32, #tpu.memory_space<hbm>>) target(%dma_start3A_298 : memref<1x640xi32, #tpu.memory_space<vmem>>) target_semaphore(%arg10 : memref<!tpu.dma_semaphore, #tpu.memory_space<semaphore_mem>>)
    %scan3A_301 = arith.constant 0 : i32
    %scan3A_302 = arith.constant 160 : i32
    %scan3A_303 = arith.addi %scan3A_301, %scan3A_302 : i32
    %scan3A_304 = arith.constant 1 : i32
    scf.for %scan3A_630 = %scan3A_301 to %scan3A_303 step %scan3A_304  : i32 {
      %mul3A_631 = arith.constant 4 : i32
      %mul3A_632 = arith.muli %scan3A_630, %mul3A_631 : i32
      %add3A_633 = arith.constant 0 : i32
      %add3A_634 = arith.addi %add3A_633, %mul3A_632 : i32
      %add3A_635 = arith.constant 0 : i32
      %add3A_636 = arith.addi %add3A_634, %add3A_635 : i32
      %get3A = arith.constant 2 : i32
      %get3A_637 = arith.index_cast %get3A : i32 to index
      %get3A_638 = arith.index_cast %add3A_636 : i32 to index
      %get3A_639 = arith.constant 0 : index
      %get3A_640 = tpu.vector_load %arg6[%get3A_637, %get3A_638, %get3A_639] {strides = array<i32>} : memref<3x640x32xf32, #tpu.memory_space<vmem>>, vector<1x1x16xf32>,
      %get3A_641 = vector.shape_cast %get3A_640 : vector<1x1x16xf32> to vector<16xf32>
      %mul3A_642 = arith.constant 5.65685415 : f32
      %mul3A_643 = vector.broadcast %mul3A_642 : f32 to vector<16xf32>
      %mul3A_644 = arith.mulf %get3A_641, %mul3A_643 : vector<16xf32>
      %add3A_645 = arith.constant 0 : i32
      %add3A_646 = arith.addi %add3A_634, %add3A_645 : i32
      %swap3A = arith.constant 2 : i32
      %swap3A_647 = arith.index_cast %swap3A : i32 to index
      %swap3A_648 = arith.index_cast %add3A_646 : i32 to index
      %swap3A_649 = arith.constant 0 : index
      %swap3A_650 = tpu.vector_load %arg7[%swap3A_647, %swap3A_648, %swap3A_649] {strides = array<i32>} : memref<3x640x32xf32, #tpu.memory_space<vmem>>, vector<1x1x16xf32>,
      %swap3A_651 = vector.shape_cast %swap3A_650 : vector<1x1x16xf32> to vector<16xf32>
      %swap3A_652 = vector.shape_cast %mul3A_644 : vector<16xf32> to vector<1x1x16xf32>
      tpu.vector_store %arg7[%swap3A_647, %swap3A_648, %swap3A_649], %swap3A_652 {strides = array<i32>} : memref<3x640x32xf32, #tpu.memory_space<vmem>>, vector<1x1x16xf32>,
      %add3A_653 = arith.constant 0 : i32
      %add3A_654 = arith.addi %add3A_634, %add3A_653 : i32
      %get3A_655 = arith.constant 2 : i32
      %get3A_656 = arith.index_cast %get3A_655 : i32 to index
      %get3A_657 = arith.index_cast %add3A_654 : i32 to index
      %get3A_658 = arith.constant 16 : index
      %get3A_659 = tpu.vector_load %arg6[%get3A_656, %get3A_657, %get3A_658] {strides = array<i32>} : memref<3x640x32xf32, #tpu.memory_space<vmem>>, vector<1x1x16xf32>,
      %get3A_660 = vector.shape_cast %get3A_659 : vector<1x1x16xf32> to vector<16xf32>
      %mul3A_661 = arith.constant 5.65685415 : f32
      %mul3A_662 = vector.broadcast %mul3A_661 : f32 to vector<16xf32>
      %mul3A_663 = arith.mulf %get3A_660, %mul3A_662 : vector<16xf32>
      %add3A_664 = arith.constant 0 : i32
      %add3A_665 = arith.addi %add3A_634, %add3A_664 : i32
      %swap3A_666 = arith.constant 2 : i32
      %swap3A_667 = arith.index_cast %swap3A_666 : i32 to index
      %swap3A_668 = arith.index_cast %add3A_665 : i32 to index
      %swap3A_669 = arith.constant 16 : index
      %swap3A_670 = tpu.vector_load %arg7[%swap3A_667, %swap3A_668, %swap3A_669] {strides = array<i32>} : memref<3x640x32xf32, #tpu.memory_space<vmem>>, vector<1x1x16xf32>,
      %swap3A_671 = vector.shape_cast %swap3A_670 : vector<1x1x16xf32> to vector<16xf32>
      %swap3A_672 = vector.shape_cast %mul3A_663 : vector<16xf32> to vector<1x1x16xf32>
      tpu.vector_store %arg7[%swap3A_667, %swap3A_668, %swap3A_669], %swap3A_672 {strides = array<i32>} : memref<3x640x32xf32, #tpu.memory_space<vmem>>, vector<1x1x16xf32>,
      %add3A_673 = arith.constant 1 : i32
      %add3A_674 = arith.addi %add3A_634, %add3A_673 : i32
      %get3A_675 = arith.constant 2 : i32
      %get3A_676 = arith.index_cast %get3A_675 : i32 to index
      %get3A_677 = arith.index_cast %add3A_674 : i32 to index
      %get3A_678 = arith.constant 0 : index
      %get3A_679 = tpu.vector_load %arg6[%get3A_676, %get3A_677, %get3A_678] {strides = array<i32>} : memref<3x640x32xf32, #tpu.memory_space<vmem>>, vector<1x1x16xf32>,
      %get3A_680 = vector.shape_cast %get3A_679 : vector<1x1x16xf32> to vector<16xf32>
      %mul3A_681 = arith.constant 5.65685415 : f32
      %mul3A_682 = vector.broadcast %mul3A_681 : f32 to vector<16xf32>
      %mul3A_683 = arith.mulf %get3A_680, %mul3A_682 : vector<16xf32>
      %add3A_684 = arith.constant 1 : i32
      %add3A_685 = arith.addi %add3A_634, %add3A_684 : i32
      %swap3A_686 = arith.constant 2 : i32
      %swap3A_687 = arith.index_cast %swap3A_686 : i32 to index
      %swap3A_688 = arith.index_cast %add3A_685 : i32 to index
      %swap3A_689 = arith.constant 0 : index
      %swap3A_690 = tpu.vector_load %arg7[%swap3A_687, %swap3A_688, %swap3A_689] {strides = array<i32>} : memref<3x640x32xf32, #tpu.memory_space<vmem>>, vector<1x1x16xf32>,
      %swap3A_691 = vector.shape_cast %swap3A_690 : vector<1x1x16xf32> to vector<16xf32>
      %swap3A_692 = vector.shape_cast %mul3A_683 : vector<16xf32> to vector<1x1x16xf32>
      tpu.vector_store %arg7[%swap3A_687, %swap3A_688, %swap3A_689], %swap3A_692 {strides = array<i32>} : memref<3x640x32xf32, #tpu.memory_space<vmem>>, vector<1x1x16xf32>,
      %add3A_693 = arith.constant 1 : i32
      %add3A_694 = arith.addi %add3A_634, %add3A_693 : i32
      %get3A_695 = arith.constant 2 : i32
      %get3A_696 = arith.index_cast %get3A_695 : i32 to index
      %get3A_697 = arith.index_cast %add3A_694 : i32 to index
      %get3A_698 = arith.constant 16 : index
      %get3A_699 = tpu.vector_load %arg6[%get3A_696, %get3A_697, %get3A_698] {strides = array<i32>} : memref<3x640x32xf32, #tpu.memory_space<vmem>>, vector<1x1x16xf32>,
      %get3A_700 = vector.shape_cast %get3A_699 : vector<1x1x16xf32> to vector<16xf32>
      %mul3A_701 = arith.constant 5.65685415 : f32
      %mul3A_702 = vector.broadcast %mul3A_701 : f32 to vector<16xf32>
      %mul3A_703 = arith.mulf %get3A_700, %mul3A_702 : vector<16xf32>
      %add3A_704 = arith.constant 1 : i32
      %add3A_705 = arith.addi %add3A_634, %add3A_704 : i32
      %swap3A_706 = arith.constant 2 : i32
      %swap3A_707 = arith.index_cast %swap3A_706 : i32 to index
      %swap3A_708 = arith.index_cast %add3A_705 : i32 to index
      %swap3A_709 = arith.constant 16 : index
      %swap3A_710 = tpu.vector_load %arg7[%swap3A_707, %swap3A_708, %swap3A_709] {strides = array<i32>} : memref<3x640x32xf32, #tpu.memory_space<vmem>>, vector<1x1x16xf32>,
      %swap3A_711 = vector.shape_cast %swap3A_710 : vector<1x1x16xf32> to vector<16xf32>
      %swap3A_712 = vector.shape_cast %mul3A_703 : vector<16xf32> to vector<1x1x16xf32>
      tpu.vector_store %arg7[%swap3A_707, %swap3A_708, %swap3A_709], %swap3A_712 {strides = array<i32>} : memref<3x640x32xf32, #tpu.memory_space<vmem>>, vector<1x1x16xf32>,
      %add3A_713 = arith.constant 2 : i32
      %add3A_714 = arith.addi %add3A_634, %add3A_713 : i32
      %get3A_715 = arith.constant 2 : i32
      %get3A_716 = arith.index_cast %get3A_715 : i32 to index
      %get3A_717 = arith.index_cast %add3A_714 : i32 to index
      %get3A_718 = arith.constant 0 : index
      %get3A_719 = tpu.vector_load %arg6[%get3A_716, %get3A_717, %get3A_718] {strides = array<i32>} : memref<3x640x32xf32, #tpu.memory_space<vmem>>, vector<1x1x16xf32>,
      %get3A_720 = vector.shape_cast %get3A_719 : vector<1x1x16xf32> to vector<16xf32>
      %mul3A_721 = arith.constant 5.65685415 : f32
      %mul3A_722 = vector.broadcast %mul3A_721 : f32 to vector<16xf32>
      %mul3A_723 = arith.mulf %get3A_720, %mul3A_722 : vector<16xf32>
      %add3A_724 = arith.constant 2 : i32
      %add3A_725 = arith.addi %add3A_634, %add3A_724 : i32
      %swap3A_726 = arith.constant 2 : i32
      %swap3A_727 = arith.index_cast %swap3A_726 : i32 to index
      %swap3A_728 = arith.index_cast %add3A_725 : i32 to index
      %swap3A_729 = arith.constant 0 : index
      %swap3A_730 = tpu.vector_load %arg7[%swap3A_727, %swap3A_728, %swap3A_729] {strides = array<i32>} : memref<3x640x32xf32, #tpu.memory_space<vmem>>, vector<1x1x16xf32>,
      %swap3A_731 = vector.shape_cast %swap3A_730 : vector<1x1x16xf32> to vector<16xf32>
      %swap3A_732 = vector.shape_cast %mul3A_723 : vector<16xf32> to vector<1x1x16xf32>
      tpu.vector_store %arg7[%swap3A_727, %swap3A_728, %swap3A_729], %swap3A_732 {strides = array<i32>} : memref<3x640x32xf32, #tpu.memory_space<vmem>>, vector<1x1x16xf32>,
      %add3A_733 = arith.constant 2 : i32
      %add3A_734 = arith.addi %add3A_634, %add3A_733 : i32
      %get3A_735 = arith.constant 2 : i32
      %get3A_736 = arith.index_cast %get3A_735 : i32 to index
      %get3A_737 = arith.index_cast %add3A_734 : i32 to index
      %get3A_738 = arith.constant 16 : index
      %get3A_739 = tpu.vector_load %arg6[%get3A_736, %get3A_737, %get3A_738] {strides = array<i32>} : memref<3x640x32xf32, #tpu.memory_space<vmem>>, vector<1x1x16xf32>,
      %get3A_740 = vector.shape_cast %get3A_739 : vector<1x1x16xf32> to vector<16xf32>
      %mul3A_741 = arith.constant 5.65685415 : f32
      %mul3A_742 = vector.broadcast %mul3A_741 : f32 to vector<16xf32>
      %mul3A_743 = arith.mulf %get3A_740, %mul3A_742 : vector<16xf32>
      %add3A_744 = arith.constant 2 : i32
      %add3A_745 = arith.addi %add3A_634, %add3A_744 : i32
      %swap3A_746 = arith.constant 2 : i32
      %swap3A_747 = arith.index_cast %swap3A_746 : i32 to index
      %swap3A_748 = arith.index_cast %add3A_745 : i32 to index
      %swap3A_749 = arith.constant 16 : index
      %swap3A_750 = tpu.vector_load %arg7[%swap3A_747, %swap3A_748, %swap3A_749] {strides = array<i32>} : memref<3x640x32xf32, #tpu.memory_space<vmem>>, vector<1x1x16xf32>,
      %swap3A_751 = vector.shape_cast %swap3A_750 : vector<1x1x16xf32> to vector<16xf32>
      %swap3A_752 = vector.shape_cast %mul3A_743 : vector<16xf32> to vector<1x1x16xf32>
      tpu.vector_store %arg7[%swap3A_747, %swap3A_748, %swap3A_749], %swap3A_752 {strides = array<i32>} : memref<3x640x32xf32, #tpu.memory_space<vmem>>, vector<1x1x16xf32>,
      %add3A_753 = arith.constant 3 : i32
      %add3A_754 = arith.addi %add3A_634, %add3A_753 : i32
      %get3A_755 = arith.constant 2 : i32
      %get3A_756 = arith.index_cast %get3A_755 : i32 to index
      %get3A_757 = arith.index_cast %add3A_754 : i32 to index
      %get3A_758 = arith.constant 0 : index
      %get3A_759 = tpu.vector_load %arg6[%get3A_756, %get3A_757, %get3A_758] {strides = array<i32>} : memref<3x640x32xf32, #tpu.memory_space<vmem>>, vector<1x1x16xf32>,
      %get3A_760 = vector.shape_cast %get3A_759 : vector<1x1x16xf32> to vector<16xf32>
      %mul3A_761 = arith.constant 5.65685415 : f32
      %mul3A_762 = vector.broadcast %mul3A_761 : f32 to vector<16xf32>
      %mul3A_763 = arith.mulf %get3A_760, %mul3A_762 : vector<16xf32>
      %add3A_764 = arith.constant 3 : i32
      %add3A_765 = arith.addi %add3A_634, %add3A_764 : i32
      %swap3A_766 = arith.constant 2 : i32
      %swap3A_767 = arith.index_cast %swap3A_766 : i32 to index
      %swap3A_768 = arith.index_cast %add3A_765 : i32 to index
      %swap3A_769 = arith.constant 0 : index
      %swap3A_770 = tpu.vector_load %arg7[%swap3A_767, %swap3A_768, %swap3A_769] {strides = array<i32>} : memref<3x640x32xf32, #tpu.memory_space<vmem>>, vector<1x1x16xf32>,
      %swap3A_771 = vector.shape_cast %swap3A_770 : vector<1x1x16xf32> to vector<16xf32>
      %swap3A_772 = vector.shape_cast %mul3A_763 : vector<16xf32> to vector<1x1x16xf32>
      tpu.vector_store %arg7[%swap3A_767, %swap3A_768, %swap3A_769], %swap3A_772 {strides = array<i32>} : memref<3x640x32xf32, #tpu.memory_space<vmem>>, vector<1x1x16xf32>,
      %add3A_773 = arith.constant 3 : i32
      %add3A_774 = arith.addi %add3A_634, %add3A_773 : i32
      %get3A_775 = arith.constant 2 : i32
      %get3A_776 = arith.index_cast %get3A_775 : i32 to index
      %get3A_777 = arith.index_cast %add3A_774 : i32 to index
      %get3A_778 = arith.constant 16 : index
      %get3A_779 = tpu.vector_load %arg6[%get3A_776, %get3A_777, %get3A_778] {strides = array<i32>} : memref<3x640x32xf32, #tpu.memory_space<vmem>>, vector<1x1x16xf32>,
      %get3A_780 = vector.shape_cast %get3A_779 : vector<1x1x16xf32> to vector<16xf32>
      %mul3A_781 = arith.constant 5.65685415 : f32
      %mul3A_782 = vector.broadcast %mul3A_781 : f32 to vector<16xf32>
      %mul3A_783 = arith.mulf %get3A_780, %mul3A_782 : vector<16xf32>
      %add3A_784 = arith.constant 3 : i32
      %add3A_785 = arith.addi %add3A_634, %add3A_784 : i32
      %swap3A_786 = arith.constant 2 : i32
      %swap3A_787 = arith.index_cast %swap3A_786 : i32 to index
      %swap3A_788 = arith.index_cast %add3A_785 : i32 to index
      %swap3A_789 = arith.constant 16 : index
      %swap3A_790 = tpu.vector_load %arg7[%swap3A_787, %swap3A_788, %swap3A_789] {strides = array<i32>} : memref<3x640x32xf32, #tpu.memory_space<vmem>>, vector<1x1x16xf32>,
      %swap3A_791 = vector.shape_cast %swap3A_790 : vector<1x1x16xf32> to vector<16xf32>
      %swap3A_792 = vector.shape_cast %mul3A_783 : vector<16xf32> to vector<1x1x16xf32>
      tpu.vector_store %arg7[%swap3A_787, %swap3A_788, %swap3A_789], %swap3A_792 {strides = array<i32>} : memref<3x640x32xf32, #tpu.memory_space<vmem>>, vector<1x1x16xf32>,
    }
    %scan3A_305 = arith.constant 160 : i32
    %dma_wait3A_306 = arith.constant 2 : i32
    %dma_wait3A_307 = arith.constant 0 : i32
    %dma_wait3A_308 = arith.constant 0 : i32
    %dma_wait3A_309 = tpu.memref_slice %arg5[%dma_wait3A_306, %dma_wait3A_307, %dma_wait3A_308] : memref<3x1x640xi32, #tpu.memory_space<vmem>> -> memref<1x1x640xi32, #tpu.memory_space<vmem>>
    %dma_wait3A_310 = tpu.memref_squeeze %dma_wait3A_309 : memref<1x1x640xi32, #tpu.memory_space<vmem>> -> memref<1x640xi32, #tpu.memory_space<vmem>>
    %dma_wait3A_311 = arith.constant 0 : i32
    %dma_wait3A_312 = tpu.memref_slice %arg2[%add3A_287, %dma_wait3A_311] : memref<5120x640xi32, #tpu.memory_space<hbm>> -> memref<1x640xi32, #tpu.memory_space<hbm>>
    %dma_wait3A_313 = arith.constant 0 : i32
    %dma_wait3A_314 = arith.constant 0 : i32
    %dma_wait3A_315 = tpu.memref_slice %arg5[%dma_wait3A_306, %dma_wait3A_313, %dma_wait3A_314] : memref<3x1x640xi32, #tpu.memory_space<vmem>> -> memref<1x1x640xi32, #tpu.memory_space<vmem>>
    %dma_wait3A_316 = tpu.memref_squeeze %dma_wait3A_315 : memref<1x1x640xi32, #tpu.memory_space<vmem>> -> memref<1x640xi32, #tpu.memory_space<vmem>>
    %dma_wait3A_317 = arith.constant 0 : i32
    %dma_wait3A_318 = tpu.memref_slice %arg2[%add3A_287, %dma_wait3A_317] : memref<5120x640xi32, #tpu.memory_space<hbm>> -> memref<1x640xi32, #tpu.memory_space<hbm>>
    tpu.wait_dma2 semaphore(%arg10 : memref<!tpu.dma_semaphore, #tpu.memory_space<semaphore_mem>>) src(%dma_wait3A_318 : memref<1x640xi32, #tpu.memory_space<hbm>>) dst(%dma_wait3A_316 : memref<1x640xi32, #tpu.memory_space<vmem>>)
    %dma_start3A_319 = arith.constant 2 : i32
    %dma_start3A_320 = arith.constant 0 : i32
    %dma_start3A_321 = arith.constant 2 : i32
    %dma_start3A_322 = arith.constant 0 : i32
    %dma_start3A_323 = arith.constant 0 : i32
    %dma_start3A_324 = tpu.memref_slice %arg6[%dma_start3A_321, %dma_start3A_322, %dma_start3A_323] : memref<3x640x32xf32, #tpu.memory_space<vmem>> -> memref<1x640x32xf32, #tpu.memory_space<vmem>>
    %dma_start3A_325 = tpu.memref_squeeze %dma_start3A_324 : memref<1x640x32xf32, #tpu.memory_space<vmem>> -> memref<640x32xf32, #tpu.memory_space<vmem>>
    %dma_start3A_326 = arith.constant 0 : i32
    %dma_start3A_327 = tpu.memref_slice %arg5[%dma_start3A_319, %dma_start3A_320, %dma_start3A_326] : memref<3x1x640xi32, #tpu.memory_space<vmem>> -> memref<1x1x640xi32, #tpu.memory_space<vmem>>
    %dma_start3A_328 = tpu.memref_squeeze %dma_start3A_327 : memref<1x1x640xi32, #tpu.memory_space<vmem>> -> memref<640xi32, #tpu.memory_space<vmem>>
    %dma_start3A_329 = arith.constant 0 : i32
    %dma_start3A_330 = arith.constant 0 : i32
    %dma_start3A_331 = tpu.memref_slice %arg3[%dma_start3A_329, %dma_start3A_330] : memref<1000000x32xf32, #tpu.memory_space<hbm>> -> memref<1000000x32xf32, #tpu.memory_space<hbm>>
    tpu.enqueue_indirect_dma source(%dma_start3A_331 : memref<1000000x32xf32, #tpu.memory_space<hbm>>) target(%dma_start3A_325 : memref<640x32xf32, #tpu.memory_space<vmem>>) offsets(%dma_start3A_328 : memref<640xi32, #tpu.memory_space<vmem>>) semaphore(%arg13 : memref<!tpu.dma_semaphore, #tpu.memory_space<semaphore_mem>>)
    %add3A_332 = arith.constant 1280 : i32
    %add3A_333 = arith.addi %mul3A_2, %add3A_332 : i32
    %dma_start3A_334 = arith.constant 2 : i32
    %dma_start3A_335 = arith.constant 0 : i32
    %dma_start3A_336 = arith.constant 0 : i32
    %dma_start3A_337 = tpu.memref_slice %arg7[%dma_start3A_334, %dma_start3A_335, %dma_start3A_336] : memref<3x640x32xf32, #tpu.memory_space<vmem>> -> memref<1x640x32xf32, #tpu.memory_space<vmem>>
    %dma_start3A_338 = tpu.memref_squeeze %dma_start3A_337 : memref<1x640x32xf32, #tpu.memory_space<vmem>> -> memref<640x32xf32, #tpu.memory_space<vmem>>
    %dma_start3A_339 = arith.constant 0 : i32
    %dma_start3A_340 = tpu.memref_slice %arg4[%add3A_333, %dma_start3A_339] : memref<3276800x32xf32, #tpu.memory_space<hbm>> -> memref<640x32xf32, #tpu.memory_space<hbm>>
    %dma_start3A_341 = arith.constant 0 : i32
    %dma_start3A_342 = tpu.memref_slice %arg4[%add3A_333, %dma_start3A_341] : memref<3276800x32xf32, #tpu.memory_space<hbm>> -> memref<640x32xf32, #tpu.memory_space<hbm>>
    %dma_start3A_343 = arith.constant 0 : i32
    %dma_start3A_344 = arith.constant 0 : i32
    %dma_start3A_345 = tpu.memref_slice %arg7[%dma_start3A_334, %dma_start3A_343, %dma_start3A_344] : memref<3x640x32xf32, #tpu.memory_space<vmem>> -> memref<1x640x32xf32, #tpu.memory_space<vmem>>
    %dma_start3A_346 = tpu.memref_squeeze %dma_start3A_345 : memref<1x640x32xf32, #tpu.memory_space<vmem>> -> memref<640x32xf32, #tpu.memory_space<vmem>>
    tpu.enqueue_dma source(%dma_start3A_346 : memref<640x32xf32, #tpu.memory_space<vmem>>) target(%dma_start3A_342 : memref<640x32xf32, #tpu.memory_space<hbm>>) target_semaphore(%arg16 : memref<!tpu.dma_semaphore, #tpu.memory_space<semaphore_mem>>)
    %scan3A_347 = arith.constant 0 : i32
    %scan3A_348 = arith.constant 51 : i32
    %scan3A_349 = arith.addi %scan3A_347, %scan3A_348 : i32
    %scan3A_350 = arith.constant 1 : i32
    scf.for %scan3A_630 = %scan3A_347 to %scan3A_349 step %scan3A_350  : i32 {
      %mul3A_631 = arith.constant 3 : i32
      %mul3A_632 = arith.muli %scan3A_630, %mul3A_631 : i32
      %add3A_633 = arith.constant 3 : i32
      %add3A_634 = arith.addi %add3A_633, %mul3A_632 : i32
      %add3A_635 = arith.constant 0 : i32
      %add3A_636 = arith.addi %add3A_634, %add3A_635 : i32
      %dma_wait3A_637 = arith.constant 0 : i32
      %dma_wait3A_638 = arith.constant 0 : i32
      %dma_wait3A_639 = arith.constant 0 : i32
      %dma_wait3A_640 = arith.constant 0 : i32
      %dma_wait3A_641 = arith.constant 0 : i32
      %dma_wait3A_642 = tpu.memref_slice %arg6[%dma_wait3A_639, %dma_wait3A_640, %dma_wait3A_641] : memref<3x640x32xf32, #tpu.memory_space<vmem>> -> memref<1x640x32xf32, #tpu.memory_space<vmem>>
      %dma_wait3A_643 = tpu.memref_squeeze %dma_wait3A_642 : memref<1x640x32xf32, #tpu.memory_space<vmem>> -> memref<640x32xf32, #tpu.memory_space<vmem>>
      %dma_wait3A_644 = arith.constant 0 : i32
      %dma_wait3A_645 = tpu.memref_slice %arg5[%dma_wait3A_637, %dma_wait3A_638, %dma_wait3A_644] : memref<3x1x640xi32, #tpu.memory_space<vmem>> -> memref<1x1x640xi32, #tpu.memory_space<vmem>>
      %dma_wait3A_646 = tpu.memref_squeeze %dma_wait3A_645 : memref<1x1x640xi32, #tpu.memory_space<vmem>> -> memref<640xi32, #tpu.memory_space<vmem>>
      %dma_wait3A_647 = arith.constant 0 : i32
      %dma_wait3A_648 = arith.constant 0 : i32
      %dma_wait3A_649 = tpu.memref_slice %arg3[%dma_wait3A_647, %dma_wait3A_648] : memref<1000000x32xf32, #tpu.memory_space<hbm>> -> memref<1000000x32xf32, #tpu.memory_space<hbm>>
      tpu.wait_indirect_dma semaphore(%arg11 : memref<!tpu.dma_semaphore, #tpu.memory_space<semaphore_mem>>) src(%dma_wait3A_649 : memref<1000000x32xf32, #tpu.memory_space<hbm>>) dst(%dma_wait3A_643 : memref<640x32xf32, #tpu.memory_space<vmem>>)
      %add3A_650 = arith.constant 3 : i32
      %add3A_651 = arith.addi %add3A_636, %add3A_650 : i32
      %add3A_652 = arith.addi %mul3A_4, %add3A_651 : i32
      %dma_start3A_653 = arith.constant 0 : i32
      %dma_start3A_654 = arith.constant 0 : i32
      %dma_start3A_655 = arith.constant 0 : i32
      %dma_start3A_656 = tpu.memref_slice %arg5[%dma_start3A_653, %dma_start3A_654, %dma_start3A_655] : memref<3x1x640xi32, #tpu.memory_space<vmem>> -> memref<1x1x640xi32, #tpu.memory_space<vmem>>
      %dma_start3A_657 = tpu.memref_squeeze %dma_start3A_656 : memref<1x1x640xi32, #tpu.memory_space<vmem>> -> memref<1x640xi32, #tpu.memory_space<vmem>>
      %dma_start3A_658 = arith.constant 0 : i32
      %dma_start3A_659 = tpu.memref_slice %arg2[%add3A_652, %dma_start3A_658] : memref<5120x640xi32, #tpu.memory_space<hbm>> -> memref<1x640xi32, #tpu.memory_space<hbm>>
      %dma_start3A_660 = arith.constant 0 : i32
      %dma_start3A_661 = arith.constant 0 : i32
      %dma_start3A_662 = tpu.memref_slice %arg5[%dma_start3A_653, %dma_start3A_660, %dma_start3A_661] : memref<3x1x640xi32, #tpu.memory_space<vmem>> -> memref<1x1x640xi32, #tpu.memory_space<vmem>>
      %dma_start3A_663 = tpu.memref_squeeze %dma_start3A_662 : memref<1x1x640xi32, #tpu.memory_space<vmem>> -> memref<1x640xi32, #tpu.memory_space<vmem>>
      %dma_start3A_664 = arith.constant 0 : i32
      %dma_start3A_665 = tpu.memref_slice %arg2[%add3A_652, %dma_start3A_664] : memref<5120x640xi32, #tpu.memory_space<hbm>> -> memref<1x640xi32, #tpu.memory_space<hbm>>
      tpu.enqueue_dma source(%dma_start3A_665 : memref<1x640xi32, #tpu.memory_space<hbm>>) target(%dma_start3A_663 : memref<1x640xi32, #tpu.memory_space<vmem>>) target_semaphore(%arg8 : memref<!tpu.dma_semaphore, #tpu.memory_space<semaphore_mem>>)
      %sub3A = arith.constant 3 : i32
      %sub3A_666 = arith.subi %add3A_636, %sub3A : i32
      %mul3A_667 = arith.constant 640 : i32
      %mul3A_668 = arith.muli %sub3A_666, %mul3A_667 : i32
      %add3A_669 = arith.addi %mul3A_2, %mul3A_668 : i32
      %dma_wait3A_670 = arith.constant 0 : i32
      %dma_wait3A_671 = arith.constant 0 : i32
      %dma_wait3A_672 = arith.constant 0 : i32
      %dma_wait3A_673 = tpu.memref_slice %arg7[%dma_wait3A_670, %dma_wait3A_671, %dma_wait3A_672] : memref<3x640x32xf32, #tpu.memory_space<vmem>> -> memref<1x640x32xf32, #tpu.memory_space<vmem>>
      %dma_wait3A_674 = tpu.memref_squeeze %dma_wait3A_673 : memref<1x640x32xf32, #tpu.memory_space<vmem>> -> memref<640x32xf32, #tpu.memory_space<vmem>>
      %dma_wait3A_675 = arith.constant 0 : i32
      %dma_wait3A_676 = tpu.memref_slice %arg4[%add3A_669, %dma_wait3A_675] : memref<3276800x32xf32, #tpu.memory_space<hbm>> -> memref<640x32xf32, #tpu.memory_space<hbm>>
      %dma_wait3A_677 = arith.constant 0 : i32
      %dma_wait3A_678 = tpu.memref_slice %arg4[%add3A_669, %dma_wait3A_677] : memref<3276800x32xf32, #tpu.memory_space<hbm>> -> memref<640x32xf32, #tpu.memory_space<hbm>>
      %dma_wait3A_679 = arith.constant 0 : i32
      %dma_wait3A_680 = arith.constant 0 : i32
      %dma_wait3A_681 = tpu.memref_slice %arg7[%dma_wait3A_670, %dma_wait3A_679, %dma_wait3A_680] : memref<3x640x32xf32, #tpu.memory_space<vmem>> -> memref<1x640x32xf32, #tpu.memory_space<vmem>>
      %dma_wait3A_682 = tpu.memref_squeeze %dma_wait3A_681 : memref<1x640x32xf32, #tpu.memory_space<vmem>> -> memref<640x32xf32, #tpu.memory_space<vmem>>
      tpu.wait_dma2 semaphore(%arg14 : memref<!tpu.dma_semaphore, #tpu.memory_space<semaphore_mem>>) src(%dma_wait3A_682 : memref<640x32xf32, #tpu.memory_space<vmem>>) dst(%dma_wait3A_678 : memref<640x32xf32, #tpu.memory_space<hbm>>)
      %scan3A_683 = arith.constant 0 : i32
      %scan3A_684 = arith.constant 160 : i32
      %scan3A_685 = arith.addi %scan3A_683, %scan3A_684 : i32
      %scan3A_686 = arith.constant 1 : i32
      scf.for %scan3A_922 = %scan3A_683 to %scan3A_685 step %scan3A_686  : i32 {
        %mul3A_923 = arith.constant 4 : i32
        %mul3A_924 = arith.muli %scan3A_922, %mul3A_923 : i32
        %add3A_925 = arith.constant 0 : i32
        %add3A_926 = arith.addi %add3A_925, %mul3A_924 : i32
        %add3A_927 = arith.constant 0 : i32
        %add3A_928 = arith.addi %add3A_926, %add3A_927 : i32
        %get3A = arith.constant 0 : i32
        %get3A_929 = arith.index_cast %get3A : i32 to index
        %get3A_930 = arith.index_cast %add3A_928 : i32 to index
        %get3A_931 = arith.constant 0 : index
        %get3A_932 = tpu.vector_load %arg6[%get3A_929, %get3A_930, %get3A_931] {strides = array<i32>} : memref<3x640x32xf32, #tpu.memory_space<vmem>>, vector<1x1x16xf32>,
        %get3A_933 = vector.shape_cast %get3A_932 : vector<1x1x16xf32> to vector<16xf32>
        %mul3A_934 = arith.constant 5.65685415 : f32
        %mul3A_935 = vector.broadcast %mul3A_934 : f32 to vector<16xf32>
        %mul3A_936 = arith.mulf %get3A_933, %mul3A_935 : vector<16xf32>
        %add3A_937 = arith.constant 0 : i32
        %add3A_938 = arith.addi %add3A_926, %add3A_937 : i32
        %swap3A = arith.constant 0 : i32
        %swap3A_939 = arith.index_cast %swap3A : i32 to index
        %swap3A_940 = arith.index_cast %add3A_938 : i32 to index
        %swap3A_941 = arith.constant 0 : index
        %swap3A_942 = tpu.vector_load %arg7[%swap3A_939, %swap3A_940, %swap3A_941] {strides = array<i32>} : memref<3x640x32xf32, #tpu.memory_space<vmem>>, vector<1x1x16xf32>,
        %swap3A_943 = vector.shape_cast %swap3A_942 : vector<1x1x16xf32> to vector<16xf32>
        %swap3A_944 = vector.shape_cast %mul3A_936 : vector<16xf32> to vector<1x1x16xf32>
        tpu.vector_store %arg7[%swap3A_939, %swap3A_940, %swap3A_941], %swap3A_944 {strides = array<i32>} : memref<3x640x32xf32, #tpu.memory_space<vmem>>, vector<1x1x16xf32>,
        %add3A_945 = arith.constant 0 : i32
        %add3A_946 = arith.addi %add3A_926, %add3A_945 : i32
        %get3A_947 = arith.constant 0 : i32
        %get3A_948 = arith.index_cast %get3A_947 : i32 to index
        %get3A_949 = arith.index_cast %add3A_946 : i32 to index
        %get3A_950 = arith.constant 16 : index
        %get3A_951 = tpu.vector_load %arg6[%get3A_948, %get3A_949, %get3A_950] {strides = array<i32>} : memref<3x640x32xf32, #tpu.memory_space<vmem>>, vector<1x1x16xf32>,
        %get3A_952 = vector.shape_cast %get3A_951 : vector<1x1x16xf32> to vector<16xf32>
        %mul3A_953 = arith.constant 5.65685415 : f32
        %mul3A_954 = vector.broadcast %mul3A_953 : f32 to vector<16xf32>
        %mul3A_955 = arith.mulf %get3A_952, %mul3A_954 : vector<16xf32>
        %add3A_956 = arith.constant 0 : i32
        %add3A_957 = arith.addi %add3A_926, %add3A_956 : i32
        %swap3A_958 = arith.constant 0 : i32
        %swap3A_959 = arith.index_cast %swap3A_958 : i32 to index
        %swap3A_960 = arith.index_cast %add3A_957 : i32 to index
        %swap3A_961 = arith.constant 16 : index
        %swap3A_962 = tpu.vector_load %arg7[%swap3A_959, %swap3A_960, %swap3A_961] {strides = array<i32>} : memref<3x640x32xf32, #tpu.memory_space<vmem>>, vector<1x1x16xf32>,
        %swap3A_963 = vector.shape_cast %swap3A_962 : vector<1x1x16xf32> to vector<16xf32>
        %swap3A_964 = vector.shape_cast %mul3A_955 : vector<16xf32> to vector<1x1x16xf32>
        tpu.vector_store %arg7[%swap3A_959, %swap3A_960, %swap3A_961], %swap3A_964 {strides = array<i32>} : memref<3x640x32xf32, #tpu.memory_space<vmem>>, vector<1x1x16xf32>,
        %add3A_965 = arith.constant 1 : i32
        %add3A_966 = arith.addi %add3A_926, %add3A_965 : i32
        %get3A_967 = arith.constant 0 : i32
        %get3A_968 = arith.index_cast %get3A_967 : i32 to index
        %get3A_969 = arith.index_cast %add3A_966 : i32 to index
        %get3A_970 = arith.constant 0 : index
        %get3A_971 = tpu.vector_load %arg6[%get3A_968, %get3A_969, %get3A_970] {strides = array<i32>} : memref<3x640x32xf32, #tpu.memory_space<vmem>>, vector<1x1x16xf32>,
        %get3A_972 = vector.shape_cast %get3A_971 : vector<1x1x16xf32> to vector<16xf32>
        %mul3A_973 = arith.constant 5.65685415 : f32
        %mul3A_974 = vector.broadcast %mul3A_973 : f32 to vector<16xf32>
        %mul3A_975 = arith.mulf %get3A_972, %mul3A_974 : vector<16xf32>
        %add3A_976 = arith.constant 1 : i32
        %add3A_977 = arith.addi %add3A_926, %add3A_976 : i32
        %swap3A_978 = arith.constant 0 : i32
        %swap3A_979 = arith.index_cast %swap3A_978 : i32 to index
        %swap3A_980 = arith.index_cast %add3A_977 : i32 to index
        %swap3A_981 = arith.constant 0 : index
        %swap3A_982 = tpu.vector_load %arg7[%swap3A_979, %swap3A_980, %swap3A_981] {strides = array<i32>} : memref<3x640x32xf32, #tpu.memory_space<vmem>>, vector<1x1x16xf32>,
        %swap3A_983 = vector.shape_cast %swap3A_982 : vector<1x1x16xf32> to vector<16xf32>
        %swap3A_984 = vector.shape_cast %mul3A_975 : vector<16xf32> to vector<1x1x16xf32>
        tpu.vector_store %arg7[%swap3A_979, %swap3A_980, %swap3A_981], %swap3A_984 {strides = array<i32>} : memref<3x640x32xf32, #tpu.memory_space<vmem>>, vector<1x1x16xf32>,
        %add3A_985 = arith.constant 1 : i32
        %add3A_986 = arith.addi %add3A_926, %add3A_985 : i32
        %get3A_987 = arith.constant 0 : i32
        %get3A_988 = arith.index_cast %get3A_987 : i32 to index
        %get3A_989 = arith.index_cast %add3A_986 : i32 to index
        %get3A_990 = arith.constant 16 : index
        %get3A_991 = tpu.vector_load %arg6[%get3A_988, %get3A_989, %get3A_990] {strides = array<i32>} : memref<3x640x32xf32, #tpu.memory_space<vmem>>, vector<1x1x16xf32>,
        %get3A_992 = vector.shape_cast %get3A_991 : vector<1x1x16xf32> to vector<16xf32>
        %mul3A_993 = arith.constant 5.65685415 : f32
        %mul3A_994 = vector.broadcast %mul3A_993 : f32 to vector<16xf32>
        %mul3A_995 = arith.mulf %get3A_992, %mul3A_994 : vector<16xf32>
        %add3A_996 = arith.constant 1 : i32
        %add3A_997 = arith.addi %add3A_926, %add3A_996 : i32
        %swap3A_998 = arith.constant 0 : i32
        %swap3A_999 = arith.index_cast %swap3A_998 : i32 to index
        %swap3A_1000 = arith.index_cast %add3A_997 : i32 to index
        %swap3A_1001 = arith.constant 16 : index
        %swap3A_1002 = tpu.vector_load %arg7[%swap3A_999, %swap3A_1000, %swap3A_1001] {strides = array<i32>} : memref<3x640x32xf32, #tpu.memory_space<vmem>>, vector<1x1x16xf32>,
        %swap3A_1003 = vector.shape_cast %swap3A_1002 : vector<1x1x16xf32> to vector<16xf32>
        %swap3A_1004 = vector.shape_cast %mul3A_995 : vector<16xf32> to vector<1x1x16xf32>
        tpu.vector_store %arg7[%swap3A_999, %swap3A_1000, %swap3A_1001], %swap3A_1004 {strides = array<i32>} : memref<3x640x32xf32, #tpu.memory_space<vmem>>, vector<1x1x16xf32>,
        %add3A_1005 = arith.constant 2 : i32
        %add3A_1006 = arith.addi %add3A_926, %add3A_1005 : i32
        %get3A_1007 = arith.constant 0 : i32
        %get3A_1008 = arith.index_cast %get3A_1007 : i32 to index
        %get3A_1009 = arith.index_cast %add3A_1006 : i32 to index
        %get3A_1010 = arith.constant 0 : index
        %get3A_1011 = tpu.vector_load %arg6[%get3A_1008, %get3A_1009, %get3A_1010] {strides = array<i32>} : memref<3x640x32xf32, #tpu.memory_space<vmem>>, vector<1x1x16xf32>,
        %get3A_1012 = vector.shape_cast %get3A_1011 : vector<1x1x16xf32> to vector<16xf32>
        %mul3A_1013 = arith.constant 5.65685415 : f32
        %mul3A_1014 = vector.broadcast %mul3A_1013 : f32 to vector<16xf32>
        %mul3A_1015 = arith.mulf %get3A_1012, %mul3A_1014 : vector<16xf32>
        %add3A_1016 = arith.constant 2 : i32
        %add3A_1017 = arith.addi %add3A_926, %add3A_1016 : i32
        %swap3A_1018 = arith.constant 0 : i32
        %swap3A_1019 = arith.index_cast %swap3A_1018 : i32 to index
        %swap3A_1020 = arith.index_cast %add3A_1017 : i32 to index
        %swap3A_1021 = arith.constant 0 : index
        %swap3A_1022 = tpu.vector_load %arg7[%swap3A_1019, %swap3A_1020, %swap3A_1021] {strides = array<i32>} : memref<3x640x32xf32, #tpu.memory_space<vmem>>, vector<1x1x16xf32>,
        %swap3A_1023 = vector.shape_cast %swap3A_1022 : vector<1x1x16xf32> to vector<16xf32>
        %swap3A_1024 = vector.shape_cast %mul3A_1015 : vector<16xf32> to vector<1x1x16xf32>
        tpu.vector_store %arg7[%swap3A_1019, %swap3A_1020, %swap3A_1021], %swap3A_1024 {strides = array<i32>} : memref<3x640x32xf32, #tpu.memory_space<vmem>>, vector<1x1x16xf32>,
        %add3A_1025 = arith.constant 2 : i32
        %add3A_1026 = arith.addi %add3A_926, %add3A_1025 : i32
        %get3A_1027 = arith.constant 0 : i32
        %get3A_1028 = arith.index_cast %get3A_1027 : i32 to index
        %get3A_1029 = arith.index_cast %add3A_1026 : i32 to index
        %get3A_1030 = arith.constant 16 : index
        %get3A_1031 = tpu.vector_load %arg6[%get3A_1028, %get3A_1029, %get3A_1030] {strides = array<i32>} : memref<3x640x32xf32, #tpu.memory_space<vmem>>, vector<1x1x16xf32>,
        %get3A_1032 = vector.shape_cast %get3A_1031 : vector<1x1x16xf32> to vector<16xf32>
        %mul3A_1033 = arith.constant 5.65685415 : f32
        %mul3A_1034 = vector.broadcast %mul3A_1033 : f32 to vector<16xf32>
        %mul3A_1035 = arith.mulf %get3A_1032, %mul3A_1034 : vector<16xf32>
        %add3A_1036 = arith.constant 2 : i32
        %add3A_1037 = arith.addi %add3A_926, %add3A_1036 : i32
        %swap3A_1038 = arith.constant 0 : i32
        %swap3A_1039 = arith.index_cast %swap3A_1038 : i32 to index
        %swap3A_1040 = arith.index_cast %add3A_1037 : i32 to index
        %swap3A_1041 = arith.constant 16 : index
        %swap3A_1042 = tpu.vector_load %arg7[%swap3A_1039, %swap3A_1040, %swap3A_1041] {strides = array<i32>} : memref<3x640x32xf32, #tpu.memory_space<vmem>>, vector<1x1x16xf32>,
        %swap3A_1043 = vector.shape_cast %swap3A_1042 : vector<1x1x16xf32> to vector<16xf32>
        %swap3A_1044 = vector.shape_cast %mul3A_1035 : vector<16xf32> to vector<1x1x16xf32>
        tpu.vector_store %arg7[%swap3A_1039, %swap3A_1040, %swap3A_1041], %swap3A_1044 {strides = array<i32>} : memref<3x640x32xf32, #tpu.memory_space<vmem>>, vector<1x1x16xf32>,
        %add3A_1045 = arith.constant 3 : i32
        %add3A_1046 = arith.addi %add3A_926, %add3A_1045 : i32
        %get3A_1047 = arith.constant 0 : i32
        %get3A_1048 = arith.index_cast %get3A_1047 : i32 to index
        %get3A_1049 = arith.index_cast %add3A_1046 : i32 to index
        %get3A_1050 = arith.constant 0 : index
        %get3A_1051 = tpu.vector_load %arg6[%get3A_1048, %get3A_1049, %get3A_1050] {strides = array<i32>} : memref<3x640x32xf32, #tpu.memory_space<vmem>>, vector<1x1x16xf32>,
        %get3A_1052 = vector.shape_cast %get3A_1051 : vector<1x1x16xf32> to vector<16xf32>
        %mul3A_1053 = arith.constant 5.65685415 : f32
        %mul3A_1054 = vector.broadcast %mul3A_1053 : f32 to vector<16xf32>
        %mul3A_1055 = arith.mulf %get3A_1052, %mul3A_1054 : vector<16xf32>
        %add3A_1056 = arith.constant 3 : i32
        %add3A_1057 = arith.addi %add3A_926, %add3A_1056 : i32
        %swap3A_1058 = arith.constant 0 : i32
        %swap3A_1059 = arith.index_cast %swap3A_1058 : i32 to index
        %swap3A_1060 = arith.index_cast %add3A_1057 : i32 to index
        %swap3A_1061 = arith.constant 0 : index
        %swap3A_1062 = tpu.vector_load %arg7[%swap3A_1059, %swap3A_1060, %swap3A_1061] {strides = array<i32>} : memref<3x640x32xf32, #tpu.memory_space<vmem>>, vector<1x1x16xf32>,
        %swap3A_1063 = vector.shape_cast %swap3A_1062 : vector<1x1x16xf32> to vector<16xf32>
        %swap3A_1064 = vector.shape_cast %mul3A_1055 : vector<16xf32> to vector<1x1x16xf32>
        tpu.vector_store %arg7[%swap3A_1059, %swap3A_1060, %swap3A_1061], %swap3A_1064 {strides = array<i32>} : memref<3x640x32xf32, #tpu.memory_space<vmem>>, vector<1x1x16xf32>,
        %add3A_1065 = arith.constant 3 : i32
        %add3A_1066 = arith.addi %add3A_926, %add3A_1065 : i32
        %get3A_1067 = arith.constant 0 : i32
        %get3A_1068 = arith.index_cast %get3A_1067 : i32 to index
        %get3A_1069 = arith.index_cast %add3A_1066 : i32 to index
        %get3A_1070 = arith.constant 16 : index
        %get3A_1071 = tpu.vector_load %arg6[%get3A_1068, %get3A_1069, %get3A_1070] {strides = array<i32>} : memref<3x640x32xf32, #tpu.memory_space<vmem>>, vector<1x1x16xf32>,
        %get3A_1072 = vector.shape_cast %get3A_1071 : vector<1x1x16xf32> to vector<16xf32>
        %mul3A_1073 = arith.constant 5.65685415 : f32
        %mul3A_1074 = vector.broadcast %mul3A_1073 : f32 to vector<16xf32>
        %mul3A_1075 = arith.mulf %get3A_1072, %mul3A_1074 : vector<16xf32>
        %add3A_1076 = arith.constant 3 : i32
        %add3A_1077 = arith.addi %add3A_926, %add3A_1076 : i32
        %swap3A_1078 = arith.constant 0 : i32
        %swap3A_1079 = arith.index_cast %swap3A_1078 : i32 to index
        %swap3A_1080 = arith.index_cast %add3A_1077 : i32 to index
        %swap3A_1081 = arith.constant 16 : index
        %swap3A_1082 = tpu.vector_load %arg7[%swap3A_1079, %swap3A_1080, %swap3A_1081] {strides = array<i32>} : memref<3x640x32xf32, #tpu.memory_space<vmem>>, vector<1x1x16xf32>,
        %swap3A_1083 = vector.shape_cast %swap3A_1082 : vector<1x1x16xf32> to vector<16xf32>
        %swap3A_1084 = vector.shape_cast %mul3A_1075 : vector<16xf32> to vector<1x1x16xf32>
        tpu.vector_store %arg7[%swap3A_1079, %swap3A_1080, %swap3A_1081], %swap3A_1084 {strides = array<i32>} : memref<3x640x32xf32, #tpu.memory_space<vmem>>, vector<1x1x16xf32>,
      }
      %scan3A_687 = arith.constant 160 : i32
      %dma_wait3A_688 = arith.constant 0 : i32
      %dma_wait3A_689 = arith.constant 0 : i32
      %dma_wait3A_690 = arith.constant 0 : i32
      %dma_wait3A_691 = tpu.memref_slice %arg5[%dma_wait3A_688, %dma_wait3A_689, %dma_wait3A_690] : memref<3x1x640xi32, #tpu.memory_space<vmem>> -> memref<1x1x640xi32, #tpu.memory_space<vmem>>
      %dma_wait3A_692 = tpu.memref_squeeze %dma_wait3A_691 : memref<1x1x640xi32, #tpu.memory_space<vmem>> -> memref<1x640xi32, #tpu.memory_space<vmem>>
      %dma_wait3A_693 = arith.constant 0 : i32
      %dma_wait3A_694 = tpu.memref_slice %arg2[%add3A_652, %dma_wait3A_693] : memref<5120x640xi32, #tpu.memory_space<hbm>> -> memref<1x640xi32, #tpu.memory_space<hbm>>
      %dma_wait3A_695 = arith.constant 0 : i32
      %dma_wait3A_696 = arith.constant 0 : i32
      %dma_wait3A_697 = tpu.memref_slice %arg5[%dma_wait3A_688, %dma_wait3A_695, %dma_wait3A_696] : memref<3x1x640xi32, #tpu.memory_space<vmem>> -> memref<1x1x640xi32, #tpu.memory_space<vmem>>
      %dma_wait3A_698 = tpu.memref_squeeze %dma_wait3A_697 : memref<1x1x640xi32, #tpu.memory_space<vmem>> -> memref<1x640xi32, #tpu.memory_space<vmem>>
      %dma_wait3A_699 = arith.constant 0 : i32
      %dma_wait3A_700 = tpu.memref_slice %arg2[%add3A_652, %dma_wait3A_699] : memref<5120x640xi32, #tpu.memory_space<hbm>> -> memref<1x640xi32, #tpu.memory_space<hbm>>
      tpu.wait_dma2 semaphore(%arg8 : memref<!tpu.dma_semaphore, #tpu.memory_space<semaphore_mem>>) src(%dma_wait3A_700 : memref<1x640xi32, #tpu.memory_space<hbm>>) dst(%dma_wait3A_698 : memref<1x640xi32, #tpu.memory_space<vmem>>)
      %dma_start3A_701 = arith.constant 0 : i32
      %dma_start3A_702 = arith.constant 0 : i32
      %dma_start3A_703 = arith.constant 0 : i32
      %dma_start3A_704 = arith.constant 0 : i32
      %dma_start3A_705 = arith.constant 0 : i32
      %dma_start3A_706 = tpu.memref_slice %arg6[%dma_start3A_703, %dma_start3A_704, %dma_start3A_705] : memref<3x640x32xf32, #tpu.memory_space<vmem>> -> memref<1x640x32xf32, #tpu.memory_space<vmem>>
      %dma_start3A_707 = tpu.memref_squeeze %dma_start3A_706 : memref<1x640x32xf32, #tpu.memory_space<vmem>> -> memref<640x32xf32, #tpu.memory_space<vmem>>
      %dma_start3A_708 = arith.constant 0 : i32
      %dma_start3A_709 = tpu.memref_slice %arg5[%dma_start3A_701, %dma_start3A_702, %dma_start3A_708] : memref<3x1x640xi32, #tpu.memory_space<vmem>> -> memref<1x1x640xi32, #tpu.memory_space<vmem>>
      %dma_start3A_710 = tpu.memref_squeeze %dma_start3A_709 : memref<1x1x640xi32, #tpu.memory_space<vmem>> -> memref<640xi32, #tpu.memory_space<vmem>>
      %dma_start3A_711 = arith.constant 0 : i32
      %dma_start3A_712 = arith.constant 0 : i32
      %dma_start3A_713 = tpu.memref_slice %arg3[%dma_start3A_711, %dma_start3A_712] : memref<1000000x32xf32, #tpu.memory_space<hbm>> -> memref<1000000x32xf32, #tpu.memory_space<hbm>>
      tpu.enqueue_indirect_dma source(%dma_start3A_713 : memref<1000000x32xf32, #tpu.memory_space<hbm>>) target(%dma_start3A_707 : memref<640x32xf32, #tpu.memory_space<vmem>>) offsets(%dma_start3A_710 : memref<640xi32, #tpu.memory_space<vmem>>) semaphore(%arg11 : memref<!tpu.dma_semaphore, #tpu.memory_space<semaphore_mem>>)
      %mul3A_714 = arith.constant 640 : i32
      %mul3A_715 = arith.muli %add3A_636, %mul3A_714 : i32
      %add3A_716 = arith.addi %mul3A_2, %mul3A_715 : i32
      %dma_start3A_717 = arith.constant 0 : i32
      %dma_start3A_718 = arith.constant 0 : i32
      %dma_start3A_719 = arith.constant 0 : i32
      %dma_start3A_720 = tpu.memref_slice %arg7[%dma_start3A_717, %dma_start3A_718, %dma_start3A_719] : memref<3x640x32xf32, #tpu.memory_space<vmem>> -> memref<1x640x32xf32, #tpu.memory_space<vmem>>
      %dma_start3A_721 = tpu.memref_squeeze %dma_start3A_720 : memref<1x640x32xf32, #tpu.memory_space<vmem>> -> memref<640x32xf32, #tpu.memory_space<vmem>>
      %dma_start3A_722 = arith.constant 0 : i32
      %dma_start3A_723 = tpu.memref_slice %arg4[%add3A_716, %dma_start3A_722] : memref<3276800x32xf32, #tpu.memory_space<hbm>> -> memref<640x32xf32, #tpu.memory_space<hbm>>
      %dma_start3A_724 = arith.constant 0 : i32
      %dma_start3A_725 = tpu.memref_slice %arg4[%add3A_716, %dma_start3A_724] : memref<3276800x32xf32, #tpu.memory_space<hbm>> -> memref<640x32xf32, #tpu.memory_space<hbm>>
      %dma_start3A_726 = arith.constant 0 : i32
      %dma_start3A_727 = arith.constant 0 : i32
      %dma_start3A_728 = tpu.memref_slice %arg7[%dma_start3A_717, %dma_start3A_726, %dma_start3A_727] : memref<3x640x32xf32, #tpu.memory_space<vmem>> -> memref<1x640x32xf32, #tpu.memory_space<vmem>>
      %dma_start3A_729 = tpu.memref_squeeze %dma_start3A_728 : memref<1x640x32xf32, #tpu.memory_space<vmem>> -> memref<640x32xf32, #tpu.memory_space<vmem>>
      tpu.enqueue_dma source(%dma_start3A_729 : memref<640x32xf32, #tpu.memory_space<vmem>>) target(%dma_start3A_725 : memref<640x32xf32, #tpu.memory_space<hbm>>) target_semaphore(%arg14 : memref<!tpu.dma_semaphore, #tpu.memory_space<semaphore_mem>>)
      %add3A_730 = arith.constant 1 : i32
      %add3A_731 = arith.addi %add3A_634, %add3A_730 : i32
      %dma_wait3A_732 = arith.constant 1 : i32
      %dma_wait3A_733 = arith.constant 0 : i32
      %dma_wait3A_734 = arith.constant 1 : i32
      %dma_wait3A_735 = arith.constant 0 : i32
      %dma_wait3A_736 = arith.constant 0 : i32
      %dma_wait3A_737 = tpu.memref_slice %arg6[%dma_wait3A_734, %dma_wait3A_735, %dma_wait3A_736] : memref<3x640x32xf32, #tpu.memory_space<vmem>> -> memref<1x640x32xf32, #tpu.memory_space<vmem>>
      %dma_wait3A_738 = tpu.memref_squeeze %dma_wait3A_737 : memref<1x640x32xf32, #tpu.memory_space<vmem>> -> memref<640x32xf32, #tpu.memory_space<vmem>>
      %dma_wait3A_739 = arith.constant 0 : i32
      %dma_wait3A_740 = tpu.memref_slice %arg5[%dma_wait3A_732, %dma_wait3A_733, %dma_wait3A_739] : memref<3x1x640xi32, #tpu.memory_space<vmem>> -> memref<1x1x640xi32, #tpu.memory_space<vmem>>
      %dma_wait3A_741 = tpu.memref_squeeze %dma_wait3A_740 : memref<1x1x640xi32, #tpu.memory_space<vmem>> -> memref<640xi32, #tpu.memory_space<vmem>>
      %dma_wait3A_742 = arith.constant 0 : i32
      %dma_wait3A_743 = arith.constant 0 : i32
      %dma_wait3A_744 = tpu.memref_slice %arg3[%dma_wait3A_742, %dma_wait3A_743] : memref<1000000x32xf32, #tpu.memory_space<hbm>> -> memref<1000000x32xf32, #tpu.memory_space<hbm>>
      tpu.wait_indirect_dma semaphore(%arg12 : memref<!tpu.dma_semaphore, #tpu.memory_space<semaphore_mem>>) src(%dma_wait3A_744 : memref<1000000x32xf32, #tpu.memory_space<hbm>>) dst(%dma_wait3A_738 : memref<640x32xf32, #tpu.memory_space<vmem>>)
      %add3A_745 = arith.constant 3 : i32
      %add3A_746 = arith.addi %add3A_731, %add3A_745 : i32
      %add3A_747 = arith.addi %mul3A_4, %add3A_746 : i32
      %dma_start3A_748 = arith.constant 1 : i32
      %dma_start3A_749 = arith.constant 0 : i32
      %dma_start3A_750 = arith.constant 0 : i32
      %dma_start3A_751 = tpu.memref_slice %arg5[%dma_start3A_748, %dma_start3A_749, %dma_start3A_750] : memref<3x1x640xi32, #tpu.memory_space<vmem>> -> memref<1x1x640xi32, #tpu.memory_space<vmem>>
      %dma_start3A_752 = tpu.memref_squeeze %dma_start3A_751 : memref<1x1x640xi32, #tpu.memory_space<vmem>> -> memref<1x640xi32, #tpu.memory_space<vmem>>
      %dma_start3A_753 = arith.constant 0 : i32
      %dma_start3A_754 = tpu.memref_slice %arg2[%add3A_747, %dma_start3A_753] : memref<5120x640xi32, #tpu.memory_space<hbm>> -> memref<1x640xi32, #tpu.memory_space<hbm>>
      %dma_start3A_755 = arith.constant 0 : i32
      %dma_start3A_756 = arith.constant 0 : i32
      %dma_start3A_757 = tpu.memref_slice %arg5[%dma_start3A_748, %dma_start3A_755, %dma_start3A_756] : memref<3x1x640xi32, #tpu.memory_space<vmem>> -> memref<1x1x640xi32, #tpu.memory_space<vmem>>
      %dma_start3A_758 = tpu.memref_squeeze %dma_start3A_757 : memref<1x1x640xi32, #tpu.memory_space<vmem>> -> memref<1x640xi32, #tpu.memory_space<vmem>>
      %dma_start3A_759 = arith.constant 0 : i32
      %dma_start3A_760 = tpu.memref_slice %arg2[%add3A_747, %dma_start3A_759] : memref<5120x640xi32, #tpu.memory_space<hbm>> -> memref<1x640xi32, #tpu.memory_space<hbm>>
      tpu.enqueue_dma source(%dma_start3A_760 : memref<1x640xi32, #tpu.memory_space<hbm>>) target(%dma_start3A_758 : memref<1x640xi32, #tpu.memory_space<vmem>>) target_semaphore(%arg9 : memref<!tpu.dma_semaphore, #tpu.memory_space<semaphore_mem>>)
      %sub3A_761 = arith.constant 3 : i32
      %sub3A_762 = arith.subi %add3A_731, %sub3A_761 : i32
      %mul3A_763 = arith.constant 640 : i32
      %mul3A_764 = arith.muli %sub3A_762, %mul3A_763 : i32
      %add3A_765 = arith.addi %mul3A_2, %mul3A_764 : i32
      %dma_wait3A_766 = arith.constant 1 : i32
      %dma_wait3A_767 = arith.constant 0 : i32
      %dma_wait3A_768 = arith.constant 0 : i32
      %dma_wait3A_769 = tpu.memref_slice %arg7[%dma_wait3A_766, %dma_wait3A_767, %dma_wait3A_768] : memref<3x640x32xf32, #tpu.memory_space<vmem>> -> memref<1x640x32xf32, #tpu.memory_space<vmem>>
      %dma_wait3A_770 = tpu.memref_squeeze %dma_wait3A_769 : memref<1x640x32xf32, #tpu.memory_space<vmem>> -> memref<640x32xf32, #tpu.memory_space<vmem>>
      %dma_wait3A_771 = arith.constant 0 : i32
      %dma_wait3A_772 = tpu.memref_slice %arg4[%add3A_765, %dma_wait3A_771] : memref<3276800x32xf32, #tpu.memory_space<hbm>> -> memref<640x32xf32, #tpu.memory_space<hbm>>
      %dma_wait3A_773 = arith.constant 0 : i32
      %dma_wait3A_774 = tpu.memref_slice %arg4[%add3A_765, %dma_wait3A_773] : memref<3276800x32xf32, #tpu.memory_space<hbm>> -> memref<640x32xf32, #tpu.memory_space<hbm>>
      %dma_wait3A_775 = arith.constant 0 : i32
      %dma_wait3A_776 = arith.constant 0 : i32
      %dma_wait3A_777 = tpu.memref_slice %arg7[%dma_wait3A_766, %dma_wait3A_775, %dma_wait3A_776] : memref<3x640x32xf32, #tpu.memory_space<vmem>> -> memref<1x640x32xf32, #tpu.memory_space<vmem>>
      %dma_wait3A_778 = tpu.memref_squeeze %dma_wait3A_777 : memref<1x640x32xf32, #tpu.memory_space<vmem>> -> memref<640x32xf32, #tpu.memory_space<vmem>>
      tpu.wait_dma2 semaphore(%arg15 : memref<!tpu.dma_semaphore, #tpu.memory_space<semaphore_mem>>) src(%dma_wait3A_778 : memref<640x32xf32, #tpu.memory_space<vmem>>) dst(%dma_wait3A_774 : memref<640x32xf32, #tpu.memory_space<hbm>>)
      %scan3A_779 = arith.constant 0 : i32
      %scan3A_780 = arith.constant 160 : i32
      %scan3A_781 = arith.addi %scan3A_779, %scan3A_780 : i32
      %scan3A_782 = arith.constant 1 : i32
      scf.for %scan3A_922 = %scan3A_779 to %scan3A_781 step %scan3A_782  : i32 {
        %mul3A_923 = arith.constant 4 : i32
        %mul3A_924 = arith.muli %scan3A_922, %mul3A_923 : i32
        %add3A_925 = arith.constant 0 : i32
        %add3A_926 = arith.addi %add3A_925, %mul3A_924 : i32
        %add3A_927 = arith.constant 0 : i32
        %add3A_928 = arith.addi %add3A_926, %add3A_927 : i32
        %get3A = arith.constant 1 : i32
        %get3A_929 = arith.index_cast %get3A : i32 to index
        %get3A_930 = arith.index_cast %add3A_928 : i32 to index
        %get3A_931 = arith.constant 0 : index
        %get3A_932 = tpu.vector_load %arg6[%get3A_929, %get3A_930, %get3A_931] {strides = array<i32>} : memref<3x640x32xf32, #tpu.memory_space<vmem>>, vector<1x1x16xf32>,
        %get3A_933 = vector.shape_cast %get3A_932 : vector<1x1x16xf32> to vector<16xf32>
        %mul3A_934 = arith.constant 5.65685415 : f32
        %mul3A_935 = vector.broadcast %mul3A_934 : f32 to vector<16xf32>
        %mul3A_936 = arith.mulf %get3A_933, %mul3A_935 : vector<16xf32>
        %add3A_937 = arith.constant 0 : i32
        %add3A_938 = arith.addi %add3A_926, %add3A_937 : i32
        %swap3A = arith.constant 1 : i32
        %swap3A_939 = arith.index_cast %swap3A : i32 to index
        %swap3A_940 = arith.index_cast %add3A_938 : i32 to index
        %swap3A_941 = arith.constant 0 : index
        %swap3A_942 = tpu.vector_load %arg7[%swap3A_939, %swap3A_940, %swap3A_941] {strides = array<i32>} : memref<3x640x32xf32, #tpu.memory_space<vmem>>, vector<1x1x16xf32>,
        %swap3A_943 = vector.shape_cast %swap3A_942 : vector<1x1x16xf32> to vector<16xf32>
        %swap3A_944 = vector.shape_cast %mul3A_936 : vector<16xf32> to vector<1x1x16xf32>
        tpu.vector_store %arg7[%swap3A_939, %swap3A_940, %swap3A_941], %swap3A_944 {strides = array<i32>} : memref<3x640x32xf32, #tpu.memory_space<vmem>>, vector<1x1x16xf32>,
        %add3A_945 = arith.constant 0 : i32
        %add3A_946 = arith.addi %add3A_926, %add3A_945 : i32
        %get3A_947 = arith.constant 1 : i32
        %get3A_948 = arith.index_cast %get3A_947 : i32 to index
        %get3A_949 = arith.index_cast %add3A_946 : i32 to index
        %get3A_950 = arith.constant 16 : index
        %get3A_951 = tpu.vector_load %arg6[%get3A_948, %get3A_949, %get3A_950] {strides = array<i32>} : memref<3x640x32xf32, #tpu.memory_space<vmem>>, vector<1x1x16xf32>,
        %get3A_952 = vector.shape_cast %get3A_951 : vector<1x1x16xf32> to vector<16xf32>
        %mul3A_953 = arith.constant 5.65685415 : f32
        %mul3A_954 = vector.broadcast %mul3A_953 : f32 to vector<16xf32>
        %mul3A_955 = arith.mulf %get3A_952, %mul3A_954 : vector<16xf32>
        %add3A_956 = arith.constant 0 : i32
        %add3A_957 = arith.addi %add3A_926, %add3A_956 : i32
        %swap3A_958 = arith.constant 1 : i32
        %swap3A_959 = arith.index_cast %swap3A_958 : i32 to index
        %swap3A_960 = arith.index_cast %add3A_957 : i32 to index
        %swap3A_961 = arith.constant 16 : index
        %swap3A_962 = tpu.vector_load %arg7[%swap3A_959, %swap3A_960, %swap3A_961] {strides = array<i32>} : memref<3x640x32xf32, #tpu.memory_space<vmem>>, vector<1x1x16xf32>,
        %swap3A_963 = vector.shape_cast %swap3A_962 : vector<1x1x16xf32> to vector<16xf32>
        %swap3A_964 = vector.shape_cast %mul3A_955 : vector<16xf32> to vector<1x1x16xf32>
        tpu.vector_store %arg7[%swap3A_959, %swap3A_960, %swap3A_961], %swap3A_964 {strides = array<i32>} : memref<3x640x32xf32, #tpu.memory_space<vmem>>, vector<1x1x16xf32>,
        %add3A_965 = arith.constant 1 : i32
        %add3A_966 = arith.addi %add3A_926, %add3A_965 : i32
        %get3A_967 = arith.constant 1 : i32
        %get3A_968 = arith.index_cast %get3A_967 : i32 to index
        %get3A_969 = arith.index_cast %add3A_966 : i32 to index
        %get3A_970 = arith.constant 0 : index
        %get3A_971 = tpu.vector_load %arg6[%get3A_968, %get3A_969, %get3A_970] {strides = array<i32>} : memref<3x640x32xf32, #tpu.memory_space<vmem>>, vector<1x1x16xf32>,
        %get3A_972 = vector.shape_cast %get3A_971 : vector<1x1x16xf32> to vector<16xf32>
        %mul3A_973 = arith.constant 5.65685415 : f32
        %mul3A_974 = vector.broadcast %mul3A_973 : f32 to vector<16xf32>
        %mul3A_975 = arith.mulf %get3A_972, %mul3A_974 : vector<16xf32>
        %add3A_976 = arith.constant 1 : i32
        %add3A_977 = arith.addi %add3A_926, %add3A_976 : i32
        %swap3A_978 = arith.constant 1 : i32
        %swap3A_979 = arith.index_cast %swap3A_978 : i32 to index
        %swap3A_980 = arith.index_cast %add3A_977 : i32 to index
        %swap3A_981 = arith.constant 0 : index
        %swap3A_982 = tpu.vector_load %arg7[%swap3A_979, %swap3A_980, %swap3A_981] {strides = array<i32>} : memref<3x640x32xf32, #tpu.memory_space<vmem>>, vector<1x1x16xf32>,
        %swap3A_983 = vector.shape_cast %swap3A_982 : vector<1x1x16xf32> to vector<16xf32>
        %swap3A_984 = vector.shape_cast %mul3A_975 : vector<16xf32> to vector<1x1x16xf32>
        tpu.vector_store %arg7[%swap3A_979, %swap3A_980, %swap3A_981], %swap3A_984 {strides = array<i32>} : memref<3x640x32xf32, #tpu.memory_space<vmem>>, vector<1x1x16xf32>,
        %add3A_985 = arith.constant 1 : i32
        %add3A_986 = arith.addi %add3A_926, %add3A_985 : i32
        %get3A_987 = arith.constant 1 : i32
        %get3A_988 = arith.index_cast %get3A_987 : i32 to index
        %get3A_989 = arith.index_cast %add3A_986 : i32 to index
        %get3A_990 = arith.constant 16 : index
        %get3A_991 = tpu.vector_load %arg6[%get3A_988, %get3A_989, %get3A_990] {strides = array<i32>} : memref<3x640x32xf32, #tpu.memory_space<vmem>>, vector<1x1x16xf32>,
        %get3A_992 = vector.shape_cast %get3A_991 : vector<1x1x16xf32> to vector<16xf32>
        %mul3A_993 = arith.constant 5.65685415 : f32
        %mul3A_994 = vector.broadcast %mul3A_993 : f32 to vector<16xf32>
        %mul3A_995 = arith.mulf %get3A_992, %mul3A_994 : vector<16xf32>
        %add3A_996 = arith.constant 1 : i32
        %add3A_997 = arith.addi %add3A_926, %add3A_996 : i32
        %swap3A_998 = arith.constant 1 : i32
        %swap3A_999 = arith.index_cast %swap3A_998 : i32 to index
        %swap3A_1000 = arith.index_cast %add3A_997 : i32 to index
        %swap3A_1001 = arith.constant 16 : index
        %swap3A_1002 = tpu.vector_load %arg7[%swap3A_999, %swap3A_1000, %swap3A_1001] {strides = array<i32>} : memref<3x640x32xf32, #tpu.memory_space<vmem>>, vector<1x1x16xf32>,
        %swap3A_1003 = vector.shape_cast %swap3A_1002 : vector<1x1x16xf32> to vector<16xf32>
        %swap3A_1004 = vector.shape_cast %mul3A_995 : vector<16xf32> to vector<1x1x16xf32>
        tpu.vector_store %arg7[%swap3A_999, %swap3A_1000, %swap3A_1001], %swap3A_1004 {strides = array<i32>} : memref<3x640x32xf32, #tpu.memory_space<vmem>>, vector<1x1x16xf32>,
        %add3A_1005 = arith.constant 2 : i32
        %add3A_1006 = arith.addi %add3A_926, %add3A_1005 : i32
        %get3A_1007 = arith.constant 1 : i32
        %get3A_1008 = arith.index_cast %get3A_1007 : i32 to index
        %get3A_1009 = arith.index_cast %add3A_1006 : i32 to index
        %get3A_1010 = arith.constant 0 : index
        %get3A_1011 = tpu.vector_load %arg6[%get3A_1008, %get3A_1009, %get3A_1010] {strides = array<i32>} : memref<3x640x32xf32, #tpu.memory_space<vmem>>, vector<1x1x16xf32>,
        %get3A_1012 = vector.shape_cast %get3A_1011 : vector<1x1x16xf32> to vector<16xf32>
        %mul3A_1013 = arith.constant 5.65685415 : f32
        %mul3A_1014 = vector.broadcast %mul3A_1013 : f32 to vector<16xf32>
        %mul3A_1015 = arith.mulf %get3A_1012, %mul3A_1014 : vector<16xf32>
        %add3A_1016 = arith.constant 2 : i32
        %add3A_1017 = arith.addi %add3A_926, %add3A_1016 : i32
        %swap3A_1018 = arith.constant 1 : i32
        %swap3A_1019 = arith.index_cast %swap3A_1018 : i32 to index
        %swap3A_1020 = arith.index_cast %add3A_1017 : i32 to index
        %swap3A_1021 = arith.constant 0 : index
        %swap3A_1022 = tpu.vector_load %arg7[%swap3A_1019, %swap3A_1020, %swap3A_1021] {strides = array<i32>} : memref<3x640x32xf32, #tpu.memory_space<vmem>>, vector<1x1x16xf32>,
        %swap3A_1023 = vector.shape_cast %swap3A_1022 : vector<1x1x16xf32> to vector<16xf32>
        %swap3A_1024 = vector.shape_cast %mul3A_1015 : vector<16xf32> to vector<1x1x16xf32>
        tpu.vector_store %arg7[%swap3A_1019, %swap3A_1020, %swap3A_1021], %swap3A_1024 {strides = array<i32>} : memref<3x640x32xf32, #tpu.memory_space<vmem>>, vector<1x1x16xf32>,
        %add3A_1025 = arith.constant 2 : i32
        %add3A_1026 = arith.addi %add3A_926, %add3A_1025 : i32
        %get3A_1027 = arith.constant 1 : i32
        %get3A_1028 = arith.index_cast %get3A_1027 : i32 to index
        %get3A_1029 = arith.index_cast %add3A_1026 : i32 to index
        %get3A_1030 = arith.constant 16 : index
        %get3A_1031 = tpu.vector_load %arg6[%get3A_1028, %get3A_1029, %get3A_1030] {strides = array<i32>} : memref<3x640x32xf32, #tpu.memory_space<vmem>>, vector<1x1x16xf32>,
        %get3A_1032 = vector.shape_cast %get3A_1031 : vector<1x1x16xf32> to vector<16xf32>
        %mul3A_1033 = arith.constant 5.65685415 : f32
        %mul3A_1034 = vector.broadcast %mul3A_1033 : f32 to vector<16xf32>
        %mul3A_1035 = arith.mulf %get3A_1032, %mul3A_1034 : vector<16xf32>
        %add3A_1036 = arith.constant 2 : i32
        %add3A_1037 = arith.addi %add3A_926, %add3A_1036 : i32
        %swap3A_1038 = arith.constant 1 : i32
        %swap3A_1039 = arith.index_cast %swap3A_1038 : i32 to index
        %swap3A_1040 = arith.index_cast %add3A_1037 : i32 to index
        %swap3A_1041 = arith.constant 16 : index
        %swap3A_1042 = tpu.vector_load %arg7[%swap3A_1039, %swap3A_1040, %swap3A_1041] {strides = array<i32>} : memref<3x640x32xf32, #tpu.memory_space<vmem>>, vector<1x1x16xf32>,
        %swap3A_1043 = vector.shape_cast %swap3A_1042 : vector<1x1x16xf32> to vector<16xf32>
        %swap3A_1044 = vector.shape_cast %mul3A_1035 : vector<16xf32> to vector<1x1x16xf32>
        tpu.vector_store %arg7[%swap3A_1039, %swap3A_1040, %swap3A_1041], %swap3A_1044 {strides = array<i32>} : memref<3x640x32xf32, #tpu.memory_space<vmem>>, vector<1x1x16xf32>,
        %add3A_1045 = arith.constant 3 : i32
        %add3A_1046 = arith.addi %add3A_926, %add3A_1045 : i32
        %get3A_1047 = arith.constant 1 : i32
        %get3A_1048 = arith.index_cast %get3A_1047 : i32 to index
        %get3A_1049 = arith.index_cast %add3A_1046 : i32 to index
        %get3A_1050 = arith.constant 0 : index
        %get3A_1051 = tpu.vector_load %arg6[%get3A_1048, %get3A_1049, %get3A_1050] {strides = array<i32>} : memref<3x640x32xf32, #tpu.memory_space<vmem>>, vector<1x1x16xf32>,
        %get3A_1052 = vector.shape_cast %get3A_1051 : vector<1x1x16xf32> to vector<16xf32>
        %mul3A_1053 = arith.constant 5.65685415 : f32
        %mul3A_1054 = vector.broadcast %mul3A_1053 : f32 to vector<16xf32>
        %mul3A_1055 = arith.mulf %get3A_1052, %mul3A_1054 : vector<16xf32>
        %add3A_1056 = arith.constant 3 : i32
        %add3A_1057 = arith.addi %add3A_926, %add3A_1056 : i32
        %swap3A_1058 = arith.constant 1 : i32
        %swap3A_1059 = arith.index_cast %swap3A_1058 : i32 to index
        %swap3A_1060 = arith.index_cast %add3A_1057 : i32 to index
        %swap3A_1061 = arith.constant 0 : index
        %swap3A_1062 = tpu.vector_load %arg7[%swap3A_1059, %swap3A_1060, %swap3A_1061] {strides = array<i32>} : memref<3x640x32xf32, #tpu.memory_space<vmem>>, vector<1x1x16xf32>,
        %swap3A_1063 = vector.shape_cast %swap3A_1062 : vector<1x1x16xf32> to vector<16xf32>
        %swap3A_1064 = vector.shape_cast %mul3A_1055 : vector<16xf32> to vector<1x1x16xf32>
        tpu.vector_store %arg7[%swap3A_1059, %swap3A_1060, %swap3A_1061], %swap3A_1064 {strides = array<i32>} : memref<3x640x32xf32, #tpu.memory_space<vmem>>, vector<1x1x16xf32>,
        %add3A_1065 = arith.constant 3 : i32
        %add3A_1066 = arith.addi %add3A_926, %add3A_1065 : i32
        %get3A_1067 = arith.constant 1 : i32
        %get3A_1068 = arith.index_cast %get3A_1067 : i32 to index
        %get3A_1069 = arith.index_cast %add3A_1066 : i32 to index
        %get3A_1070 = arith.constant 16 : index
        %get3A_1071 = tpu.vector_load %arg6[%get3A_1068, %get3A_1069, %get3A_1070] {strides = array<i32>} : memref<3x640x32xf32, #tpu.memory_space<vmem>>, vector<1x1x16xf32>,
        %get3A_1072 = vector.shape_cast %get3A_1071 : vector<1x1x16xf32> to vector<16xf32>
        %mul3A_1073 = arith.constant 5.65685415 : f32
        %mul3A_1074 = vector.broadcast %mul3A_1073 : f32 to vector<16xf32>
        %mul3A_1075 = arith.mulf %get3A_1072, %mul3A_1074 : vector<16xf32>
        %add3A_1076 = arith.constant 3 : i32
        %add3A_1077 = arith.addi %add3A_926, %add3A_1076 : i32
        %swap3A_1078 = arith.constant 1 : i32
        %swap3A_1079 = arith.index_cast %swap3A_1078 : i32 to index
        %swap3A_1080 = arith.index_cast %add3A_1077 : i32 to index
        %swap3A_1081 = arith.constant 16 : index
        %swap3A_1082 = tpu.vector_load %arg7[%swap3A_1079, %swap3A_1080, %swap3A_1081] {strides = array<i32>} : memref<3x640x32xf32, #tpu.memory_space<vmem>>, vector<1x1x16xf32>,
        %swap3A_1083 = vector.shape_cast %swap3A_1082 : vector<1x1x16xf32> to vector<16xf32>
        %swap3A_1084 = vector.shape_cast %mul3A_1075 : vector<16xf32> to vector<1x1x16xf32>
        tpu.vector_store %arg7[%swap3A_1079, %swap3A_1080, %swap3A_1081], %swap3A_1084 {strides = array<i32>} : memref<3x640x32xf32, #tpu.memory_space<vmem>>, vector<1x1x16xf32>,
      }
      %scan3A_783 = arith.constant 160 : i32
      %dma_wait3A_784 = arith.constant 1 : i32
      %dma_wait3A_785 = arith.constant 0 : i32
      %dma_wait3A_786 = arith.constant 0 : i32
      %dma_wait3A_787 = tpu.memref_slice %arg5[%dma_wait3A_784, %dma_wait3A_785, %dma_wait3A_786] : memref<3x1x640xi32, #tpu.memory_space<vmem>> -> memref<1x1x640xi32, #tpu.memory_space<vmem>>
      %dma_wait3A_788 = tpu.memref_squeeze %dma_wait3A_787 : memref<1x1x640xi32, #tpu.memory_space<vmem>> -> memref<1x640xi32, #tpu.memory_space<vmem>>
      %dma_wait3A_789 = arith.constant 0 : i32
      %dma_wait3A_790 = tpu.memref_slice %arg2[%add3A_747, %dma_wait3A_789] : memref<5120x640xi32, #tpu.memory_space<hbm>> -> memref<1x640xi32, #tpu.memory_space<hbm>>
      %dma_wait3A_791 = arith.constant 0 : i32
      %dma_wait3A_792 = arith.constant 0 : i32
      %dma_wait3A_793 = tpu.memref_slice %arg5[%dma_wait3A_784, %dma_wait3A_791, %dma_wait3A_792] : memref<3x1x640xi32, #tpu.memory_space<vmem>> -> memref<1x1x640xi32, #tpu.memory_space<vmem>>
      %dma_wait3A_794 = tpu.memref_squeeze %dma_wait3A_793 : memref<1x1x640xi32, #tpu.memory_space<vmem>> -> memref<1x640xi32, #tpu.memory_space<vmem>>
      %dma_wait3A_795 = arith.constant 0 : i32
      %dma_wait3A_796 = tpu.memref_slice %arg2[%add3A_747, %dma_wait3A_795] : memref<5120x640xi32, #tpu.memory_space<hbm>> -> memref<1x640xi32, #tpu.memory_space<hbm>>
      tpu.wait_dma2 semaphore(%arg9 : memref<!tpu.dma_semaphore, #tpu.memory_space<semaphore_mem>>) src(%dma_wait3A_796 : memref<1x640xi32, #tpu.memory_space<hbm>>) dst(%dma_wait3A_794 : memref<1x640xi32, #tpu.memory_space<vmem>>)
      %dma_start3A_797 = arith.constant 1 : i32
      %dma_start3A_798 = arith.constant 0 : i32
      %dma_start3A_799 = arith.constant 1 : i32
      %dma_start3A_800 = arith.constant 0 : i32
      %dma_start3A_801 = arith.constant 0 : i32
      %dma_start3A_802 = tpu.memref_slice %arg6[%dma_start3A_799, %dma_start3A_800, %dma_start3A_801] : memref<3x640x32xf32, #tpu.memory_space<vmem>> -> memref<1x640x32xf32, #tpu.memory_space<vmem>>
      %dma_start3A_803 = tpu.memref_squeeze %dma_start3A_802 : memref<1x640x32xf32, #tpu.memory_space<vmem>> -> memref<640x32xf32, #tpu.memory_space<vmem>>
      %dma_start3A_804 = arith.constant 0 : i32
      %dma_start3A_805 = tpu.memref_slice %arg5[%dma_start3A_797, %dma_start3A_798, %dma_start3A_804] : memref<3x1x640xi32, #tpu.memory_space<vmem>> -> memref<1x1x640xi32, #tpu.memory_space<vmem>>
      %dma_start3A_806 = tpu.memref_squeeze %dma_start3A_805 : memref<1x1x640xi32, #tpu.memory_space<vmem>> -> memref<640xi32, #tpu.memory_space<vmem>>
      %dma_start3A_807 = arith.constant 0 : i32
      %dma_start3A_808 = arith.constant 0 : i32
      %dma_start3A_809 = tpu.memref_slice %arg3[%dma_start3A_807, %dma_start3A_808] : memref<1000000x32xf32, #tpu.memory_space<hbm>> -> memref<1000000x32xf32, #tpu.memory_space<hbm>>
      tpu.enqueue_indirect_dma source(%dma_start3A_809 : memref<1000000x32xf32, #tpu.memory_space<hbm>>) target(%dma_start3A_803 : memref<640x32xf32, #tpu.memory_space<vmem>>) offsets(%dma_start3A_806 : memref<640xi32, #tpu.memory_space<vmem>>) semaphore(%arg12 : memref<!tpu.dma_semaphore, #tpu.memory_space<semaphore_mem>>)
      %mul3A_810 = arith.constant 640 : i32
      %mul3A_811 = arith.muli %add3A_731, %mul3A_810 : i32
      %add3A_812 = arith.addi %mul3A_2, %mul3A_811 : i32
      %dma_start3A_813 = arith.constant 1 : i32
      %dma_start3A_814 = arith.constant 0 : i32
      %dma_start3A_815 = arith.constant 0 : i32
      %dma_start3A_816 = tpu.memref_slice %arg7[%dma_start3A_813, %dma_start3A_814, %dma_start3A_815] : memref<3x640x32xf32, #tpu.memory_space<vmem>> -> memref<1x640x32xf32, #tpu.memory_space<vmem>>
      %dma_start3A_817 = tpu.memref_squeeze %dma_start3A_816 : memref<1x640x32xf32, #tpu.memory_space<vmem>> -> memref<640x32xf32, #tpu.memory_space<vmem>>
      %dma_start3A_818 = arith.constant 0 : i32
      %dma_start3A_819 = tpu.memref_slice %arg4[%add3A_812, %dma_start3A_818] : memref<3276800x32xf32, #tpu.memory_space<hbm>> -> memref<640x32xf32, #tpu.memory_space<hbm>>
      %dma_start3A_820 = arith.constant 0 : i32
      %dma_start3A_821 = tpu.memref_slice %arg4[%add3A_812, %dma_start3A_820] : memref<3276800x32xf32, #tpu.memory_space<hbm>> -> memref<640x32xf32, #tpu.memory_space<hbm>>
      %dma_start3A_822 = arith.constant 0 : i32
      %dma_start3A_823 = arith.constant 0 : i32
      %dma_start3A_824 = tpu.memref_slice %arg7[%dma_start3A_813, %dma_start3A_822, %dma_start3A_823] : memref<3x640x32xf32, #tpu.memory_space<vmem>> -> memref<1x640x32xf32, #tpu.memory_space<vmem>>
      %dma_start3A_825 = tpu.memref_squeeze %dma_start3A_824 : memref<1x640x32xf32, #tpu.memory_space<vmem>> -> memref<640x32xf32, #tpu.memory_space<vmem>>
      tpu.enqueue_dma source(%dma_start3A_825 : memref<640x32xf32, #tpu.memory_space<vmem>>) target(%dma_start3A_821 : memref<640x32xf32, #tpu.memory_space<hbm>>) target_semaphore(%arg15 : memref<!tpu.dma_semaphore, #tpu.memory_space<semaphore_mem>>)
      %add3A_826 = arith.constant 2 : i32
      %add3A_827 = arith.addi %add3A_634, %add3A_826 : i32
      %dma_wait3A_828 = arith.constant 2 : i32
      %dma_wait3A_829 = arith.constant 0 : i32
      %dma_wait3A_830 = arith.constant 2 : i32
      %dma_wait3A_831 = arith.constant 0 : i32
      %dma_wait3A_832 = arith.constant 0 : i32
      %dma_wait3A_833 = tpu.memref_slice %arg6[%dma_wait3A_830, %dma_wait3A_831, %dma_wait3A_832] : memref<3x640x32xf32, #tpu.memory_space<vmem>> -> memref<1x640x32xf32, #tpu.memory_space<vmem>>
      %dma_wait3A_834 = tpu.memref_squeeze %dma_wait3A_833 : memref<1x640x32xf32, #tpu.memory_space<vmem>> -> memref<640x32xf32, #tpu.memory_space<vmem>>
      %dma_wait3A_835 = arith.constant 0 : i32
      %dma_wait3A_836 = tpu.memref_slice %arg5[%dma_wait3A_828, %dma_wait3A_829, %dma_wait3A_835] : memref<3x1x640xi32, #tpu.memory_space<vmem>> -> memref<1x1x640xi32, #tpu.memory_space<vmem>>
      %dma_wait3A_837 = tpu.memref_squeeze %dma_wait3A_836 : memref<1x1x640xi32, #tpu.memory_space<vmem>> -> memref<640xi32, #tpu.memory_space<vmem>>
      %dma_wait3A_838 = arith.constant 0 : i32
      %dma_wait3A_839 = arith.constant 0 : i32
      %dma_wait3A_840 = tpu.memref_slice %arg3[%dma_wait3A_838, %dma_wait3A_839] : memref<1000000x32xf32, #tpu.memory_space<hbm>> -> memref<1000000x32xf32, #tpu.memory_space<hbm>>
      tpu.wait_indirect_dma semaphore(%arg13 : memref<!tpu.dma_semaphore, #tpu.memory_space<semaphore_mem>>) src(%dma_wait3A_840 : memref<1000000x32xf32, #tpu.memory_space<hbm>>) dst(%dma_wait3A_834 : memref<640x32xf32, #tpu.memory_space<vmem>>)
      %add3A_841 = arith.constant 3 : i32
      %add3A_842 = arith.addi %add3A_827, %add3A_841 : i32
      %add3A_843 = arith.addi %mul3A_4, %add3A_842 : i32
      %dma_start3A_844 = arith.constant 2 : i32
      %dma_start3A_845 = arith.constant 0 : i32
      %dma_start3A_846 = arith.constant 0 : i32
      %dma_start3A_847 = tpu.memref_slice %arg5[%dma_start3A_844, %dma_start3A_845, %dma_start3A_846] : memref<3x1x640xi32, #tpu.memory_space<vmem>> -> memref<1x1x640xi32, #tpu.memory_space<vmem>>
      %dma_start3A_848 = tpu.memref_squeeze %dma_start3A_847 : memref<1x1x640xi32, #tpu.memory_space<vmem>> -> memref<1x640xi32, #tpu.memory_space<vmem>>
      %dma_start3A_849 = arith.constant 0 : i32
      %dma_start3A_850 = tpu.memref_slice %arg2[%add3A_843, %dma_start3A_849] : memref<5120x640xi32, #tpu.memory_space<hbm>> -> memref<1x640xi32, #tpu.memory_space<hbm>>
      %dma_start3A_851 = arith.constant 0 : i32
      %dma_start3A_852 = arith.constant 0 : i32
      %dma_start3A_853 = tpu.memref_slice %arg5[%dma_start3A_844, %dma_start3A_851, %dma_start3A_852] : memref<3x1x640xi32, #tpu.memory_space<vmem>> -> memref<1x1x640xi32, #tpu.memory_space<vmem>>
      %dma_start3A_854 = tpu.memref_squeeze %dma_start3A_853 : memref<1x1x640xi32, #tpu.memory_space<vmem>> -> memref<1x640xi32, #tpu.memory_space<vmem>>
      %dma_start3A_855 = arith.constant 0 : i32
      %dma_start3A_856 = tpu.memref_slice %arg2[%add3A_843, %dma_start3A_855] : memref<5120x640xi32, #tpu.memory_space<hbm>> -> memref<1x640xi32, #tpu.memory_space<hbm>>
      tpu.enqueue_dma source(%dma_start3A_856 : memref<1x640xi32, #tpu.memory_space<hbm>>) target(%dma_start3A_854 : memref<1x640xi32, #tpu.memory_space<vmem>>) target_semaphore(%arg10 : memref<!tpu.dma_semaphore, #tpu.memory_space<semaphore_mem>>)
      %sub3A_857 = arith.constant 3 : i32
      %sub3A_858 = arith.subi %add3A_827, %sub3A_857 : i32
      %mul3A_859 = arith.constant 640 : i32
      %mul3A_860 = arith.muli %sub3A_858, %mul3A_859 : i32
      %add3A_861 = arith.addi %mul3A_2, %mul3A_860 : i32
      %dma_wait3A_862 = arith.constant 2 : i32
      %dma_wait3A_863 = arith.constant 0 : i32
      %dma_wait3A_864 = arith.constant 0 : i32
      %dma_wait3A_865 = tpu.memref_slice %arg7[%dma_wait3A_862, %dma_wait3A_863, %dma_wait3A_864] : memref<3x640x32xf32, #tpu.memory_space<vmem>> -> memref<1x640x32xf32, #tpu.memory_space<vmem>>
      %dma_wait3A_866 = tpu.memref_squeeze %dma_wait3A_865 : memref<1x640x32xf32, #tpu.memory_space<vmem>> -> memref<640x32xf32, #tpu.memory_space<vmem>>
      %dma_wait3A_867 = arith.constant 0 : i32
      %dma_wait3A_868 = tpu.memref_slice %arg4[%add3A_861, %dma_wait3A_867] : memref<3276800x32xf32, #tpu.memory_space<hbm>> -> memref<640x32xf32, #tpu.memory_space<hbm>>
      %dma_wait3A_869 = arith.constant 0 : i32
      %dma_wait3A_870 = tpu.memref_slice %arg4[%add3A_861, %dma_wait3A_869] : memref<3276800x32xf32, #tpu.memory_space<hbm>> -> memref<640x32xf32, #tpu.memory_space<hbm>>
      %dma_wait3A_871 = arith.constant 0 : i32
      %dma_wait3A_872 = arith.constant 0 : i32
      %dma_wait3A_873 = tpu.memref_slice %arg7[%dma_wait3A_862, %dma_wait3A_871, %dma_wait3A_872] : memref<3x640x32xf32, #tpu.memory_space<vmem>> -> memref<1x640x32xf32, #tpu.memory_space<vmem>>
      %dma_wait3A_874 = tpu.memref_squeeze %dma_wait3A_873 : memref<1x640x32xf32, #tpu.memory_space<vmem>> -> memref<640x32xf32, #tpu.memory_space<vmem>>
      tpu.wait_dma2 semaphore(%arg16 : memref<!tpu.dma_semaphore, #tpu.memory_space<semaphore_mem>>) src(%dma_wait3A_874 : memref<640x32xf32, #tpu.memory_space<vmem>>) dst(%dma_wait3A_870 : memref<640x32xf32, #tpu.memory_space<hbm>>)
      %scan3A_875 = arith.constant 0 : i32
      %scan3A_876 = arith.constant 160 : i32
      %scan3A_877 = arith.addi %scan3A_875, %scan3A_876 : i32
      %scan3A_878 = arith.constant 1 : i32
      scf.for %scan3A_922 = %scan3A_875 to %scan3A_877 step %scan3A_878  : i32 {
        %mul3A_923 = arith.constant 4 : i32
        %mul3A_924 = arith.muli %scan3A_922, %mul3A_923 : i32
        %add3A_925 = arith.constant 0 : i32
        %add3A_926 = arith.addi %add3A_925, %mul3A_924 : i32
        %add3A_927 = arith.constant 0 : i32
        %add3A_928 = arith.addi %add3A_926, %add3A_927 : i32
        %get3A = arith.constant 2 : i32
        %get3A_929 = arith.index_cast %get3A : i32 to index
        %get3A_930 = arith.index_cast %add3A_928 : i32 to index
        %get3A_931 = arith.constant 0 : index
        %get3A_932 = tpu.vector_load %arg6[%get3A_929, %get3A_930, %get3A_931] {strides = array<i32>} : memref<3x640x32xf32, #tpu.memory_space<vmem>>, vector<1x1x16xf32>,
        %get3A_933 = vector.shape_cast %get3A_932 : vector<1x1x16xf32> to vector<16xf32>
        %mul3A_934 = arith.constant 5.65685415 : f32
        %mul3A_935 = vector.broadcast %mul3A_934 : f32 to vector<16xf32>
        %mul3A_936 = arith.mulf %get3A_933, %mul3A_935 : vector<16xf32>
        %add3A_937 = arith.constant 0 : i32
        %add3A_938 = arith.addi %add3A_926, %add3A_937 : i32
        %swap3A = arith.constant 2 : i32
        %swap3A_939 = arith.index_cast %swap3A : i32 to index
        %swap3A_940 = arith.index_cast %add3A_938 : i32 to index
        %swap3A_941 = arith.constant 0 : index
        %swap3A_942 = tpu.vector_load %arg7[%swap3A_939, %swap3A_940, %swap3A_941] {strides = array<i32>} : memref<3x640x32xf32, #tpu.memory_space<vmem>>, vector<1x1x16xf32>,
        %swap3A_943 = vector.shape_cast %swap3A_942 : vector<1x1x16xf32> to vector<16xf32>
        %swap3A_944 = vector.shape_cast %mul3A_936 : vector<16xf32> to vector<1x1x16xf32>
        tpu.vector_store %arg7[%swap3A_939, %swap3A_940, %swap3A_941], %swap3A_944 {strides = array<i32>} : memref<3x640x32xf32, #tpu.memory_space<vmem>>, vector<1x1x16xf32>,
        %add3A_945 = arith.constant 0 : i32
        %add3A_946 = arith.addi %add3A_926, %add3A_945 : i32
        %get3A_947 = arith.constant 2 : i32
        %get3A_948 = arith.index_cast %get3A_947 : i32 to index
        %get3A_949 = arith.index_cast %add3A_946 : i32 to index
        %get3A_950 = arith.constant 16 : index
        %get3A_951 = tpu.vector_load %arg6[%get3A_948, %get3A_949, %get3A_950] {strides = array<i32>} : memref<3x640x32xf32, #tpu.memory_space<vmem>>, vector<1x1x16xf32>,
        %get3A_952 = vector.shape_cast %get3A_951 : vector<1x1x16xf32> to vector<16xf32>
        %mul3A_953 = arith.constant 5.65685415 : f32
        %mul3A_954 = vector.broadcast %mul3A_953 : f32 to vector<16xf32>
        %mul3A_955 = arith.mulf %get3A_952, %mul3A_954 : vector<16xf32>
        %add3A_956 = arith.constant 0 : i32
        %add3A_957 = arith.addi %add3A_926, %add3A_956 : i32
        %swap3A_958 = arith.constant 2 : i32
        %swap3A_959 = arith.index_cast %swap3A_958 : i32 to index
        %swap3A_960 = arith.index_cast %add3A_957 : i32 to index
        %swap3A_961 = arith.constant 16 : index
        %swap3A_962 = tpu.vector_load %arg7[%swap3A_959, %swap3A_960, %swap3A_961] {strides = array<i32>} : memref<3x640x32xf32, #tpu.memory_space<vmem>>, vector<1x1x16xf32>,
        %swap3A_963 = vector.shape_cast %swap3A_962 : vector<1x1x16xf32> to vector<16xf32>
        %swap3A_964 = vector.shape_cast %mul3A_955 : vector<16xf32> to vector<1x1x16xf32>
        tpu.vector_store %arg7[%swap3A_959, %swap3A_960, %swap3A_961], %swap3A_964 {strides = array<i32>} : memref<3x640x32xf32, #tpu.memory_space<vmem>>, vector<1x1x16xf32>,
        %add3A_965 = arith.constant 1 : i32
        %add3A_966 = arith.addi %add3A_926, %add3A_965 : i32
        %get3A_967 = arith.constant 2 : i32
        %get3A_968 = arith.index_cast %get3A_967 : i32 to index
        %get3A_969 = arith.index_cast %add3A_966 : i32 to index
        %get3A_970 = arith.constant 0 : index
        %get3A_971 = tpu.vector_load %arg6[%get3A_968, %get3A_969, %get3A_970] {strides = array<i32>} : memref<3x640x32xf32, #tpu.memory_space<vmem>>, vector<1x1x16xf32>,
        %get3A_972 = vector.shape_cast %get3A_971 : vector<1x1x16xf32> to vector<16xf32>
        %mul3A_973 = arith.constant 5.65685415 : f32
        %mul3A_974 = vector.broadcast %mul3A_973 : f32 to vector<16xf32>
        %mul3A_975 = arith.mulf %get3A_972, %mul3A_974 : vector<16xf32>
        %add3A_976 = arith.constant 1 : i32
        %add3A_977 = arith.addi %add3A_926, %add3A_976 : i32
        %swap3A_978 = arith.constant 2 : i32
        %swap3A_979 = arith.index_cast %swap3A_978 : i32 to index
        %swap3A_980 = arith.index_cast %add3A_977 : i32 to index
        %swap3A_981 = arith.constant 0 : index
        %swap3A_982 = tpu.vector_load %arg7[%swap3A_979, %swap3A_980, %swap3A_981] {strides = array<i32>} : memref<3x640x32xf32, #tpu.memory_space<vmem>>, vector<1x1x16xf32>,
        %swap3A_983 = vector.shape_cast %swap3A_982 : vector<1x1x16xf32> to vector<16xf32>
        %swap3A_984 = vector.shape_cast %mul3A_975 : vector<16xf32> to vector<1x1x16xf32>
        tpu.vector_store %arg7[%swap3A_979, %swap3A_980, %swap3A_981], %swap3A_984 {strides = array<i32>} : memref<3x640x32xf32, #tpu.memory_space<vmem>>, vector<1x1x16xf32>,
        %add3A_985 = arith.constant 1 : i32
        %add3A_986 = arith.addi %add3A_926, %add3A_985 : i32
        %get3A_987 = arith.constant 2 : i32
        %get3A_988 = arith.index_cast %get3A_987 : i32 to index
        %get3A_989 = arith.index_cast %add3A_986 : i32 to index
        %get3A_990 = arith.constant 16 : index
        %get3A_991 = tpu.vector_load %arg6[%get3A_988, %get3A_989, %get3A_990] {strides = array<i32>} : memref<3x640x32xf32, #tpu.memory_space<vmem>>, vector<1x1x16xf32>,
        %get3A_992 = vector.shape_cast %get3A_991 : vector<1x1x16xf32> to vector<16xf32>
        %mul3A_993 = arith.constant 5.65685415 : f32
        %mul3A_994 = vector.broadcast %mul3A_993 : f32 to vector<16xf32>
        %mul3A_995 = arith.mulf %get3A_992, %mul3A_994 : vector<16xf32>
        %add3A_996 = arith.constant 1 : i32
        %add3A_997 = arith.addi %add3A_926, %add3A_996 : i32
        %swap3A_998 = arith.constant 2 : i32
        %swap3A_999 = arith.index_cast %swap3A_998 : i32 to index
        %swap3A_1000 = arith.index_cast %add3A_997 : i32 to index
        %swap3A_1001 = arith.constant 16 : index
        %swap3A_1002 = tpu.vector_load %arg7[%swap3A_999, %swap3A_1000, %swap3A_1001] {strides = array<i32>} : memref<3x640x32xf32, #tpu.memory_space<vmem>>, vector<1x1x16xf32>,
        %swap3A_1003 = vector.shape_cast %swap3A_1002 : vector<1x1x16xf32> to vector<16xf32>
        %swap3A_1004 = vector.shape_cast %mul3A_995 : vector<16xf32> to vector<1x1x16xf32>
        tpu.vector_store %arg7[%swap3A_999, %swap3A_1000, %swap3A_1001], %swap3A_1004 {strides = array<i32>} : memref<3x640x32xf32, #tpu.memory_space<vmem>>, vector<1x1x16xf32>,
        %add3A_1005 = arith.constant 2 : i32
        %add3A_1006 = arith.addi %add3A_926, %add3A_1005 : i32
        %get3A_1007 = arith.constant 2 : i32
        %get3A_1008 = arith.index_cast %get3A_1007 : i32 to index
        %get3A_1009 = arith.index_cast %add3A_1006 : i32 to index
        %get3A_1010 = arith.constant 0 : index
        %get3A_1011 = tpu.vector_load %arg6[%get3A_1008, %get3A_1009, %get3A_1010] {strides = array<i32>} : memref<3x640x32xf32, #tpu.memory_space<vmem>>, vector<1x1x16xf32>,
        %get3A_1012 = vector.shape_cast %get3A_1011 : vector<1x1x16xf32> to vector<16xf32>
        %mul3A_1013 = arith.constant 5.65685415 : f32
        %mul3A_1014 = vector.broadcast %mul3A_1013 : f32 to vector<16xf32>
        %mul3A_1015 = arith.mulf %get3A_1012, %mul3A_1014 : vector<16xf32>
        %add3A_1016 = arith.constant 2 : i32
        %add3A_1017 = arith.addi %add3A_926, %add3A_1016 : i32
        %swap3A_1018 = arith.constant 2 : i32
        %swap3A_1019 = arith.index_cast %swap3A_1018 : i32 to index
        %swap3A_1020 = arith.index_cast %add3A_1017 : i32 to index
        %swap3A_1021 = arith.constant 0 : index
        %swap3A_1022 = tpu.vector_load %arg7[%swap3A_1019, %swap3A_1020, %swap3A_1021] {strides = array<i32>} : memref<3x640x32xf32, #tpu.memory_space<vmem>>, vector<1x1x16xf32>,
        %swap3A_1023 = vector.shape_cast %swap3A_1022 : vector<1x1x16xf32> to vector<16xf32>
        %swap3A_1024 = vector.shape_cast %mul3A_1015 : vector<16xf32> to vector<1x1x16xf32>
        tpu.vector_store %arg7[%swap3A_1019, %swap3A_1020, %swap3A_1021], %swap3A_1024 {strides = array<i32>} : memref<3x640x32xf32, #tpu.memory_space<vmem>>, vector<1x1x16xf32>,
        %add3A_1025 = arith.constant 2 : i32
        %add3A_1026 = arith.addi %add3A_926, %add3A_1025 : i32
        %get3A_1027 = arith.constant 2 : i32
        %get3A_1028 = arith.index_cast %get3A_1027 : i32 to index
        %get3A_1029 = arith.index_cast %add3A_1026 : i32 to index
        %get3A_1030 = arith.constant 16 : index
        %get3A_1031 = tpu.vector_load %arg6[%get3A_1028, %get3A_1029, %get3A_1030] {strides = array<i32>} : memref<3x640x32xf32, #tpu.memory_space<vmem>>, vector<1x1x16xf32>,
        %get3A_1032 = vector.shape_cast %get3A_1031 : vector<1x1x16xf32> to vector<16xf32>
        %mul3A_1033 = arith.constant 5.65685415 : f32
        %mul3A_1034 = vector.broadcast %mul3A_1033 : f32 to vector<16xf32>
        %mul3A_1035 = arith.mulf %get3A_1032, %mul3A_1034 : vector<16xf32>
        %add3A_1036 = arith.constant 2 : i32
        %add3A_1037 = arith.addi %add3A_926, %add3A_1036 : i32
        %swap3A_1038 = arith.constant 2 : i32
        %swap3A_1039 = arith.index_cast %swap3A_1038 : i32 to index
        %swap3A_1040 = arith.index_cast %add3A_1037 : i32 to index
        %swap3A_1041 = arith.constant 16 : index
        %swap3A_1042 = tpu.vector_load %arg7[%swap3A_1039, %swap3A_1040, %swap3A_1041] {strides = array<i32>} : memref<3x640x32xf32, #tpu.memory_space<vmem>>, vector<1x1x16xf32>,
        %swap3A_1043 = vector.shape_cast %swap3A_1042 : vector<1x1x16xf32> to vector<16xf32>
        %swap3A_1044 = vector.shape_cast %mul3A_1035 : vector<16xf32> to vector<1x1x16xf32>
        tpu.vector_store %arg7[%swap3A_1039, %swap3A_1040, %swap3A_1041], %swap3A_1044 {strides = array<i32>} : memref<3x640x32xf32, #tpu.memory_space<vmem>>, vector<1x1x16xf32>,
        %add3A_1045 = arith.constant 3 : i32
        %add3A_1046 = arith.addi %add3A_926, %add3A_1045 : i32
        %get3A_1047 = arith.constant 2 : i32
        %get3A_1048 = arith.index_cast %get3A_1047 : i32 to index
        %get3A_1049 = arith.index_cast %add3A_1046 : i32 to index
        %get3A_1050 = arith.constant 0 : index
        %get3A_1051 = tpu.vector_load %arg6[%get3A_1048, %get3A_1049, %get3A_1050] {strides = array<i32>} : memref<3x640x32xf32, #tpu.memory_space<vmem>>, vector<1x1x16xf32>,
        %get3A_1052 = vector.shape_cast %get3A_1051 : vector<1x1x16xf32> to vector<16xf32>
        %mul3A_1053 = arith.constant 5.65685415 : f32
        %mul3A_1054 = vector.broadcast %mul3A_1053 : f32 to vector<16xf32>
        %mul3A_1055 = arith.mulf %get3A_1052, %mul3A_1054 : vector<16xf32>
        %add3A_1056 = arith.constant 3 : i32
        %add3A_1057 = arith.addi %add3A_926, %add3A_1056 : i32
        %swap3A_1058 = arith.constant 2 : i32
        %swap3A_1059 = arith.index_cast %swap3A_1058 : i32 to index
        %swap3A_1060 = arith.index_cast %add3A_1057 : i32 to index
        %swap3A_1061 = arith.constant 0 : index
        %swap3A_1062 = tpu.vector_load %arg7[%swap3A_1059, %swap3A_1060, %swap3A_1061] {strides = array<i32>} : memref<3x640x32xf32, #tpu.memory_space<vmem>>, vector<1x1x16xf32>,
        %swap3A_1063 = vector.shape_cast %swap3A_1062 : vector<1x1x16xf32> to vector<16xf32>
        %swap3A_1064 = vector.shape_cast %mul3A_1055 : vector<16xf32> to vector<1x1x16xf32>
        tpu.vector_store %arg7[%swap3A_1059, %swap3A_1060, %swap3A_1061], %swap3A_1064 {strides = array<i32>} : memref<3x640x32xf32, #tpu.memory_space<vmem>>, vector<1x1x16xf32>,
        %add3A_1065 = arith.constant 3 : i32
        %add3A_1066 = arith.addi %add3A_926, %add3A_1065 : i32
        %get3A_1067 = arith.constant 2 : i32
        %get3A_1068 = arith.index_cast %get3A_1067 : i32 to index
        %get3A_1069 = arith.index_cast %add3A_1066 : i32 to index
        %get3A_1070 = arith.constant 16 : index
        %get3A_1071 = tpu.vector_load %arg6[%get3A_1068, %get3A_1069, %get3A_1070] {strides = array<i32>} : memref<3x640x32xf32, #tpu.memory_space<vmem>>, vector<1x1x16xf32>,
        %get3A_1072 = vector.shape_cast %get3A_1071 : vector<1x1x16xf32> to vector<16xf32>
        %mul3A_1073 = arith.constant 5.65685415 : f32
        %mul3A_1074 = vector.broadcast %mul3A_1073 : f32 to vector<16xf32>
        %mul3A_1075 = arith.mulf %get3A_1072, %mul3A_1074 : vector<16xf32>
        %add3A_1076 = arith.constant 3 : i32
        %add3A_1077 = arith.addi %add3A_926, %add3A_1076 : i32
        %swap3A_1078 = arith.constant 2 : i32
        %swap3A_1079 = arith.index_cast %swap3A_1078 : i32 to index
        %swap3A_1080 = arith.index_cast %add3A_1077 : i32 to index
        %swap3A_1081 = arith.constant 16 : index
        %swap3A_1082 = tpu.vector_load %arg7[%swap3A_1079, %swap3A_1080, %swap3A_1081] {strides = array<i32>} : memref<3x640x32xf32, #tpu.memory_space<vmem>>, vector<1x1x16xf32>,
        %swap3A_1083 = vector.shape_cast %swap3A_1082 : vector<1x1x16xf32> to vector<16xf32>
        %swap3A_1084 = vector.shape_cast %mul3A_1075 : vector<16xf32> to vector<1x1x16xf32>
        tpu.vector_store %arg7[%swap3A_1079, %swap3A_1080, %swap3A_1081], %swap3A_1084 {strides = array<i32>} : memref<3x640x32xf32, #tpu.memory_space<vmem>>, vector<1x1x16xf32>,
      }
      %scan3A_879 = arith.constant 160 : i32
      %dma_wait3A_880 = arith.constant 2 : i32
      %dma_wait3A_881 = arith.constant 0 : i32
      %dma_wait3A_882 = arith.constant 0 : i32
      %dma_wait3A_883 = tpu.memref_slice %arg5[%dma_wait3A_880, %dma_wait3A_881, %dma_wait3A_882] : memref<3x1x640xi32, #tpu.memory_space<vmem>> -> memref<1x1x640xi32, #tpu.memory_space<vmem>>
      %dma_wait3A_884 = tpu.memref_squeeze %dma_wait3A_883 : memref<1x1x640xi32, #tpu.memory_space<vmem>> -> memref<1x640xi32, #tpu.memory_space<vmem>>
      %dma_wait3A_885 = arith.constant 0 : i32
      %dma_wait3A_886 = tpu.memref_slice %arg2[%add3A_843, %dma_wait3A_885] : memref<5120x640xi32, #tpu.memory_space<hbm>> -> memref<1x640xi32, #tpu.memory_space<hbm>>
      %dma_wait3A_887 = arith.constant 0 : i32
      %dma_wait3A_888 = arith.constant 0 : i32
      %dma_wait3A_889 = tpu.memref_slice %arg5[%dma_wait3A_880, %dma_wait3A_887, %dma_wait3A_888] : memref<3x1x640xi32, #tpu.memory_space<vmem>> -> memref<1x1x640xi32, #tpu.memory_space<vmem>>
      %dma_wait3A_890 = tpu.memref_squeeze %dma_wait3A_889 : memref<1x1x640xi32, #tpu.memory_space<vmem>> -> memref<1x640xi32, #tpu.memory_space<vmem>>
      %dma_wait3A_891 = arith.constant 0 : i32
      %dma_wait3A_892 = tpu.memref_slice %arg2[%add3A_843, %dma_wait3A_891] : memref<5120x640xi32, #tpu.memory_space<hbm>> -> memref<1x640xi32, #tpu.memory_space<hbm>>
      tpu.wait_dma2 semaphore(%arg10 : memref<!tpu.dma_semaphore, #tpu.memory_space<semaphore_mem>>) src(%dma_wait3A_892 : memref<1x640xi32, #tpu.memory_space<hbm>>) dst(%dma_wait3A_890 : memref<1x640xi32, #tpu.memory_space<vmem>>)
      %dma_start3A_893 = arith.constant 2 : i32
      %dma_start3A_894 = arith.constant 0 : i32
      %dma_start3A_895 = arith.constant 2 : i32
      %dma_start3A_896 = arith.constant 0 : i32
      %dma_start3A_897 = arith.constant 0 : i32
      %dma_start3A_898 = tpu.memref_slice %arg6[%dma_start3A_895, %dma_start3A_896, %dma_start3A_897] : memref<3x640x32xf32, #tpu.memory_space<vmem>> -> memref<1x640x32xf32, #tpu.memory_space<vmem>>
      %dma_start3A_899 = tpu.memref_squeeze %dma_start3A_898 : memref<1x640x32xf32, #tpu.memory_space<vmem>> -> memref<640x32xf32, #tpu.memory_space<vmem>>
      %dma_start3A_900 = arith.constant 0 : i32
      %dma_start3A_901 = tpu.memref_slice %arg5[%dma_start3A_893, %dma_start3A_894, %dma_start3A_900] : memref<3x1x640xi32, #tpu.memory_space<vmem>> -> memref<1x1x640xi32, #tpu.memory_space<vmem>>
      %dma_start3A_902 = tpu.memref_squeeze %dma_start3A_901 : memref<1x1x640xi32, #tpu.memory_space<vmem>> -> memref<640xi32, #tpu.memory_space<vmem>>
      %dma_start3A_903 = arith.constant 0 : i32
      %dma_start3A_904 = arith.constant 0 : i32
      %dma_start3A_905 = tpu.memref_slice %arg3[%dma_start3A_903, %dma_start3A_904] : memref<1000000x32xf32, #tpu.memory_space<hbm>> -> memref<1000000x32xf32, #tpu.memory_space<hbm>>
      tpu.enqueue_indirect_dma source(%dma_start3A_905 : memref<1000000x32xf32, #tpu.memory_space<hbm>>) target(%dma_start3A_899 : memref<640x32xf32, #tpu.memory_space<vmem>>) offsets(%dma_start3A_902 : memref<640xi32, #tpu.memory_space<vmem>>) semaphore(%arg13 : memref<!tpu.dma_semaphore, #tpu.memory_space<semaphore_mem>>)
      %mul3A_906 = arith.constant 640 : i32
      %mul3A_907 = arith.muli %add3A_827, %mul3A_906 : i32
      %add3A_908 = arith.addi %mul3A_2, %mul3A_907 : i32
      %dma_start3A_909 = arith.constant 2 : i32
      %dma_start3A_910 = arith.constant 0 : i32
      %dma_start3A_911 = arith.constant 0 : i32
      %dma_start3A_912 = tpu.memref_slice %arg7[%dma_start3A_909, %dma_start3A_910, %dma_start3A_911] : memref<3x640x32xf32, #tpu.memory_space<vmem>> -> memref<1x640x32xf32, #tpu.memory_space<vmem>>
      %dma_start3A_913 = tpu.memref_squeeze %dma_start3A_912 : memref<1x640x32xf32, #tpu.memory_space<vmem>> -> memref<640x32xf32, #tpu.memory_space<vmem>>
      %dma_start3A_914 = arith.constant 0 : i32
      %dma_start3A_915 = tpu.memref_slice %arg4[%add3A_908, %dma_start3A_914] : memref<3276800x32xf32, #tpu.memory_space<hbm>> -> memref<640x32xf32, #tpu.memory_space<hbm>>
      %dma_start3A_916 = arith.constant 0 : i32
      %dma_start3A_917 = tpu.memref_slice %arg4[%add3A_908, %dma_start3A_916] : memref<3276800x32xf32, #tpu.memory_space<hbm>> -> memref<640x32xf32, #tpu.memory_space<hbm>>
      %dma_start3A_918 = arith.constant 0 : i32
      %dma_start3A_919 = arith.constant 0 : i32
      %dma_start3A_920 = tpu.memref_slice %arg7[%dma_start3A_909, %dma_start3A_918, %dma_start3A_919] : memref<3x640x32xf32, #tpu.memory_space<vmem>> -> memref<1x640x32xf32, #tpu.memory_space<vmem>>
      %dma_start3A_921 = tpu.memref_squeeze %dma_start3A_920 : memref<1x640x32xf32, #tpu.memory_space<vmem>> -> memref<640x32xf32, #tpu.memory_space<vmem>>
      tpu.enqueue_dma source(%dma_start3A_921 : memref<640x32xf32, #tpu.memory_space<vmem>>) target(%dma_start3A_917 : memref<640x32xf32, #tpu.memory_space<hbm>>) target_semaphore(%arg16 : memref<!tpu.dma_semaphore, #tpu.memory_space<semaphore_mem>>)
    }
    %scan3A_351 = arith.constant 51 : i32
    %dma_wait3A_352 = arith.constant 0 : i32
    %dma_wait3A_353 = arith.constant 0 : i32
    %dma_wait3A_354 = arith.constant 0 : i32
    %dma_wait3A_355 = arith.constant 0 : i32
    %dma_wait3A_356 = arith.constant 0 : i32
    %dma_wait3A_357 = tpu.memref_slice %arg6[%dma_wait3A_354, %dma_wait3A_355, %dma_wait3A_356] : memref<3x640x32xf32, #tpu.memory_space<vmem>> -> memref<1x640x32xf32, #tpu.memory_space<vmem>>
    %dma_wait3A_358 = tpu.memref_squeeze %dma_wait3A_357 : memref<1x640x32xf32, #tpu.memory_space<vmem>> -> memref<640x32xf32, #tpu.memory_space<vmem>>
    %dma_wait3A_359 = arith.constant 0 : i32
    %dma_wait3A_360 = tpu.memref_slice %arg5[%dma_wait3A_352, %dma_wait3A_353, %dma_wait3A_359] : memref<3x1x640xi32, #tpu.memory_space<vmem>> -> memref<1x1x640xi32, #tpu.memory_space<vmem>>
    %dma_wait3A_361 = tpu.memref_squeeze %dma_wait3A_360 : memref<1x1x640xi32, #tpu.memory_space<vmem>> -> memref<640xi32, #tpu.memory_space<vmem>>
    %dma_wait3A_362 = arith.constant 0 : i32
    %dma_wait3A_363 = arith.constant 0 : i32
    %dma_wait3A_364 = tpu.memref_slice %arg3[%dma_wait3A_362, %dma_wait3A_363] : memref<1000000x32xf32, #tpu.memory_space<hbm>> -> memref<1000000x32xf32, #tpu.memory_space<hbm>>
    tpu.wait_indirect_dma semaphore(%arg11 : memref<!tpu.dma_semaphore, #tpu.memory_space<semaphore_mem>>) src(%dma_wait3A_364 : memref<1000000x32xf32, #tpu.memory_space<hbm>>) dst(%dma_wait3A_358 : memref<640x32xf32, #tpu.memory_space<vmem>>)
    %add3A_365 = arith.constant 159 : i32
    %add3A_366 = arith.addi %mul3A_4, %add3A_365 : i32
    %dma_start3A_367 = arith.constant 0 : i32
    %dma_start3A_368 = arith.constant 0 : i32
    %dma_start3A_369 = arith.constant 0 : i32
    %dma_start3A_370 = tpu.memref_slice %arg5[%dma_start3A_367, %dma_start3A_368, %dma_start3A_369] : memref<3x1x640xi32, #tpu.memory_space<vmem>> -> memref<1x1x640xi32, #tpu.memory_space<vmem>>
    %dma_start3A_371 = tpu.memref_squeeze %dma_start3A_370 : memref<1x1x640xi32, #tpu.memory_space<vmem>> -> memref<1x640xi32, #tpu.memory_space<vmem>>
    %dma_start3A_372 = arith.constant 0 : i32
    %dma_start3A_373 = tpu.memref_slice %arg2[%add3A_366, %dma_start3A_372] : memref<5120x640xi32, #tpu.memory_space<hbm>> -> memref<1x640xi32, #tpu.memory_space<hbm>>
    %dma_start3A_374 = arith.constant 0 : i32
    %dma_start3A_375 = arith.constant 0 : i32
    %dma_start3A_376 = tpu.memref_slice %arg5[%dma_start3A_367, %dma_start3A_374, %dma_start3A_375] : memref<3x1x640xi32, #tpu.memory_space<vmem>> -> memref<1x1x640xi32, #tpu.memory_space<vmem>>
    %dma_start3A_377 = tpu.memref_squeeze %dma_start3A_376 : memref<1x1x640xi32, #tpu.memory_space<vmem>> -> memref<1x640xi32, #tpu.memory_space<vmem>>
    %dma_start3A_378 = arith.constant 0 : i32
    %dma_start3A_379 = tpu.memref_slice %arg2[%add3A_366, %dma_start3A_378] : memref<5120x640xi32, #tpu.memory_space<hbm>> -> memref<1x640xi32, #tpu.memory_space<hbm>>
    tpu.enqueue_dma source(%dma_start3A_379 : memref<1x640xi32, #tpu.memory_space<hbm>>) target(%dma_start3A_377 : memref<1x640xi32, #tpu.memory_space<vmem>>) target_semaphore(%arg8 : memref<!tpu.dma_semaphore, #tpu.memory_space<semaphore_mem>>)
    %add3A_380 = arith.constant 97920 : i32
    %add3A_381 = arith.addi %mul3A_2, %add3A_380 : i32
    %dma_wait3A_382 = arith.constant 0 : i32
    %dma_wait3A_383 = arith.constant 0 : i32
    %dma_wait3A_384 = arith.constant 0 : i32
    %dma_wait3A_385 = tpu.memref_slice %arg7[%dma_wait3A_382, %dma_wait3A_383, %dma_wait3A_384] : memref<3x640x32xf32, #tpu.memory_space<vmem>> -> memref<1x640x32xf32, #tpu.memory_space<vmem>>
    %dma_wait3A_386 = tpu.memref_squeeze %dma_wait3A_385 : memref<1x640x32xf32, #tpu.memory_space<vmem>> -> memref<640x32xf32, #tpu.memory_space<vmem>>
    %dma_wait3A_387 = arith.constant 0 : i32
    %dma_wait3A_388 = tpu.memref_slice %arg4[%add3A_381, %dma_wait3A_387] : memref<3276800x32xf32, #tpu.memory_space<hbm>> -> memref<640x32xf32, #tpu.memory_space<hbm>>
    %dma_wait3A_389 = arith.constant 0 : i32
    %dma_wait3A_390 = tpu.memref_slice %arg4[%add3A_381, %dma_wait3A_389] : memref<3276800x32xf32, #tpu.memory_space<hbm>> -> memref<640x32xf32, #tpu.memory_space<hbm>>
    %dma_wait3A_391 = arith.constant 0 : i32
    %dma_wait3A_392 = arith.constant 0 : i32
    %dma_wait3A_393 = tpu.memref_slice %arg7[%dma_wait3A_382, %dma_wait3A_391, %dma_wait3A_392] : memref<3x640x32xf32, #tpu.memory_space<vmem>> -> memref<1x640x32xf32, #tpu.memory_space<vmem>>
    %dma_wait3A_394 = tpu.memref_squeeze %dma_wait3A_393 : memref<1x640x32xf32, #tpu.memory_space<vmem>> -> memref<640x32xf32, #tpu.memory_space<vmem>>
    tpu.wait_dma2 semaphore(%arg14 : memref<!tpu.dma_semaphore, #tpu.memory_space<semaphore_mem>>) src(%dma_wait3A_394 : memref<640x32xf32, #tpu.memory_space<vmem>>) dst(%dma_wait3A_390 : memref<640x32xf32, #tpu.memory_space<hbm>>)
    %scan3A_395 = arith.constant 0 : i32
    %scan3A_396 = arith.constant 160 : i32
    %scan3A_397 = arith.addi %scan3A_395, %scan3A_396 : i32
    %scan3A_398 = arith.constant 1 : i32
    scf.for %scan3A_630 = %scan3A_395 to %scan3A_397 step %scan3A_398  : i32 {
      %mul3A_631 = arith.constant 4 : i32
      %mul3A_632 = arith.muli %scan3A_630, %mul3A_631 : i32
      %add3A_633 = arith.constant 0 : i32
      %add3A_634 = arith.addi %add3A_633, %mul3A_632 : i32
      %add3A_635 = arith.constant 0 : i32
      %add3A_636 = arith.addi %add3A_634, %add3A_635 : i32
      %get3A = arith.constant 0 : i32
      %get3A_637 = arith.index_cast %get3A : i32 to index
      %get3A_638 = arith.index_cast %add3A_636 : i32 to index
      %get3A_639 = arith.constant 0 : index
      %get3A_640 = tpu.vector_load %arg6[%get3A_637, %get3A_638, %get3A_639] {strides = array<i32>} : memref<3x640x32xf32, #tpu.memory_space<vmem>>, vector<1x1x16xf32>,
      %get3A_641 = vector.shape_cast %get3A_640 : vector<1x1x16xf32> to vector<16xf32>
      %mul3A_642 = arith.constant 5.65685415 : f32
      %mul3A_643 = vector.broadcast %mul3A_642 : f32 to vector<16xf32>
      %mul3A_644 = arith.mulf %get3A_641, %mul3A_643 : vector<16xf32>
      %add3A_645 = arith.constant 0 : i32
      %add3A_646 = arith.addi %add3A_634, %add3A_645 : i32
      %swap3A = arith.constant 0 : i32
      %swap3A_647 = arith.index_cast %swap3A : i32 to index
      %swap3A_648 = arith.index_cast %add3A_646 : i32 to index
      %swap3A_649 = arith.constant 0 : index
      %swap3A_650 = tpu.vector_load %arg7[%swap3A_647, %swap3A_648, %swap3A_649] {strides = array<i32>} : memref<3x640x32xf32, #tpu.memory_space<vmem>>, vector<1x1x16xf32>,
      %swap3A_651 = vector.shape_cast %swap3A_650 : vector<1x1x16xf32> to vector<16xf32>
      %swap3A_652 = vector.shape_cast %mul3A_644 : vector<16xf32> to vector<1x1x16xf32>
      tpu.vector_store %arg7[%swap3A_647, %swap3A_648, %swap3A_649], %swap3A_652 {strides = array<i32>} : memref<3x640x32xf32, #tpu.memory_space<vmem>>, vector<1x1x16xf32>,
      %add3A_653 = arith.constant 0 : i32
      %add3A_654 = arith.addi %add3A_634, %add3A_653 : i32
      %get3A_655 = arith.constant 0 : i32
      %get3A_656 = arith.index_cast %get3A_655 : i32 to index
      %get3A_657 = arith.index_cast %add3A_654 : i32 to index
      %get3A_658 = arith.constant 16 : index
      %get3A_659 = tpu.vector_load %arg6[%get3A_656, %get3A_657, %get3A_658] {strides = array<i32>} : memref<3x640x32xf32, #tpu.memory_space<vmem>>, vector<1x1x16xf32>,
      %get3A_660 = vector.shape_cast %get3A_659 : vector<1x1x16xf32> to vector<16xf32>
      %mul3A_661 = arith.constant 5.65685415 : f32
      %mul3A_662 = vector.broadcast %mul3A_661 : f32 to vector<16xf32>
      %mul3A_663 = arith.mulf %get3A_660, %mul3A_662 : vector<16xf32>
      %add3A_664 = arith.constant 0 : i32
      %add3A_665 = arith.addi %add3A_634, %add3A_664 : i32
      %swap3A_666 = arith.constant 0 : i32
      %swap3A_667 = arith.index_cast %swap3A_666 : i32 to index
      %swap3A_668 = arith.index_cast %add3A_665 : i32 to index
      %swap3A_669 = arith.constant 16 : index
      %swap3A_670 = tpu.vector_load %arg7[%swap3A_667, %swap3A_668, %swap3A_669] {strides = array<i32>} : memref<3x640x32xf32, #tpu.memory_space<vmem>>, vector<1x1x16xf32>,
      %swap3A_671 = vector.shape_cast %swap3A_670 : vector<1x1x16xf32> to vector<16xf32>
      %swap3A_672 = vector.shape_cast %mul3A_663 : vector<16xf32> to vector<1x1x16xf32>
      tpu.vector_store %arg7[%swap3A_667, %swap3A_668, %swap3A_669], %swap3A_672 {strides = array<i32>} : memref<3x640x32xf32, #tpu.memory_space<vmem>>, vector<1x1x16xf32>,
      %add3A_673 = arith.constant 1 : i32
      %add3A_674 = arith.addi %add3A_634, %add3A_673 : i32
      %get3A_675 = arith.constant 0 : i32
      %get3A_676 = arith.index_cast %get3A_675 : i32 to index
      %get3A_677 = arith.index_cast %add3A_674 : i32 to index
      %get3A_678 = arith.constant 0 : index
      %get3A_679 = tpu.vector_load %arg6[%get3A_676, %get3A_677, %get3A_678] {strides = array<i32>} : memref<3x640x32xf32, #tpu.memory_space<vmem>>, vector<1x1x16xf32>,
      %get3A_680 = vector.shape_cast %get3A_679 : vector<1x1x16xf32> to vector<16xf32>
      %mul3A_681 = arith.constant 5.65685415 : f32
      %mul3A_682 = vector.broadcast %mul3A_681 : f32 to vector<16xf32>
      %mul3A_683 = arith.mulf %get3A_680, %mul3A_682 : vector<16xf32>
      %add3A_684 = arith.constant 1 : i32
      %add3A_685 = arith.addi %add3A_634, %add3A_684 : i32
      %swap3A_686 = arith.constant 0 : i32
      %swap3A_687 = arith.index_cast %swap3A_686 : i32 to index
      %swap3A_688 = arith.index_cast %add3A_685 : i32 to index
      %swap3A_689 = arith.constant 0 : index
      %swap3A_690 = tpu.vector_load %arg7[%swap3A_687, %swap3A_688, %swap3A_689] {strides = array<i32>} : memref<3x640x32xf32, #tpu.memory_space<vmem>>, vector<1x1x16xf32>,
      %swap3A_691 = vector.shape_cast %swap3A_690 : vector<1x1x16xf32> to vector<16xf32>
      %swap3A_692 = vector.shape_cast %mul3A_683 : vector<16xf32> to vector<1x1x16xf32>
      tpu.vector_store %arg7[%swap3A_687, %swap3A_688, %swap3A_689], %swap3A_692 {strides = array<i32>} : memref<3x640x32xf32, #tpu.memory_space<vmem>>, vector<1x1x16xf32>,
      %add3A_693 = arith.constant 1 : i32
      %add3A_694 = arith.addi %add3A_634, %add3A_693 : i32
      %get3A_695 = arith.constant 0 : i32
      %get3A_696 = arith.index_cast %get3A_695 : i32 to index
      %get3A_697 = arith.index_cast %add3A_694 : i32 to index
      %get3A_698 = arith.constant 16 : index
      %get3A_699 = tpu.vector_load %arg6[%get3A_696, %get3A_697, %get3A_698] {strides = array<i32>} : memref<3x640x32xf32, #tpu.memory_space<vmem>>, vector<1x1x16xf32>,
      %get3A_700 = vector.shape_cast %get3A_699 : vector<1x1x16xf32> to vector<16xf32>
      %mul3A_701 = arith.constant 5.65685415 : f32
      %mul3A_702 = vector.broadcast %mul3A_701 : f32 to vector<16xf32>
      %mul3A_703 = arith.mulf %get3A_700, %mul3A_702 : vector<16xf32>
      %add3A_704 = arith.constant 1 : i32
      %add3A_705 = arith.addi %add3A_634, %add3A_704 : i32
      %swap3A_706 = arith.constant 0 : i32
      %swap3A_707 = arith.index_cast %swap3A_706 : i32 to index
      %swap3A_708 = arith.index_cast %add3A_705 : i32 to index
      %swap3A_709 = arith.constant 16 : index
      %swap3A_710 = tpu.vector_load %arg7[%swap3A_707, %swap3A_708, %swap3A_709] {strides = array<i32>} : memref<3x640x32xf32, #tpu.memory_space<vmem>>, vector<1x1x16xf32>,
      %swap3A_711 = vector.shape_cast %swap3A_710 : vector<1x1x16xf32> to vector<16xf32>
      %swap3A_712 = vector.shape_cast %mul3A_703 : vector<16xf32> to vector<1x1x16xf32>
      tpu.vector_store %arg7[%swap3A_707, %swap3A_708, %swap3A_709], %swap3A_712 {strides = array<i32>} : memref<3x640x32xf32, #tpu.memory_space<vmem>>, vector<1x1x16xf32>,
      %add3A_713 = arith.constant 2 : i32
      %add3A_714 = arith.addi %add3A_634, %add3A_713 : i32
      %get3A_715 = arith.constant 0 : i32
      %get3A_716 = arith.index_cast %get3A_715 : i32 to index
      %get3A_717 = arith.index_cast %add3A_714 : i32 to index
      %get3A_718 = arith.constant 0 : index
      %get3A_719 = tpu.vector_load %arg6[%get3A_716, %get3A_717, %get3A_718] {strides = array<i32>} : memref<3x640x32xf32, #tpu.memory_space<vmem>>, vector<1x1x16xf32>,
      %get3A_720 = vector.shape_cast %get3A_719 : vector<1x1x16xf32> to vector<16xf32>
      %mul3A_721 = arith.constant 5.65685415 : f32
      %mul3A_722 = vector.broadcast %mul3A_721 : f32 to vector<16xf32>
      %mul3A_723 = arith.mulf %get3A_720, %mul3A_722 : vector<16xf32>
      %add3A_724 = arith.constant 2 : i32
      %add3A_725 = arith.addi %add3A_634, %add3A_724 : i32
      %swap3A_726 = arith.constant 0 : i32
      %swap3A_727 = arith.index_cast %swap3A_726 : i32 to index
      %swap3A_728 = arith.index_cast %add3A_725 : i32 to index
      %swap3A_729 = arith.constant 0 : index
      %swap3A_730 = tpu.vector_load %arg7[%swap3A_727, %swap3A_728, %swap3A_729] {strides = array<i32>} : memref<3x640x32xf32, #tpu.memory_space<vmem>>, vector<1x1x16xf32>,
      %swap3A_731 = vector.shape_cast %swap3A_730 : vector<1x1x16xf32> to vector<16xf32>
      %swap3A_732 = vector.shape_cast %mul3A_723 : vector<16xf32> to vector<1x1x16xf32>
      tpu.vector_store %arg7[%swap3A_727, %swap3A_728, %swap3A_729], %swap3A_732 {strides = array<i32>} : memref<3x640x32xf32, #tpu.memory_space<vmem>>, vector<1x1x16xf32>,
      %add3A_733 = arith.constant 2 : i32
      %add3A_734 = arith.addi %add3A_634, %add3A_733 : i32
      %get3A_735 = arith.constant 0 : i32
      %get3A_736 = arith.index_cast %get3A_735 : i32 to index
      %get3A_737 = arith.index_cast %add3A_734 : i32 to index
      %get3A_738 = arith.constant 16 : index
      %get3A_739 = tpu.vector_load %arg6[%get3A_736, %get3A_737, %get3A_738] {strides = array<i32>} : memref<3x640x32xf32, #tpu.memory_space<vmem>>, vector<1x1x16xf32>,
      %get3A_740 = vector.shape_cast %get3A_739 : vector<1x1x16xf32> to vector<16xf32>
      %mul3A_741 = arith.constant 5.65685415 : f32
      %mul3A_742 = vector.broadcast %mul3A_741 : f32 to vector<16xf32>
      %mul3A_743 = arith.mulf %get3A_740, %mul3A_742 : vector<16xf32>
      %add3A_744 = arith.constant 2 : i32
      %add3A_745 = arith.addi %add3A_634, %add3A_744 : i32
      %swap3A_746 = arith.constant 0 : i32
      %swap3A_747 = arith.index_cast %swap3A_746 : i32 to index
      %swap3A_748 = arith.index_cast %add3A_745 : i32 to index
      %swap3A_749 = arith.constant 16 : index
      %swap3A_750 = tpu.vector_load %arg7[%swap3A_747, %swap3A_748, %swap3A_749] {strides = array<i32>} : memref<3x640x32xf32, #tpu.memory_space<vmem>>, vector<1x1x16xf32>,
      %swap3A_751 = vector.shape_cast %swap3A_750 : vector<1x1x16xf32> to vector<16xf32>
      %swap3A_752 = vector.shape_cast %mul3A_743 : vector<16xf32> to vector<1x1x16xf32>
      tpu.vector_store %arg7[%swap3A_747, %swap3A_748, %swap3A_749], %swap3A_752 {strides = array<i32>} : memref<3x640x32xf32, #tpu.memory_space<vmem>>, vector<1x1x16xf32>,
      %add3A_753 = arith.constant 3 : i32
      %add3A_754 = arith.addi %add3A_634, %add3A_753 : i32
      %get3A_755 = arith.constant 0 : i32
      %get3A_756 = arith.index_cast %get3A_755 : i32 to index
      %get3A_757 = arith.index_cast %add3A_754 : i32 to index
      %get3A_758 = arith.constant 0 : index
      %get3A_759 = tpu.vector_load %arg6[%get3A_756, %get3A_757, %get3A_758] {strides = array<i32>} : memref<3x640x32xf32, #tpu.memory_space<vmem>>, vector<1x1x16xf32>,
      %get3A_760 = vector.shape_cast %get3A_759 : vector<1x1x16xf32> to vector<16xf32>
      %mul3A_761 = arith.constant 5.65685415 : f32
      %mul3A_762 = vector.broadcast %mul3A_761 : f32 to vector<16xf32>
      %mul3A_763 = arith.mulf %get3A_760, %mul3A_762 : vector<16xf32>
      %add3A_764 = arith.constant 3 : i32
      %add3A_765 = arith.addi %add3A_634, %add3A_764 : i32
      %swap3A_766 = arith.constant 0 : i32
      %swap3A_767 = arith.index_cast %swap3A_766 : i32 to index
      %swap3A_768 = arith.index_cast %add3A_765 : i32 to index
      %swap3A_769 = arith.constant 0 : index
      %swap3A_770 = tpu.vector_load %arg7[%swap3A_767, %swap3A_768, %swap3A_769] {strides = array<i32>} : memref<3x640x32xf32, #tpu.memory_space<vmem>>, vector<1x1x16xf32>,
      %swap3A_771 = vector.shape_cast %swap3A_770 : vector<1x1x16xf32> to vector<16xf32>
      %swap3A_772 = vector.shape_cast %mul3A_763 : vector<16xf32> to vector<1x1x16xf32>
      tpu.vector_store %arg7[%swap3A_767, %swap3A_768, %swap3A_769], %swap3A_772 {strides = array<i32>} : memref<3x640x32xf32, #tpu.memory_space<vmem>>, vector<1x1x16xf32>,
      %add3A_773 = arith.constant 3 : i32
      %add3A_774 = arith.addi %add3A_634, %add3A_773 : i32
      %get3A_775 = arith.constant 0 : i32
      %get3A_776 = arith.index_cast %get3A_775 : i32 to index
      %get3A_777 = arith.index_cast %add3A_774 : i32 to index
      %get3A_778 = arith.constant 16 : index
      %get3A_779 = tpu.vector_load %arg6[%get3A_776, %get3A_777, %get3A_778] {strides = array<i32>} : memref<3x640x32xf32, #tpu.memory_space<vmem>>, vector<1x1x16xf32>,
      %get3A_780 = vector.shape_cast %get3A_779 : vector<1x1x16xf32> to vector<16xf32>
      %mul3A_781 = arith.constant 5.65685415 : f32
      %mul3A_782 = vector.broadcast %mul3A_781 : f32 to vector<16xf32>
      %mul3A_783 = arith.mulf %get3A_780, %mul3A_782 : vector<16xf32>
      %add3A_784 = arith.constant 3 : i32
      %add3A_785 = arith.addi %add3A_634, %add3A_784 : i32
      %swap3A_786 = arith.constant 0 : i32
      %swap3A_787 = arith.index_cast %swap3A_786 : i32 to index
      %swap3A_788 = arith.index_cast %add3A_785 : i32 to index
      %swap3A_789 = arith.constant 16 : index
      %swap3A_790 = tpu.vector_load %arg7[%swap3A_787, %swap3A_788, %swap3A_789] {strides = array<i32>} : memref<3x640x32xf32, #tpu.memory_space<vmem>>, vector<1x1x16xf32>,
      %swap3A_791 = vector.shape_cast %swap3A_790 : vector<1x1x16xf32> to vector<16xf32>
      %swap3A_792 = vector.shape_cast %mul3A_783 : vector<16xf32> to vector<1x1x16xf32>
      tpu.vector_store %arg7[%swap3A_787, %swap3A_788, %swap3A_789], %swap3A_792 {strides = array<i32>} : memref<3x640x32xf32, #tpu.memory_space<vmem>>, vector<1x1x16xf32>,
    }
    %scan3A_399 = arith.constant 160 : i32
    %dma_wait3A_400 = arith.constant 0 : i32
    %dma_wait3A_401 = arith.constant 0 : i32
    %dma_wait3A_402 = arith.constant 0 : i32
    %dma_wait3A_403 = tpu.memref_slice %arg5[%dma_wait3A_400, %dma_wait3A_401, %dma_wait3A_402] : memref<3x1x640xi32, #tpu.memory_space<vmem>> -> memref<1x1x640xi32, #tpu.memory_space<vmem>>
    %dma_wait3A_404 = tpu.memref_squeeze %dma_wait3A_403 : memref<1x1x640xi32, #tpu.memory_space<vmem>> -> memref<1x640xi32, #tpu.memory_space<vmem>>
    %dma_wait3A_405 = arith.constant 0 : i32
    %dma_wait3A_406 = tpu.memref_slice %arg2[%add3A_366, %dma_wait3A_405] : memref<5120x640xi32, #tpu.memory_space<hbm>> -> memref<1x640xi32, #tpu.memory_space<hbm>>
    %dma_wait3A_407 = arith.constant 0 : i32
    %dma_wait3A_408 = arith.constant 0 : i32
    %dma_wait3A_409 = tpu.memref_slice %arg5[%dma_wait3A_400, %dma_wait3A_407, %dma_wait3A_408] : memref<3x1x640xi32, #tpu.memory_space<vmem>> -> memref<1x1x640xi32, #tpu.memory_space<vmem>>
    %dma_wait3A_410 = tpu.memref_squeeze %dma_wait3A_409 : memref<1x1x640xi32, #tpu.memory_space<vmem>> -> memref<1x640xi32, #tpu.memory_space<vmem>>
    %dma_wait3A_411 = arith.constant 0 : i32
    %dma_wait3A_412 = tpu.memref_slice %arg2[%add3A_366, %dma_wait3A_411] : memref<5120x640xi32, #tpu.memory_space<hbm>> -> memref<1x640xi32, #tpu.memory_space<hbm>>
    tpu.wait_dma2 semaphore(%arg8 : memref<!tpu.dma_semaphore, #tpu.memory_space<semaphore_mem>>) src(%dma_wait3A_412 : memref<1x640xi32, #tpu.memory_space<hbm>>) dst(%dma_wait3A_410 : memref<1x640xi32, #tpu.memory_space<vmem>>)
    %dma_start3A_413 = arith.constant 0 : i32
    %dma_start3A_414 = arith.constant 0 : i32
    %dma_start3A_415 = arith.constant 0 : i32
    %dma_start3A_416 = arith.constant 0 : i32
    %dma_start3A_417 = arith.constant 0 : i32
    %dma_start3A_418 = tpu.memref_slice %arg6[%dma_start3A_415, %dma_start3A_416, %dma_start3A_417] : memref<3x640x32xf32, #tpu.memory_space<vmem>> -> memref<1x640x32xf32, #tpu.memory_space<vmem>>
    %dma_start3A_419 = tpu.memref_squeeze %dma_start3A_418 : memref<1x640x32xf32, #tpu.memory_space<vmem>> -> memref<640x32xf32, #tpu.memory_space<vmem>>
    %dma_start3A_420 = arith.constant 0 : i32
    %dma_start3A_421 = tpu.memref_slice %arg5[%dma_start3A_413, %dma_start3A_414, %dma_start3A_420] : memref<3x1x640xi32, #tpu.memory_space<vmem>> -> memref<1x1x640xi32, #tpu.memory_space<vmem>>
    %dma_start3A_422 = tpu.memref_squeeze %dma_start3A_421 : memref<1x1x640xi32, #tpu.memory_space<vmem>> -> memref<640xi32, #tpu.memory_space<vmem>>
    %dma_start3A_423 = arith.constant 0 : i32
    %dma_start3A_424 = arith.constant 0 : i32
    %dma_start3A_425 = tpu.memref_slice %arg3[%dma_start3A_423, %dma_start3A_424] : memref<1000000x32xf32, #tpu.memory_space<hbm>> -> memref<1000000x32xf32, #tpu.memory_space<hbm>>
    tpu.enqueue_indirect_dma source(%dma_start3A_425 : memref<1000000x32xf32, #tpu.memory_space<hbm>>) target(%dma_start3A_419 : memref<640x32xf32, #tpu.memory_space<vmem>>) offsets(%dma_start3A_422 : memref<640xi32, #tpu.memory_space<vmem>>) semaphore(%arg11 : memref<!tpu.dma_semaphore, #tpu.memory_space<semaphore_mem>>)
    %add3A_426 = arith.constant 99840 : i32
    %add3A_427 = arith.addi %mul3A_2, %add3A_426 : i32
    %dma_start3A_428 = arith.constant 0 : i32
    %dma_start3A_429 = arith.constant 0 : i32
    %dma_start3A_430 = arith.constant 0 : i32
    %dma_start3A_431 = tpu.memref_slice %arg7[%dma_start3A_428, %dma_start3A_429, %dma_start3A_430] : memref<3x640x32xf32, #tpu.memory_space<vmem>> -> memref<1x640x32xf32, #tpu.memory_space<vmem>>
    %dma_start3A_432 = tpu.memref_squeeze %dma_start3A_431 : memref<1x640x32xf32, #tpu.memory_space<vmem>> -> memref<640x32xf32, #tpu.memory_space<vmem>>
    %dma_start3A_433 = arith.constant 0 : i32
    %dma_start3A_434 = tpu.memref_slice %arg4[%add3A_427, %dma_start3A_433] : memref<3276800x32xf32, #tpu.memory_space<hbm>> -> memref<640x32xf32, #tpu.memory_space<hbm>>
    %dma_start3A_435 = arith.constant 0 : i32
    %dma_start3A_436 = tpu.memref_slice %arg4[%add3A_427, %dma_start3A_435] : memref<3276800x32xf32, #tpu.memory_space<hbm>> -> memref<640x32xf32, #tpu.memory_space<hbm>>
    %dma_start3A_437 = arith.constant 0 : i32
    %dma_start3A_438 = arith.constant 0 : i32
    %dma_start3A_439 = tpu.memref_slice %arg7[%dma_start3A_428, %dma_start3A_437, %dma_start3A_438] : memref<3x640x32xf32, #tpu.memory_space<vmem>> -> memref<1x640x32xf32, #tpu.memory_space<vmem>>
    %dma_start3A_440 = tpu.memref_squeeze %dma_start3A_439 : memref<1x640x32xf32, #tpu.memory_space<vmem>> -> memref<640x32xf32, #tpu.memory_space<vmem>>
    tpu.enqueue_dma source(%dma_start3A_440 : memref<640x32xf32, #tpu.memory_space<vmem>>) target(%dma_start3A_436 : memref<640x32xf32, #tpu.memory_space<hbm>>) target_semaphore(%arg14 : memref<!tpu.dma_semaphore, #tpu.memory_space<semaphore_mem>>)
    %dma_wait3A_441 = arith.constant 1 : i32
    %dma_wait3A_442 = arith.constant 0 : i32
    %dma_wait3A_443 = arith.constant 1 : i32
    %dma_wait3A_444 = arith.constant 0 : i32
    %dma_wait3A_445 = arith.constant 0 : i32
    %dma_wait3A_446 = tpu.memref_slice %arg6[%dma_wait3A_443, %dma_wait3A_444, %dma_wait3A_445] : memref<3x640x32xf32, #tpu.memory_space<vmem>> -> memref<1x640x32xf32, #tpu.memory_space<vmem>>
    %dma_wait3A_447 = tpu.memref_squeeze %dma_wait3A_446 : memref<1x640x32xf32, #tpu.memory_space<vmem>> -> memref<640x32xf32, #tpu.memory_space<vmem>>
    %dma_wait3A_448 = arith.constant 0 : i32
    %dma_wait3A_449 = tpu.memref_slice %arg5[%dma_wait3A_441, %dma_wait3A_442, %dma_wait3A_448] : memref<3x1x640xi32, #tpu.memory_space<vmem>> -> memref<1x1x640xi32, #tpu.memory_space<vmem>>
    %dma_wait3A_450 = tpu.memref_squeeze %dma_wait3A_449 : memref<1x1x640xi32, #tpu.memory_space<vmem>> -> memref<640xi32, #tpu.memory_space<vmem>>
    %dma_wait3A_451 = arith.constant 0 : i32
    %dma_wait3A_452 = arith.constant 0 : i32
    %dma_wait3A_453 = tpu.memref_slice %arg3[%dma_wait3A_451, %dma_wait3A_452] : memref<1000000x32xf32, #tpu.memory_space<hbm>> -> memref<1000000x32xf32, #tpu.memory_space<hbm>>
    tpu.wait_indirect_dma semaphore(%arg12 : memref<!tpu.dma_semaphore, #tpu.memory_space<semaphore_mem>>) src(%dma_wait3A_453 : memref<1000000x32xf32, #tpu.memory_space<hbm>>) dst(%dma_wait3A_447 : memref<640x32xf32, #tpu.memory_space<vmem>>)
    %add3A_454 = arith.constant 98560 : i32
    %add3A_455 = arith.addi %mul3A_2, %add3A_454 : i32
    %dma_wait3A_456 = arith.constant 1 : i32
    %dma_wait3A_457 = arith.constant 0 : i32
    %dma_wait3A_458 = arith.constant 0 : i32
    %dma_wait3A_459 = tpu.memref_slice %arg7[%dma_wait3A_456, %dma_wait3A_457, %dma_wait3A_458] : memref<3x640x32xf32, #tpu.memory_space<vmem>> -> memref<1x640x32xf32, #tpu.memory_space<vmem>>
    %dma_wait3A_460 = tpu.memref_squeeze %dma_wait3A_459 : memref<1x640x32xf32, #tpu.memory_space<vmem>> -> memref<640x32xf32, #tpu.memory_space<vmem>>
    %dma_wait3A_461 = arith.constant 0 : i32
    %dma_wait3A_462 = tpu.memref_slice %arg4[%add3A_455, %dma_wait3A_461] : memref<3276800x32xf32, #tpu.memory_space<hbm>> -> memref<640x32xf32, #tpu.memory_space<hbm>>
    %dma_wait3A_463 = arith.constant 0 : i32
    %dma_wait3A_464 = tpu.memref_slice %arg4[%add3A_455, %dma_wait3A_463] : memref<3276800x32xf32, #tpu.memory_space<hbm>> -> memref<640x32xf32, #tpu.memory_space<hbm>>
    %dma_wait3A_465 = arith.constant 0 : i32
    %dma_wait3A_466 = arith.constant 0 : i32
    %dma_wait3A_467 = tpu.memref_slice %arg7[%dma_wait3A_456, %dma_wait3A_465, %dma_wait3A_466] : memref<3x640x32xf32, #tpu.memory_space<vmem>> -> memref<1x640x32xf32, #tpu.memory_space<vmem>>
    %dma_wait3A_468 = tpu.memref_squeeze %dma_wait3A_467 : memref<1x640x32xf32, #tpu.memory_space<vmem>> -> memref<640x32xf32, #tpu.memory_space<vmem>>
    tpu.wait_dma2 semaphore(%arg15 : memref<!tpu.dma_semaphore, #tpu.memory_space<semaphore_mem>>) src(%dma_wait3A_468 : memref<640x32xf32, #tpu.memory_space<vmem>>) dst(%dma_wait3A_464 : memref<640x32xf32, #tpu.memory_space<hbm>>)
    %scan3A_469 = arith.constant 0 : i32
    %scan3A_470 = arith.constant 160 : i32
    %scan3A_471 = arith.addi %scan3A_469, %scan3A_470 : i32
    %scan3A_472 = arith.constant 1 : i32
    scf.for %scan3A_630 = %scan3A_469 to %scan3A_471 step %scan3A_472  : i32 {
      %mul3A_631 = arith.constant 4 : i32
      %mul3A_632 = arith.muli %scan3A_630, %mul3A_631 : i32
      %add3A_633 = arith.constant 0 : i32
      %add3A_634 = arith.addi %add3A_633, %mul3A_632 : i32
      %add3A_635 = arith.constant 0 : i32
      %add3A_636 = arith.addi %add3A_634, %add3A_635 : i32
      %get3A = arith.constant 1 : i32
      %get3A_637 = arith.index_cast %get3A : i32 to index
      %get3A_638 = arith.index_cast %add3A_636 : i32 to index
      %get3A_639 = arith.constant 0 : index
      %get3A_640 = tpu.vector_load %arg6[%get3A_637, %get3A_638, %get3A_639] {strides = array<i32>} : memref<3x640x32xf32, #tpu.memory_space<vmem>>, vector<1x1x16xf32>,
      %get3A_641 = vector.shape_cast %get3A_640 : vector<1x1x16xf32> to vector<16xf32>
      %mul3A_642 = arith.constant 5.65685415 : f32
      %mul3A_643 = vector.broadcast %mul3A_642 : f32 to vector<16xf32>
      %mul3A_644 = arith.mulf %get3A_641, %mul3A_643 : vector<16xf32>
      %add3A_645 = arith.constant 0 : i32
      %add3A_646 = arith.addi %add3A_634, %add3A_645 : i32
      %swap3A = arith.constant 1 : i32
      %swap3A_647 = arith.index_cast %swap3A : i32 to index
      %swap3A_648 = arith.index_cast %add3A_646 : i32 to index
      %swap3A_649 = arith.constant 0 : index
      %swap3A_650 = tpu.vector_load %arg7[%swap3A_647, %swap3A_648, %swap3A_649] {strides = array<i32>} : memref<3x640x32xf32, #tpu.memory_space<vmem>>, vector<1x1x16xf32>,
      %swap3A_651 = vector.shape_cast %swap3A_650 : vector<1x1x16xf32> to vector<16xf32>
      %swap3A_652 = vector.shape_cast %mul3A_644 : vector<16xf32> to vector<1x1x16xf32>
      tpu.vector_store %arg7[%swap3A_647, %swap3A_648, %swap3A_649], %swap3A_652 {strides = array<i32>} : memref<3x640x32xf32, #tpu.memory_space<vmem>>, vector<1x1x16xf32>,
      %add3A_653 = arith.constant 0 : i32
      %add3A_654 = arith.addi %add3A_634, %add3A_653 : i32
      %get3A_655 = arith.constant 1 : i32
      %get3A_656 = arith.index_cast %get3A_655 : i32 to index
      %get3A_657 = arith.index_cast %add3A_654 : i32 to index
      %get3A_658 = arith.constant 16 : index
      %get3A_659 = tpu.vector_load %arg6[%get3A_656, %get3A_657, %get3A_658] {strides = array<i32>} : memref<3x640x32xf32, #tpu.memory_space<vmem>>, vector<1x1x16xf32>,
      %get3A_660 = vector.shape_cast %get3A_659 : vector<1x1x16xf32> to vector<16xf32>
      %mul3A_661 = arith.constant 5.65685415 : f32
      %mul3A_662 = vector.broadcast %mul3A_661 : f32 to vector<16xf32>
      %mul3A_663 = arith.mulf %get3A_660, %mul3A_662 : vector<16xf32>
      %add3A_664 = arith.constant 0 : i32
      %add3A_665 = arith.addi %add3A_634, %add3A_664 : i32
      %swap3A_666 = arith.constant 1 : i32
      %swap3A_667 = arith.index_cast %swap3A_666 : i32 to index
      %swap3A_668 = arith.index_cast %add3A_665 : i32 to index
      %swap3A_669 = arith.constant 16 : index
      %swap3A_670 = tpu.vector_load %arg7[%swap3A_667, %swap3A_668, %swap3A_669] {strides = array<i32>} : memref<3x640x32xf32, #tpu.memory_space<vmem>>, vector<1x1x16xf32>,
      %swap3A_671 = vector.shape_cast %swap3A_670 : vector<1x1x16xf32> to vector<16xf32>
      %swap3A_672 = vector.shape_cast %mul3A_663 : vector<16xf32> to vector<1x1x16xf32>
      tpu.vector_store %arg7[%swap3A_667, %swap3A_668, %swap3A_669], %swap3A_672 {strides = array<i32>} : memref<3x640x32xf32, #tpu.memory_space<vmem>>, vector<1x1x16xf32>,
      %add3A_673 = arith.constant 1 : i32
      %add3A_674 = arith.addi %add3A_634, %add3A_673 : i32
      %get3A_675 = arith.constant 1 : i32
      %get3A_676 = arith.index_cast %get3A_675 : i32 to index
      %get3A_677 = arith.index_cast %add3A_674 : i32 to index
      %get3A_678 = arith.constant 0 : index
      %get3A_679 = tpu.vector_load %arg6[%get3A_676, %get3A_677, %get3A_678] {strides = array<i32>} : memref<3x640x32xf32, #tpu.memory_space<vmem>>, vector<1x1x16xf32>,
      %get3A_680 = vector.shape_cast %get3A_679 : vector<1x1x16xf32> to vector<16xf32>
      %mul3A_681 = arith.constant 5.65685415 : f32
      %mul3A_682 = vector.broadcast %mul3A_681 : f32 to vector<16xf32>
      %mul3A_683 = arith.mulf %get3A_680, %mul3A_682 : vector<16xf32>
      %add3A_684 = arith.constant 1 : i32
      %add3A_685 = arith.addi %add3A_634, %add3A_684 : i32
      %swap3A_686 = arith.constant 1 : i32
      %swap3A_687 = arith.index_cast %swap3A_686 : i32 to index
      %swap3A_688 = arith.index_cast %add3A_685 : i32 to index
      %swap3A_689 = arith.constant 0 : index
      %swap3A_690 = tpu.vector_load %arg7[%swap3A_687, %swap3A_688, %swap3A_689] {strides = array<i32>} : memref<3x640x32xf32, #tpu.memory_space<vmem>>, vector<1x1x16xf32>,
      %swap3A_691 = vector.shape_cast %swap3A_690 : vector<1x1x16xf32> to vector<16xf32>
      %swap3A_692 = vector.shape_cast %mul3A_683 : vector<16xf32> to vector<1x1x16xf32>
      tpu.vector_store %arg7[%swap3A_687, %swap3A_688, %swap3A_689], %swap3A_692 {strides = array<i32>} : memref<3x640x32xf32, #tpu.memory_space<vmem>>, vector<1x1x16xf32>,
      %add3A_693 = arith.constant 1 : i32
      %add3A_694 = arith.addi %add3A_634, %add3A_693 : i32
      %get3A_695 = arith.constant 1 : i32
      %get3A_696 = arith.index_cast %get3A_695 : i32 to index
      %get3A_697 = arith.index_cast %add3A_694 : i32 to index
      %get3A_698 = arith.constant 16 : index
      %get3A_699 = tpu.vector_load %arg6[%get3A_696, %get3A_697, %get3A_698] {strides = array<i32>} : memref<3x640x32xf32, #tpu.memory_space<vmem>>, vector<1x1x16xf32>,
      %get3A_700 = vector.shape_cast %get3A_699 : vector<1x1x16xf32> to vector<16xf32>
      %mul3A_701 = arith.constant 5.65685415 : f32
      %mul3A_702 = vector.broadcast %mul3A_701 : f32 to vector<16xf32>
      %mul3A_703 = arith.mulf %get3A_700, %mul3A_702 : vector<16xf32>
      %add3A_704 = arith.constant 1 : i32
      %add3A_705 = arith.addi %add3A_634, %add3A_704 : i32
      %swap3A_706 = arith.constant 1 : i32
      %swap3A_707 = arith.index_cast %swap3A_706 : i32 to index
      %swap3A_708 = arith.index_cast %add3A_705 : i32 to index
      %swap3A_709 = arith.constant 16 : index
      %swap3A_710 = tpu.vector_load %arg7[%swap3A_707, %swap3A_708, %swap3A_709] {strides = array<i32>} : memref<3x640x32xf32, #tpu.memory_space<vmem>>, vector<1x1x16xf32>,
      %swap3A_711 = vector.shape_cast %swap3A_710 : vector<1x1x16xf32> to vector<16xf32>
      %swap3A_712 = vector.shape_cast %mul3A_703 : vector<16xf32> to vector<1x1x16xf32>
      tpu.vector_store %arg7[%swap3A_707, %swap3A_708, %swap3A_709], %swap3A_712 {strides = array<i32>} : memref<3x640x32xf32, #tpu.memory_space<vmem>>, vector<1x1x16xf32>,
      %add3A_713 = arith.constant 2 : i32
      %add3A_714 = arith.addi %add3A_634, %add3A_713 : i32
      %get3A_715 = arith.constant 1 : i32
      %get3A_716 = arith.index_cast %get3A_715 : i32 to index
      %get3A_717 = arith.index_cast %add3A_714 : i32 to index
      %get3A_718 = arith.constant 0 : index
      %get3A_719 = tpu.vector_load %arg6[%get3A_716, %get3A_717, %get3A_718] {strides = array<i32>} : memref<3x640x32xf32, #tpu.memory_space<vmem>>, vector<1x1x16xf32>,
      %get3A_720 = vector.shape_cast %get3A_719 : vector<1x1x16xf32> to vector<16xf32>
      %mul3A_721 = arith.constant 5.65685415 : f32
      %mul3A_722 = vector.broadcast %mul3A_721 : f32 to vector<16xf32>
      %mul3A_723 = arith.mulf %get3A_720, %mul3A_722 : vector<16xf32>
      %add3A_724 = arith.constant 2 : i32
      %add3A_725 = arith.addi %add3A_634, %add3A_724 : i32
      %swap3A_726 = arith.constant 1 : i32
      %swap3A_727 = arith.index_cast %swap3A_726 : i32 to index
      %swap3A_728 = arith.index_cast %add3A_725 : i32 to index
      %swap3A_729 = arith.constant 0 : index
      %swap3A_730 = tpu.vector_load %arg7[%swap3A_727, %swap3A_728, %swap3A_729] {strides = array<i32>} : memref<3x640x32xf32, #tpu.memory_space<vmem>>, vector<1x1x16xf32>,
      %swap3A_731 = vector.shape_cast %swap3A_730 : vector<1x1x16xf32> to vector<16xf32>
      %swap3A_732 = vector.shape_cast %mul3A_723 : vector<16xf32> to vector<1x1x16xf32>
      tpu.vector_store %arg7[%swap3A_727, %swap3A_728, %swap3A_729], %swap3A_732 {strides = array<i32>} : memref<3x640x32xf32, #tpu.memory_space<vmem>>, vector<1x1x16xf32>,
      %add3A_733 = arith.constant 2 : i32
      %add3A_734 = arith.addi %add3A_634, %add3A_733 : i32
      %get3A_735 = arith.constant 1 : i32
      %get3A_736 = arith.index_cast %get3A_735 : i32 to index
      %get3A_737 = arith.index_cast %add3A_734 : i32 to index
      %get3A_738 = arith.constant 16 : index
      %get3A_739 = tpu.vector_load %arg6[%get3A_736, %get3A_737, %get3A_738] {strides = array<i32>} : memref<3x640x32xf32, #tpu.memory_space<vmem>>, vector<1x1x16xf32>,
      %get3A_740 = vector.shape_cast %get3A_739 : vector<1x1x16xf32> to vector<16xf32>
      %mul3A_741 = arith.constant 5.65685415 : f32
      %mul3A_742 = vector.broadcast %mul3A_741 : f32 to vector<16xf32>
      %mul3A_743 = arith.mulf %get3A_740, %mul3A_742 : vector<16xf32>
      %add3A_744 = arith.constant 2 : i32
      %add3A_745 = arith.addi %add3A_634, %add3A_744 : i32
      %swap3A_746 = arith.constant 1 : i32
      %swap3A_747 = arith.index_cast %swap3A_746 : i32 to index
      %swap3A_748 = arith.index_cast %add3A_745 : i32 to index
      %swap3A_749 = arith.constant 16 : index
      %swap3A_750 = tpu.vector_load %arg7[%swap3A_747, %swap3A_748, %swap3A_749] {strides = array<i32>} : memref<3x640x32xf32, #tpu.memory_space<vmem>>, vector<1x1x16xf32>,
      %swap3A_751 = vector.shape_cast %swap3A_750 : vector<1x1x16xf32> to vector<16xf32>
      %swap3A_752 = vector.shape_cast %mul3A_743 : vector<16xf32> to vector<1x1x16xf32>
      tpu.vector_store %arg7[%swap3A_747, %swap3A_748, %swap3A_749], %swap3A_752 {strides = array<i32>} : memref<3x640x32xf32, #tpu.memory_space<vmem>>, vector<1x1x16xf32>,
      %add3A_753 = arith.constant 3 : i32
      %add3A_754 = arith.addi %add3A_634, %add3A_753 : i32
      %get3A_755 = arith.constant 1 : i32
      %get3A_756 = arith.index_cast %get3A_755 : i32 to index
      %get3A_757 = arith.index_cast %add3A_754 : i32 to index
      %get3A_758 = arith.constant 0 : index
      %get3A_759 = tpu.vector_load %arg6[%get3A_756, %get3A_757, %get3A_758] {strides = array<i32>} : memref<3x640x32xf32, #tpu.memory_space<vmem>>, vector<1x1x16xf32>,
      %get3A_760 = vector.shape_cast %get3A_759 : vector<1x1x16xf32> to vector<16xf32>
      %mul3A_761 = arith.constant 5.65685415 : f32
      %mul3A_762 = vector.broadcast %mul3A_761 : f32 to vector<16xf32>
      %mul3A_763 = arith.mulf %get3A_760, %mul3A_762 : vector<16xf32>
      %add3A_764 = arith.constant 3 : i32
      %add3A_765 = arith.addi %add3A_634, %add3A_764 : i32
      %swap3A_766 = arith.constant 1 : i32
      %swap3A_767 = arith.index_cast %swap3A_766 : i32 to index
      %swap3A_768 = arith.index_cast %add3A_765 : i32 to index
      %swap3A_769 = arith.constant 0 : index
      %swap3A_770 = tpu.vector_load %arg7[%swap3A_767, %swap3A_768, %swap3A_769] {strides = array<i32>} : memref<3x640x32xf32, #tpu.memory_space<vmem>>, vector<1x1x16xf32>,
      %swap3A_771 = vector.shape_cast %swap3A_770 : vector<1x1x16xf32> to vector<16xf32>
      %swap3A_772 = vector.shape_cast %mul3A_763 : vector<16xf32> to vector<1x1x16xf32>
      tpu.vector_store %arg7[%swap3A_767, %swap3A_768, %swap3A_769], %swap3A_772 {strides = array<i32>} : memref<3x640x32xf32, #tpu.memory_space<vmem>>, vector<1x1x16xf32>,
      %add3A_773 = arith.constant 3 : i32
      %add3A_774 = arith.addi %add3A_634, %add3A_773 : i32
      %get3A_775 = arith.constant 1 : i32
      %get3A_776 = arith.index_cast %get3A_775 : i32 to index
      %get3A_777 = arith.index_cast %add3A_774 : i32 to index
      %get3A_778 = arith.constant 16 : index
      %get3A_779 = tpu.vector_load %arg6[%get3A_776, %get3A_777, %get3A_778] {strides = array<i32>} : memref<3x640x32xf32, #tpu.memory_space<vmem>>, vector<1x1x16xf32>,
      %get3A_780 = vector.shape_cast %get3A_779 : vector<1x1x16xf32> to vector<16xf32>
      %mul3A_781 = arith.constant 5.65685415 : f32
      %mul3A_782 = vector.broadcast %mul3A_781 : f32 to vector<16xf32>
      %mul3A_783 = arith.mulf %get3A_780, %mul3A_782 : vector<16xf32>
      %add3A_784 = arith.constant 3 : i32
      %add3A_785 = arith.addi %add3A_634, %add3A_784 : i32
      %swap3A_786 = arith.constant 1 : i32
      %swap3A_787 = arith.index_cast %swap3A_786 : i32 to index
      %swap3A_788 = arith.index_cast %add3A_785 : i32 to index
      %swap3A_789 = arith.constant 16 : index
      %swap3A_790 = tpu.vector_load %arg7[%swap3A_787, %swap3A_788, %swap3A_789] {strides = array<i32>} : memref<3x640x32xf32, #tpu.memory_space<vmem>>, vector<1x1x16xf32>,
      %swap3A_791 = vector.shape_cast %swap3A_790 : vector<1x1x16xf32> to vector<16xf32>
      %swap3A_792 = vector.shape_cast %mul3A_783 : vector<16xf32> to vector<1x1x16xf32>
      tpu.vector_store %arg7[%swap3A_787, %swap3A_788, %swap3A_789], %swap3A_792 {strides = array<i32>} : memref<3x640x32xf32, #tpu.memory_space<vmem>>, vector<1x1x16xf32>,
    }
    %scan3A_473 = arith.constant 160 : i32
    %add3A_474 = arith.constant 100480 : i32
    %add3A_475 = arith.addi %mul3A_2, %add3A_474 : i32
    %dma_start3A_476 = arith.constant 1 : i32
    %dma_start3A_477 = arith.constant 0 : i32
    %dma_start3A_478 = arith.constant 0 : i32
    %dma_start3A_479 = tpu.memref_slice %arg7[%dma_start3A_476, %dma_start3A_477, %dma_start3A_478] : memref<3x640x32xf32, #tpu.memory_space<vmem>> -> memref<1x640x32xf32, #tpu.memory_space<vmem>>
    %dma_start3A_480 = tpu.memref_squeeze %dma_start3A_479 : memref<1x640x32xf32, #tpu.memory_space<vmem>> -> memref<640x32xf32, #tpu.memory_space<vmem>>
    %dma_start3A_481 = arith.constant 0 : i32
    %dma_start3A_482 = tpu.memref_slice %arg4[%add3A_475, %dma_start3A_481] : memref<3276800x32xf32, #tpu.memory_space<hbm>> -> memref<640x32xf32, #tpu.memory_space<hbm>>
    %dma_start3A_483 = arith.constant 0 : i32
    %dma_start3A_484 = tpu.memref_slice %arg4[%add3A_475, %dma_start3A_483] : memref<3276800x32xf32, #tpu.memory_space<hbm>> -> memref<640x32xf32, #tpu.memory_space<hbm>>
    %dma_start3A_485 = arith.constant 0 : i32
    %dma_start3A_486 = arith.constant 0 : i32
    %dma_start3A_487 = tpu.memref_slice %arg7[%dma_start3A_476, %dma_start3A_485, %dma_start3A_486] : memref<3x640x32xf32, #tpu.memory_space<vmem>> -> memref<1x640x32xf32, #tpu.memory_space<vmem>>
    %dma_start3A_488 = tpu.memref_squeeze %dma_start3A_487 : memref<1x640x32xf32, #tpu.memory_space<vmem>> -> memref<640x32xf32, #tpu.memory_space<vmem>>
    tpu.enqueue_dma source(%dma_start3A_488 : memref<640x32xf32, #tpu.memory_space<vmem>>) target(%dma_start3A_484 : memref<640x32xf32, #tpu.memory_space<hbm>>) target_semaphore(%arg15 : memref<!tpu.dma_semaphore, #tpu.memory_space<semaphore_mem>>)
    %dma_wait3A_489 = arith.constant 2 : i32
    %dma_wait3A_490 = arith.constant 0 : i32
    %dma_wait3A_491 = arith.constant 2 : i32
    %dma_wait3A_492 = arith.constant 0 : i32
    %dma_wait3A_493 = arith.constant 0 : i32
    %dma_wait3A_494 = tpu.memref_slice %arg6[%dma_wait3A_491, %dma_wait3A_492, %dma_wait3A_493] : memref<3x640x32xf32, #tpu.memory_space<vmem>> -> memref<1x640x32xf32, #tpu.memory_space<vmem>>
    %dma_wait3A_495 = tpu.memref_squeeze %dma_wait3A_494 : memref<1x640x32xf32, #tpu.memory_space<vmem>> -> memref<640x32xf32, #tpu.memory_space<vmem>>
    %dma_wait3A_496 = arith.constant 0 : i32
    %dma_wait3A_497 = tpu.memref_slice %arg5[%dma_wait3A_489, %dma_wait3A_490, %dma_wait3A_496] : memref<3x1x640xi32, #tpu.memory_space<vmem>> -> memref<1x1x640xi32, #tpu.memory_space<vmem>>
    %dma_wait3A_498 = tpu.memref_squeeze %dma_wait3A_497 : memref<1x1x640xi32, #tpu.memory_space<vmem>> -> memref<640xi32, #tpu.memory_space<vmem>>
    %dma_wait3A_499 = arith.constant 0 : i32
    %dma_wait3A_500 = arith.constant 0 : i32
    %dma_wait3A_501 = tpu.memref_slice %arg3[%dma_wait3A_499, %dma_wait3A_500] : memref<1000000x32xf32, #tpu.memory_space<hbm>> -> memref<1000000x32xf32, #tpu.memory_space<hbm>>
    tpu.wait_indirect_dma semaphore(%arg13 : memref<!tpu.dma_semaphore, #tpu.memory_space<semaphore_mem>>) src(%dma_wait3A_501 : memref<1000000x32xf32, #tpu.memory_space<hbm>>) dst(%dma_wait3A_495 : memref<640x32xf32, #tpu.memory_space<vmem>>)
    %add3A_502 = arith.constant 99200 : i32
    %add3A_503 = arith.addi %mul3A_2, %add3A_502 : i32
    %dma_wait3A_504 = arith.constant 2 : i32
    %dma_wait3A_505 = arith.constant 0 : i32
    %dma_wait3A_506 = arith.constant 0 : i32
    %dma_wait3A_507 = tpu.memref_slice %arg7[%dma_wait3A_504, %dma_wait3A_505, %dma_wait3A_506] : memref<3x640x32xf32, #tpu.memory_space<vmem>> -> memref<1x640x32xf32, #tpu.memory_space<vmem>>
    %dma_wait3A_508 = tpu.memref_squeeze %dma_wait3A_507 : memref<1x640x32xf32, #tpu.memory_space<vmem>> -> memref<640x32xf32, #tpu.memory_space<vmem>>
    %dma_wait3A_509 = arith.constant 0 : i32
    %dma_wait3A_510 = tpu.memref_slice %arg4[%add3A_503, %dma_wait3A_509] : memref<3276800x32xf32, #tpu.memory_space<hbm>> -> memref<640x32xf32, #tpu.memory_space<hbm>>
    %dma_wait3A_511 = arith.constant 0 : i32
    %dma_wait3A_512 = tpu.memref_slice %arg4[%add3A_503, %dma_wait3A_511] : memref<3276800x32xf32, #tpu.memory_space<hbm>> -> memref<640x32xf32, #tpu.memory_space<hbm>>
    %dma_wait3A_513 = arith.constant 0 : i32
    %dma_wait3A_514 = arith.constant 0 : i32
    %dma_wait3A_515 = tpu.memref_slice %arg7[%dma_wait3A_504, %dma_wait3A_513, %dma_wait3A_514] : memref<3x640x32xf32, #tpu.memory_space<vmem>> -> memref<1x640x32xf32, #tpu.memory_space<vmem>>
    %dma_wait3A_516 = tpu.memref_squeeze %dma_wait3A_515 : memref<1x640x32xf32, #tpu.memory_space<vmem>> -> memref<640x32xf32, #tpu.memory_space<vmem>>
    tpu.wait_dma2 semaphore(%arg16 : memref<!tpu.dma_semaphore, #tpu.memory_space<semaphore_mem>>) src(%dma_wait3A_516 : memref<640x32xf32, #tpu.memory_space<vmem>>) dst(%dma_wait3A_512 : memref<640x32xf32, #tpu.memory_space<hbm>>)
    %scan3A_517 = arith.constant 0 : i32
    %scan3A_518 = arith.constant 160 : i32
    %scan3A_519 = arith.addi %scan3A_517, %scan3A_518 : i32
    %scan3A_520 = arith.constant 1 : i32
    scf.for %scan3A_630 = %scan3A_517 to %scan3A_519 step %scan3A_520  : i32 {
      %mul3A_631 = arith.constant 4 : i32
      %mul3A_632 = arith.muli %scan3A_630, %mul3A_631 : i32
      %add3A_633 = arith.constant 0 : i32
      %add3A_634 = arith.addi %add3A_633, %mul3A_632 : i32
      %add3A_635 = arith.constant 0 : i32
      %add3A_636 = arith.addi %add3A_634, %add3A_635 : i32
      %get3A = arith.constant 2 : i32
      %get3A_637 = arith.index_cast %get3A : i32 to index
      %get3A_638 = arith.index_cast %add3A_636 : i32 to index
      %get3A_639 = arith.constant 0 : index
      %get3A_640 = tpu.vector_load %arg6[%get3A_637, %get3A_638, %get3A_639] {strides = array<i32>} : memref<3x640x32xf32, #tpu.memory_space<vmem>>, vector<1x1x16xf32>,
      %get3A_641 = vector.shape_cast %get3A_640 : vector<1x1x16xf32> to vector<16xf32>
      %mul3A_642 = arith.constant 5.65685415 : f32
      %mul3A_643 = vector.broadcast %mul3A_642 : f32 to vector<16xf32>
      %mul3A_644 = arith.mulf %get3A_641, %mul3A_643 : vector<16xf32>
      %add3A_645 = arith.constant 0 : i32
      %add3A_646 = arith.addi %add3A_634, %add3A_645 : i32
      %swap3A = arith.constant 2 : i32
      %swap3A_647 = arith.index_cast %swap3A : i32 to index
      %swap3A_648 = arith.index_cast %add3A_646 : i32 to index
      %swap3A_649 = arith.constant 0 : index
      %swap3A_650 = tpu.vector_load %arg7[%swap3A_647, %swap3A_648, %swap3A_649] {strides = array<i32>} : memref<3x640x32xf32, #tpu.memory_space<vmem>>, vector<1x1x16xf32>,
      %swap3A_651 = vector.shape_cast %swap3A_650 : vector<1x1x16xf32> to vector<16xf32>
      %swap3A_652 = vector.shape_cast %mul3A_644 : vector<16xf32> to vector<1x1x16xf32>
      tpu.vector_store %arg7[%swap3A_647, %swap3A_648, %swap3A_649], %swap3A_652 {strides = array<i32>} : memref<3x640x32xf32, #tpu.memory_space<vmem>>, vector<1x1x16xf32>,
      %add3A_653 = arith.constant 0 : i32
      %add3A_654 = arith.addi %add3A_634, %add3A_653 : i32
      %get3A_655 = arith.constant 2 : i32
      %get3A_656 = arith.index_cast %get3A_655 : i32 to index
      %get3A_657 = arith.index_cast %add3A_654 : i32 to index
      %get3A_658 = arith.constant 16 : index
      %get3A_659 = tpu.vector_load %arg6[%get3A_656, %get3A_657, %get3A_658] {strides = array<i32>} : memref<3x640x32xf32, #tpu.memory_space<vmem>>, vector<1x1x16xf32>,
      %get3A_660 = vector.shape_cast %get3A_659 : vector<1x1x16xf32> to vector<16xf32>
      %mul3A_661 = arith.constant 5.65685415 : f32
      %mul3A_662 = vector.broadcast %mul3A_661 : f32 to vector<16xf32>
      %mul3A_663 = arith.mulf %get3A_660, %mul3A_662 : vector<16xf32>
      %add3A_664 = arith.constant 0 : i32
      %add3A_665 = arith.addi %add3A_634, %add3A_664 : i32
      %swap3A_666 = arith.constant 2 : i32
      %swap3A_667 = arith.index_cast %swap3A_666 : i32 to index
      %swap3A_668 = arith.index_cast %add3A_665 : i32 to index
      %swap3A_669 = arith.constant 16 : index
      %swap3A_670 = tpu.vector_load %arg7[%swap3A_667, %swap3A_668, %swap3A_669] {strides = array<i32>} : memref<3x640x32xf32, #tpu.memory_space<vmem>>, vector<1x1x16xf32>,
      %swap3A_671 = vector.shape_cast %swap3A_670 : vector<1x1x16xf32> to vector<16xf32>
      %swap3A_672 = vector.shape_cast %mul3A_663 : vector<16xf32> to vector<1x1x16xf32>
      tpu.vector_store %arg7[%swap3A_667, %swap3A_668, %swap3A_669], %swap3A_672 {strides = array<i32>} : memref<3x640x32xf32, #tpu.memory_space<vmem>>, vector<1x1x16xf32>,
      %add3A_673 = arith.constant 1 : i32
      %add3A_674 = arith.addi %add3A_634, %add3A_673 : i32
      %get3A_675 = arith.constant 2 : i32
      %get3A_676 = arith.index_cast %get3A_675 : i32 to index
      %get3A_677 = arith.index_cast %add3A_674 : i32 to index
      %get3A_678 = arith.constant 0 : index
      %get3A_679 = tpu.vector_load %arg6[%get3A_676, %get3A_677, %get3A_678] {strides = array<i32>} : memref<3x640x32xf32, #tpu.memory_space<vmem>>, vector<1x1x16xf32>,
      %get3A_680 = vector.shape_cast %get3A_679 : vector<1x1x16xf32> to vector<16xf32>
      %mul3A_681 = arith.constant 5.65685415 : f32
      %mul3A_682 = vector.broadcast %mul3A_681 : f32 to vector<16xf32>
      %mul3A_683 = arith.mulf %get3A_680, %mul3A_682 : vector<16xf32>
      %add3A_684 = arith.constant 1 : i32
      %add3A_685 = arith.addi %add3A_634, %add3A_684 : i32
      %swap3A_686 = arith.constant 2 : i32
      %swap3A_687 = arith.index_cast %swap3A_686 : i32 to index
      %swap3A_688 = arith.index_cast %add3A_685 : i32 to index
      %swap3A_689 = arith.constant 0 : index
      %swap3A_690 = tpu.vector_load %arg7[%swap3A_687, %swap3A_688, %swap3A_689] {strides = array<i32>} : memref<3x640x32xf32, #tpu.memory_space<vmem>>, vector<1x1x16xf32>,
      %swap3A_691 = vector.shape_cast %swap3A_690 : vector<1x1x16xf32> to vector<16xf32>
      %swap3A_692 = vector.shape_cast %mul3A_683 : vector<16xf32> to vector<1x1x16xf32>
      tpu.vector_store %arg7[%swap3A_687, %swap3A_688, %swap3A_689], %swap3A_692 {strides = array<i32>} : memref<3x640x32xf32, #tpu.memory_space<vmem>>, vector<1x1x16xf32>,
      %add3A_693 = arith.constant 1 : i32
      %add3A_694 = arith.addi %add3A_634, %add3A_693 : i32
      %get3A_695 = arith.constant 2 : i32
      %get3A_696 = arith.index_cast %get3A_695 : i32 to index
      %get3A_697 = arith.index_cast %add3A_694 : i32 to index
      %get3A_698 = arith.constant 16 : index
      %get3A_699 = tpu.vector_load %arg6[%get3A_696, %get3A_697, %get3A_698] {strides = array<i32>} : memref<3x640x32xf32, #tpu.memory_space<vmem>>, vector<1x1x16xf32>,
      %get3A_700 = vector.shape_cast %get3A_699 : vector<1x1x16xf32> to vector<16xf32>
      %mul3A_701 = arith.constant 5.65685415 : f32
      %mul3A_702 = vector.broadcast %mul3A_701 : f32 to vector<16xf32>
      %mul3A_703 = arith.mulf %get3A_700, %mul3A_702 : vector<16xf32>
      %add3A_704 = arith.constant 1 : i32
      %add3A_705 = arith.addi %add3A_634, %add3A_704 : i32
      %swap3A_706 = arith.constant 2 : i32
      %swap3A_707 = arith.index_cast %swap3A_706 : i32 to index
      %swap3A_708 = arith.index_cast %add3A_705 : i32 to index
      %swap3A_709 = arith.constant 16 : index
      %swap3A_710 = tpu.vector_load %arg7[%swap3A_707, %swap3A_708, %swap3A_709] {strides = array<i32>} : memref<3x640x32xf32, #tpu.memory_space<vmem>>, vector<1x1x16xf32>,
      %swap3A_711 = vector.shape_cast %swap3A_710 : vector<1x1x16xf32> to vector<16xf32>
      %swap3A_712 = vector.shape_cast %mul3A_703 : vector<16xf32> to vector<1x1x16xf32>
      tpu.vector_store %arg7[%swap3A_707, %swap3A_708, %swap3A_709], %swap3A_712 {strides = array<i32>} : memref<3x640x32xf32, #tpu.memory_space<vmem>>, vector<1x1x16xf32>,
      %add3A_713 = arith.constant 2 : i32
      %add3A_714 = arith.addi %add3A_634, %add3A_713 : i32
      %get3A_715 = arith.constant 2 : i32
      %get3A_716 = arith.index_cast %get3A_715 : i32 to index
      %get3A_717 = arith.index_cast %add3A_714 : i32 to index
      %get3A_718 = arith.constant 0 : index
      %get3A_719 = tpu.vector_load %arg6[%get3A_716, %get3A_717, %get3A_718] {strides = array<i32>} : memref<3x640x32xf32, #tpu.memory_space<vmem>>, vector<1x1x16xf32>,
      %get3A_720 = vector.shape_cast %get3A_719 : vector<1x1x16xf32> to vector<16xf32>
      %mul3A_721 = arith.constant 5.65685415 : f32
      %mul3A_722 = vector.broadcast %mul3A_721 : f32 to vector<16xf32>
      %mul3A_723 = arith.mulf %get3A_720, %mul3A_722 : vector<16xf32>
      %add3A_724 = arith.constant 2 : i32
      %add3A_725 = arith.addi %add3A_634, %add3A_724 : i32
      %swap3A_726 = arith.constant 2 : i32
      %swap3A_727 = arith.index_cast %swap3A_726 : i32 to index
      %swap3A_728 = arith.index_cast %add3A_725 : i32 to index
      %swap3A_729 = arith.constant 0 : index
      %swap3A_730 = tpu.vector_load %arg7[%swap3A_727, %swap3A_728, %swap3A_729] {strides = array<i32>} : memref<3x640x32xf32, #tpu.memory_space<vmem>>, vector<1x1x16xf32>,
      %swap3A_731 = vector.shape_cast %swap3A_730 : vector<1x1x16xf32> to vector<16xf32>
      %swap3A_732 = vector.shape_cast %mul3A_723 : vector<16xf32> to vector<1x1x16xf32>
      tpu.vector_store %arg7[%swap3A_727, %swap3A_728, %swap3A_729], %swap3A_732 {strides = array<i32>} : memref<3x640x32xf32, #tpu.memory_space<vmem>>, vector<1x1x16xf32>,
      %add3A_733 = arith.constant 2 : i32
      %add3A_734 = arith.addi %add3A_634, %add3A_733 : i32
      %get3A_735 = arith.constant 2 : i32
      %get3A_736 = arith.index_cast %get3A_735 : i32 to index
      %get3A_737 = arith.index_cast %add3A_734 : i32 to index
      %get3A_738 = arith.constant 16 : index
      %get3A_739 = tpu.vector_load %arg6[%get3A_736, %get3A_737, %get3A_738] {strides = array<i32>} : memref<3x640x32xf32, #tpu.memory_space<vmem>>, vector<1x1x16xf32>,
      %get3A_740 = vector.shape_cast %get3A_739 : vector<1x1x16xf32> to vector<16xf32>
      %mul3A_741 = arith.constant 5.65685415 : f32
      %mul3A_742 = vector.broadcast %mul3A_741 : f32 to vector<16xf32>
      %mul3A_743 = arith.mulf %get3A_740, %mul3A_742 : vector<16xf32>
      %add3A_744 = arith.constant 2 : i32
      %add3A_745 = arith.addi %add3A_634, %add3A_744 : i32
      %swap3A_746 = arith.constant 2 : i32
      %swap3A_747 = arith.index_cast %swap3A_746 : i32 to index
      %swap3A_748 = arith.index_cast %add3A_745 : i32 to index
      %swap3A_749 = arith.constant 16 : index
      %swap3A_750 = tpu.vector_load %arg7[%swap3A_747, %swap3A_748, %swap3A_749] {strides = array<i32>} : memref<3x640x32xf32, #tpu.memory_space<vmem>>, vector<1x1x16xf32>,
      %swap3A_751 = vector.shape_cast %swap3A_750 : vector<1x1x16xf32> to vector<16xf32>
      %swap3A_752 = vector.shape_cast %mul3A_743 : vector<16xf32> to vector<1x1x16xf32>
      tpu.vector_store %arg7[%swap3A_747, %swap3A_748, %swap3A_749], %swap3A_752 {strides = array<i32>} : memref<3x640x32xf32, #tpu.memory_space<vmem>>, vector<1x1x16xf32>,
      %add3A_753 = arith.constant 3 : i32
      %add3A_754 = arith.addi %add3A_634, %add3A_753 : i32
      %get3A_755 = arith.constant 2 : i32
      %get3A_756 = arith.index_cast %get3A_755 : i32 to index
      %get3A_757 = arith.index_cast %add3A_754 : i32 to index
      %get3A_758 = arith.constant 0 : index
      %get3A_759 = tpu.vector_load %arg6[%get3A_756, %get3A_757, %get3A_758] {strides = array<i32>} : memref<3x640x32xf32, #tpu.memory_space<vmem>>, vector<1x1x16xf32>,
      %get3A_760 = vector.shape_cast %get3A_759 : vector<1x1x16xf32> to vector<16xf32>
      %mul3A_761 = arith.constant 5.65685415 : f32
      %mul3A_762 = vector.broadcast %mul3A_761 : f32 to vector<16xf32>
      %mul3A_763 = arith.mulf %get3A_760, %mul3A_762 : vector<16xf32>
      %add3A_764 = arith.constant 3 : i32
      %add3A_765 = arith.addi %add3A_634, %add3A_764 : i32
      %swap3A_766 = arith.constant 2 : i32
      %swap3A_767 = arith.index_cast %swap3A_766 : i32 to index
      %swap3A_768 = arith.index_cast %add3A_765 : i32 to index
      %swap3A_769 = arith.constant 0 : index
      %swap3A_770 = tpu.vector_load %arg7[%swap3A_767, %swap3A_768, %swap3A_769] {strides = array<i32>} : memref<3x640x32xf32, #tpu.memory_space<vmem>>, vector<1x1x16xf32>,
      %swap3A_771 = vector.shape_cast %swap3A_770 : vector<1x1x16xf32> to vector<16xf32>
      %swap3A_772 = vector.shape_cast %mul3A_763 : vector<16xf32> to vector<1x1x16xf32>
      tpu.vector_store %arg7[%swap3A_767, %swap3A_768, %swap3A_769], %swap3A_772 {strides = array<i32>} : memref<3x640x32xf32, #tpu.memory_space<vmem>>, vector<1x1x16xf32>,
      %add3A_773 = arith.constant 3 : i32
      %add3A_774 = arith.addi %add3A_634, %add3A_773 : i32
      %get3A_775 = arith.constant 2 : i32
      %get3A_776 = arith.index_cast %get3A_775 : i32 to index
      %get3A_777 = arith.index_cast %add3A_774 : i32 to index
      %get3A_778 = arith.constant 16 : index
      %get3A_779 = tpu.vector_load %arg6[%get3A_776, %get3A_777, %get3A_778] {strides = array<i32>} : memref<3x640x32xf32, #tpu.memory_space<vmem>>, vector<1x1x16xf32>,
      %get3A_780 = vector.shape_cast %get3A_779 : vector<1x1x16xf32> to vector<16xf32>
      %mul3A_781 = arith.constant 5.65685415 : f32
      %mul3A_782 = vector.broadcast %mul3A_781 : f32 to vector<16xf32>
      %mul3A_783 = arith.mulf %get3A_780, %mul3A_782 : vector<16xf32>
      %add3A_784 = arith.constant 3 : i32
      %add3A_785 = arith.addi %add3A_634, %add3A_784 : i32
      %swap3A_786 = arith.constant 2 : i32
      %swap3A_787 = arith.index_cast %swap3A_786 : i32 to index
      %swap3A_788 = arith.index_cast %add3A_785 : i32 to index
      %swap3A_789 = arith.constant 16 : index
      %swap3A_790 = tpu.vector_load %arg7[%swap3A_787, %swap3A_788, %swap3A_789] {strides = array<i32>} : memref<3x640x32xf32, #tpu.memory_space<vmem>>, vector<1x1x16xf32>,
      %swap3A_791 = vector.shape_cast %swap3A_790 : vector<1x1x16xf32> to vector<16xf32>
      %swap3A_792 = vector.shape_cast %mul3A_783 : vector<16xf32> to vector<1x1x16xf32>
      tpu.vector_store %arg7[%swap3A_787, %swap3A_788, %swap3A_789], %swap3A_792 {strides = array<i32>} : memref<3x640x32xf32, #tpu.memory_space<vmem>>, vector<1x1x16xf32>,
    }
    %scan3A_521 = arith.constant 160 : i32
    %add3A_522 = arith.constant 101120 : i32
    %add3A_523 = arith.addi %mul3A_2, %add3A_522 : i32
    %dma_start3A_524 = arith.constant 2 : i32
    %dma_start3A_525 = arith.constant 0 : i32
    %dma_start3A_526 = arith.constant 0 : i32
    %dma_start3A_527 = tpu.memref_slice %arg7[%dma_start3A_524, %dma_start3A_525, %dma_start3A_526] : memref<3x640x32xf32, #tpu.memory_space<vmem>> -> memref<1x640x32xf32, #tpu.memory_space<vmem>>
    %dma_start3A_528 = tpu.memref_squeeze %dma_start3A_527 : memref<1x640x32xf32, #tpu.memory_space<vmem>> -> memref<640x32xf32, #tpu.memory_space<vmem>>
    %dma_start3A_529 = arith.constant 0 : i32
    %dma_start3A_530 = tpu.memref_slice %arg4[%add3A_523, %dma_start3A_529] : memref<3276800x32xf32, #tpu.memory_space<hbm>> -> memref<640x32xf32, #tpu.memory_space<hbm>>
    %dma_start3A_531 = arith.constant 0 : i32
    %dma_start3A_532 = tpu.memref_slice %arg4[%add3A_523, %dma_start3A_531] : memref<3276800x32xf32, #tpu.memory_space<hbm>> -> memref<640x32xf32, #tpu.memory_space<hbm>>
    %dma_start3A_533 = arith.constant 0 : i32
    %dma_start3A_534 = arith.constant 0 : i32
    %dma_start3A_535 = tpu.memref_slice %arg7[%dma_start3A_524, %dma_start3A_533, %dma_start3A_534] : memref<3x640x32xf32, #tpu.memory_space<vmem>> -> memref<1x640x32xf32, #tpu.memory_space<vmem>>
    %dma_start3A_536 = tpu.memref_squeeze %dma_start3A_535 : memref<1x640x32xf32, #tpu.memory_space<vmem>> -> memref<640x32xf32, #tpu.memory_space<vmem>>
    tpu.enqueue_dma source(%dma_start3A_536 : memref<640x32xf32, #tpu.memory_space<vmem>>) target(%dma_start3A_532 : memref<640x32xf32, #tpu.memory_space<hbm>>) target_semaphore(%arg16 : memref<!tpu.dma_semaphore, #tpu.memory_space<semaphore_mem>>)
    %dma_wait3A_537 = arith.constant 0 : i32
    %dma_wait3A_538 = arith.constant 0 : i32
    %dma_wait3A_539 = arith.constant 0 : i32
    %dma_wait3A_540 = arith.constant 0 : i32
    %dma_wait3A_541 = arith.constant 0 : i32
    %dma_wait3A_542 = tpu.memref_slice %arg6[%dma_wait3A_539, %dma_wait3A_540, %dma_wait3A_541] : memref<3x640x32xf32, #tpu.memory_space<vmem>> -> memref<1x640x32xf32, #tpu.memory_space<vmem>>
    %dma_wait3A_543 = tpu.memref_squeeze %dma_wait3A_542 : memref<1x640x32xf32, #tpu.memory_space<vmem>> -> memref<640x32xf32, #tpu.memory_space<vmem>>
    %dma_wait3A_544 = arith.constant 0 : i32
    %dma_wait3A_545 = tpu.memref_slice %arg5[%dma_wait3A_537, %dma_wait3A_538, %dma_wait3A_544] : memref<3x1x640xi32, #tpu.memory_space<vmem>> -> memref<1x1x640xi32, #tpu.memory_space<vmem>>
    %dma_wait3A_546 = tpu.memref_squeeze %dma_wait3A_545 : memref<1x1x640xi32, #tpu.memory_space<vmem>> -> memref<640xi32, #tpu.memory_space<vmem>>
    %dma_wait3A_547 = arith.constant 0 : i32
    %dma_wait3A_548 = arith.constant 0 : i32
    %dma_wait3A_549 = tpu.memref_slice %arg3[%dma_wait3A_547, %dma_wait3A_548] : memref<1000000x32xf32, #tpu.memory_space<hbm>> -> memref<1000000x32xf32, #tpu.memory_space<hbm>>
    tpu.wait_indirect_dma semaphore(%arg11 : memref<!tpu.dma_semaphore, #tpu.memory_space<semaphore_mem>>) src(%dma_wait3A_549 : memref<1000000x32xf32, #tpu.memory_space<hbm>>) dst(%dma_wait3A_543 : memref<640x32xf32, #tpu.memory_space<vmem>>)
    %add3A_550 = arith.constant 99840 : i32
    %add3A_551 = arith.addi %mul3A_2, %add3A_550 : i32
    %dma_wait3A_552 = arith.constant 0 : i32
    %dma_wait3A_553 = arith.constant 0 : i32
    %dma_wait3A_554 = arith.constant 0 : i32
    %dma_wait3A_555 = tpu.memref_slice %arg7[%dma_wait3A_552, %dma_wait3A_553, %dma_wait3A_554] : memref<3x640x32xf32, #tpu.memory_space<vmem>> -> memref<1x640x32xf32, #tpu.memory_space<vmem>>
    %dma_wait3A_556 = tpu.memref_squeeze %dma_wait3A_555 : memref<1x640x32xf32, #tpu.memory_space<vmem>> -> memref<640x32xf32, #tpu.memory_space<vmem>>
    %dma_wait3A_557 = arith.constant 0 : i32
    %dma_wait3A_558 = tpu.memref_slice %arg4[%add3A_551, %dma_wait3A_557] : memref<3276800x32xf32, #tpu.memory_space<hbm>> -> memref<640x32xf32, #tpu.memory_space<hbm>>
    %dma_wait3A_559 = arith.constant 0 : i32
    %dma_wait3A_560 = tpu.memref_slice %arg4[%add3A_551, %dma_wait3A_559] : memref<3276800x32xf32, #tpu.memory_space<hbm>> -> memref<640x32xf32, #tpu.memory_space<hbm>>
    %dma_wait3A_561 = arith.constant 0 : i32
    %dma_wait3A_562 = arith.constant 0 : i32
    %dma_wait3A_563 = tpu.memref_slice %arg7[%dma_wait3A_552, %dma_wait3A_561, %dma_wait3A_562] : memref<3x640x32xf32, #tpu.memory_space<vmem>> -> memref<1x640x32xf32, #tpu.memory_space<vmem>>
    %dma_wait3A_564 = tpu.memref_squeeze %dma_wait3A_563 : memref<1x640x32xf32, #tpu.memory_space<vmem>> -> memref<640x32xf32, #tpu.memory_space<vmem>>
    tpu.wait_dma2 semaphore(%arg14 : memref<!tpu.dma_semaphore, #tpu.memory_space<semaphore_mem>>) src(%dma_wait3A_564 : memref<640x32xf32, #tpu.memory_space<vmem>>) dst(%dma_wait3A_560 : memref<640x32xf32, #tpu.memory_space<hbm>>)
    %scan3A_565 = arith.constant 0 : i32
    %scan3A_566 = arith.constant 160 : i32
    %scan3A_567 = arith.addi %scan3A_565, %scan3A_566 : i32
    %scan3A_568 = arith.constant 1 : i32
    scf.for %scan3A_630 = %scan3A_565 to %scan3A_567 step %scan3A_568  : i32 {
      %mul3A_631 = arith.constant 4 : i32
      %mul3A_632 = arith.muli %scan3A_630, %mul3A_631 : i32
      %add3A_633 = arith.constant 0 : i32
      %add3A_634 = arith.addi %add3A_633, %mul3A_632 : i32
      %add3A_635 = arith.constant 0 : i32
      %add3A_636 = arith.addi %add3A_634, %add3A_635 : i32
      %get3A = arith.constant 0 : i32
      %get3A_637 = arith.index_cast %get3A : i32 to index
      %get3A_638 = arith.index_cast %add3A_636 : i32 to index
      %get3A_639 = arith.constant 0 : index
      %get3A_640 = tpu.vector_load %arg6[%get3A_637, %get3A_638, %get3A_639] {strides = array<i32>} : memref<3x640x32xf32, #tpu.memory_space<vmem>>, vector<1x1x16xf32>,
      %get3A_641 = vector.shape_cast %get3A_640 : vector<1x1x16xf32> to vector<16xf32>
      %mul3A_642 = arith.constant 5.65685415 : f32
      %mul3A_643 = vector.broadcast %mul3A_642 : f32 to vector<16xf32>
      %mul3A_644 = arith.mulf %get3A_641, %mul3A_643 : vector<16xf32>
      %add3A_645 = arith.constant 0 : i32
      %add3A_646 = arith.addi %add3A_634, %add3A_645 : i32
      %swap3A = arith.constant 0 : i32
      %swap3A_647 = arith.index_cast %swap3A : i32 to index
      %swap3A_648 = arith.index_cast %add3A_646 : i32 to index
      %swap3A_649 = arith.constant 0 : index
      %swap3A_650 = tpu.vector_load %arg7[%swap3A_647, %swap3A_648, %swap3A_649] {strides = array<i32>} : memref<3x640x32xf32, #tpu.memory_space<vmem>>, vector<1x1x16xf32>,
      %swap3A_651 = vector.shape_cast %swap3A_650 : vector<1x1x16xf32> to vector<16xf32>
      %swap3A_652 = vector.shape_cast %mul3A_644 : vector<16xf32> to vector<1x1x16xf32>
      tpu.vector_store %arg7[%swap3A_647, %swap3A_648, %swap3A_649], %swap3A_652 {strides = array<i32>} : memref<3x640x32xf32, #tpu.memory_space<vmem>>, vector<1x1x16xf32>,
      %add3A_653 = arith.constant 0 : i32
      %add3A_654 = arith.addi %add3A_634, %add3A_653 : i32
      %get3A_655 = arith.constant 0 : i32
      %get3A_656 = arith.index_cast %get3A_655 : i32 to index
      %get3A_657 = arith.index_cast %add3A_654 : i32 to index
      %get3A_658 = arith.constant 16 : index
      %get3A_659 = tpu.vector_load %arg6[%get3A_656, %get3A_657, %get3A_658] {strides = array<i32>} : memref<3x640x32xf32, #tpu.memory_space<vmem>>, vector<1x1x16xf32>,
      %get3A_660 = vector.shape_cast %get3A_659 : vector<1x1x16xf32> to vector<16xf32>
      %mul3A_661 = arith.constant 5.65685415 : f32
      %mul3A_662 = vector.broadcast %mul3A_661 : f32 to vector<16xf32>
      %mul3A_663 = arith.mulf %get3A_660, %mul3A_662 : vector<16xf32>
      %add3A_664 = arith.constant 0 : i32
      %add3A_665 = arith.addi %add3A_634, %add3A_664 : i32
      %swap3A_666 = arith.constant 0 : i32
      %swap3A_667 = arith.index_cast %swap3A_666 : i32 to index
      %swap3A_668 = arith.index_cast %add3A_665 : i32 to index
      %swap3A_669 = arith.constant 16 : index
      %swap3A_670 = tpu.vector_load %arg7[%swap3A_667, %swap3A_668, %swap3A_669] {strides = array<i32>} : memref<3x640x32xf32, #tpu.memory_space<vmem>>, vector<1x1x16xf32>,
      %swap3A_671 = vector.shape_cast %swap3A_670 : vector<1x1x16xf32> to vector<16xf32>
      %swap3A_672 = vector.shape_cast %mul3A_663 : vector<16xf32> to vector<1x1x16xf32>
      tpu.vector_store %arg7[%swap3A_667, %swap3A_668, %swap3A_669], %swap3A_672 {strides = array<i32>} : memref<3x640x32xf32, #tpu.memory_space<vmem>>, vector<1x1x16xf32>,
      %add3A_673 = arith.constant 1 : i32
      %add3A_674 = arith.addi %add3A_634, %add3A_673 : i32
      %get3A_675 = arith.constant 0 : i32
      %get3A_676 = arith.index_cast %get3A_675 : i32 to index
      %get3A_677 = arith.index_cast %add3A_674 : i32 to index
      %get3A_678 = arith.constant 0 : index
      %get3A_679 = tpu.vector_load %arg6[%get3A_676, %get3A_677, %get3A_678] {strides = array<i32>} : memref<3x640x32xf32, #tpu.memory_space<vmem>>, vector<1x1x16xf32>,
      %get3A_680 = vector.shape_cast %get3A_679 : vector<1x1x16xf32> to vector<16xf32>
      %mul3A_681 = arith.constant 5.65685415 : f32
      %mul3A_682 = vector.broadcast %mul3A_681 : f32 to vector<16xf32>
      %mul3A_683 = arith.mulf %get3A_680, %mul3A_682 : vector<16xf32>
      %add3A_684 = arith.constant 1 : i32
      %add3A_685 = arith.addi %add3A_634, %add3A_684 : i32
      %swap3A_686 = arith.constant 0 : i32
      %swap3A_687 = arith.index_cast %swap3A_686 : i32 to index
      %swap3A_688 = arith.index_cast %add3A_685 : i32 to index
      %swap3A_689 = arith.constant 0 : index
      %swap3A_690 = tpu.vector_load %arg7[%swap3A_687, %swap3A_688, %swap3A_689] {strides = array<i32>} : memref<3x640x32xf32, #tpu.memory_space<vmem>>, vector<1x1x16xf32>,
      %swap3A_691 = vector.shape_cast %swap3A_690 : vector<1x1x16xf32> to vector<16xf32>
      %swap3A_692 = vector.shape_cast %mul3A_683 : vector<16xf32> to vector<1x1x16xf32>
      tpu.vector_store %arg7[%swap3A_687, %swap3A_688, %swap3A_689], %swap3A_692 {strides = array<i32>} : memref<3x640x32xf32, #tpu.memory_space<vmem>>, vector<1x1x16xf32>,
      %add3A_693 = arith.constant 1 : i32
      %add3A_694 = arith.addi %add3A_634, %add3A_693 : i32
      %get3A_695 = arith.constant 0 : i32
      %get3A_696 = arith.index_cast %get3A_695 : i32 to index
      %get3A_697 = arith.index_cast %add3A_694 : i32 to index
      %get3A_698 = arith.constant 16 : index
      %get3A_699 = tpu.vector_load %arg6[%get3A_696, %get3A_697, %get3A_698] {strides = array<i32>} : memref<3x640x32xf32, #tpu.memory_space<vmem>>, vector<1x1x16xf32>,
      %get3A_700 = vector.shape_cast %get3A_699 : vector<1x1x16xf32> to vector<16xf32>
      %mul3A_701 = arith.constant 5.65685415 : f32
      %mul3A_702 = vector.broadcast %mul3A_701 : f32 to vector<16xf32>
      %mul3A_703 = arith.mulf %get3A_700, %mul3A_702 : vector<16xf32>
      %add3A_704 = arith.constant 1 : i32
      %add3A_705 = arith.addi %add3A_634, %add3A_704 : i32
      %swap3A_706 = arith.constant 0 : i32
      %swap3A_707 = arith.index_cast %swap3A_706 : i32 to index
      %swap3A_708 = arith.index_cast %add3A_705 : i32 to index
      %swap3A_709 = arith.constant 16 : index
      %swap3A_710 = tpu.vector_load %arg7[%swap3A_707, %swap3A_708, %swap3A_709] {strides = array<i32>} : memref<3x640x32xf32, #tpu.memory_space<vmem>>, vector<1x1x16xf32>,
      %swap3A_711 = vector.shape_cast %swap3A_710 : vector<1x1x16xf32> to vector<16xf32>
      %swap3A_712 = vector.shape_cast %mul3A_703 : vector<16xf32> to vector<1x1x16xf32>
      tpu.vector_store %arg7[%swap3A_707, %swap3A_708, %swap3A_709], %swap3A_712 {strides = array<i32>} : memref<3x640x32xf32, #tpu.memory_space<vmem>>, vector<1x1x16xf32>,
      %add3A_713 = arith.constant 2 : i32
      %add3A_714 = arith.addi %add3A_634, %add3A_713 : i32
      %get3A_715 = arith.constant 0 : i32
      %get3A_716 = arith.index_cast %get3A_715 : i32 to index
      %get3A_717 = arith.index_cast %add3A_714 : i32 to index
      %get3A_718 = arith.constant 0 : index
      %get3A_719 = tpu.vector_load %arg6[%get3A_716, %get3A_717, %get3A_718] {strides = array<i32>} : memref<3x640x32xf32, #tpu.memory_space<vmem>>, vector<1x1x16xf32>,
      %get3A_720 = vector.shape_cast %get3A_719 : vector<1x1x16xf32> to vector<16xf32>
      %mul3A_721 = arith.constant 5.65685415 : f32
      %mul3A_722 = vector.broadcast %mul3A_721 : f32 to vector<16xf32>
      %mul3A_723 = arith.mulf %get3A_720, %mul3A_722 : vector<16xf32>
      %add3A_724 = arith.constant 2 : i32
      %add3A_725 = arith.addi %add3A_634, %add3A_724 : i32
      %swap3A_726 = arith.constant 0 : i32
      %swap3A_727 = arith.index_cast %swap3A_726 : i32 to index
      %swap3A_728 = arith.index_cast %add3A_725 : i32 to index
      %swap3A_729 = arith.constant 0 : index
      %swap3A_730 = tpu.vector_load %arg7[%swap3A_727, %swap3A_728, %swap3A_729] {strides = array<i32>} : memref<3x640x32xf32, #tpu.memory_space<vmem>>, vector<1x1x16xf32>,
      %swap3A_731 = vector.shape_cast %swap3A_730 : vector<1x1x16xf32> to vector<16xf32>
      %swap3A_732 = vector.shape_cast %mul3A_723 : vector<16xf32> to vector<1x1x16xf32>
      tpu.vector_store %arg7[%swap3A_727, %swap3A_728, %swap3A_729], %swap3A_732 {strides = array<i32>} : memref<3x640x32xf32, #tpu.memory_space<vmem>>, vector<1x1x16xf32>,
      %add3A_733 = arith.constant 2 : i32
      %add3A_734 = arith.addi %add3A_634, %add3A_733 : i32
      %get3A_735 = arith.constant 0 : i32
      %get3A_736 = arith.index_cast %get3A_735 : i32 to index
      %get3A_737 = arith.index_cast %add3A_734 : i32 to index
      %get3A_738 = arith.constant 16 : index
      %get3A_739 = tpu.vector_load %arg6[%get3A_736, %get3A_737, %get3A_738] {strides = array<i32>} : memref<3x640x32xf32, #tpu.memory_space<vmem>>, vector<1x1x16xf32>,
      %get3A_740 = vector.shape_cast %get3A_739 : vector<1x1x16xf32> to vector<16xf32>
      %mul3A_741 = arith.constant 5.65685415 : f32
      %mul3A_742 = vector.broadcast %mul3A_741 : f32 to vector<16xf32>
      %mul3A_743 = arith.mulf %get3A_740, %mul3A_742 : vector<16xf32>
      %add3A_744 = arith.constant 2 : i32
      %add3A_745 = arith.addi %add3A_634, %add3A_744 : i32
      %swap3A_746 = arith.constant 0 : i32
      %swap3A_747 = arith.index_cast %swap3A_746 : i32 to index
      %swap3A_748 = arith.index_cast %add3A_745 : i32 to index
      %swap3A_749 = arith.constant 16 : index
      %swap3A_750 = tpu.vector_load %arg7[%swap3A_747, %swap3A_748, %swap3A_749] {strides = array<i32>} : memref<3x640x32xf32, #tpu.memory_space<vmem>>, vector<1x1x16xf32>,
      %swap3A_751 = vector.shape_cast %swap3A_750 : vector<1x1x16xf32> to vector<16xf32>
      %swap3A_752 = vector.shape_cast %mul3A_743 : vector<16xf32> to vector<1x1x16xf32>
      tpu.vector_store %arg7[%swap3A_747, %swap3A_748, %swap3A_749], %swap3A_752 {strides = array<i32>} : memref<3x640x32xf32, #tpu.memory_space<vmem>>, vector<1x1x16xf32>,
      %add3A_753 = arith.constant 3 : i32
      %add3A_754 = arith.addi %add3A_634, %add3A_753 : i32
      %get3A_755 = arith.constant 0 : i32
      %get3A_756 = arith.index_cast %get3A_755 : i32 to index
      %get3A_757 = arith.index_cast %add3A_754 : i32 to index
      %get3A_758 = arith.constant 0 : index
      %get3A_759 = tpu.vector_load %arg6[%get3A_756, %get3A_757, %get3A_758] {strides = array<i32>} : memref<3x640x32xf32, #tpu.memory_space<vmem>>, vector<1x1x16xf32>,
      %get3A_760 = vector.shape_cast %get3A_759 : vector<1x1x16xf32> to vector<16xf32>
      %mul3A_761 = arith.constant 5.65685415 : f32
      %mul3A_762 = vector.broadcast %mul3A_761 : f32 to vector<16xf32>
      %mul3A_763 = arith.mulf %get3A_760, %mul3A_762 : vector<16xf32>
      %add3A_764 = arith.constant 3 : i32
      %add3A_765 = arith.addi %add3A_634, %add3A_764 : i32
      %swap3A_766 = arith.constant 0 : i32
      %swap3A_767 = arith.index_cast %swap3A_766 : i32 to index
      %swap3A_768 = arith.index_cast %add3A_765 : i32 to index
      %swap3A_769 = arith.constant 0 : index
      %swap3A_770 = tpu.vector_load %arg7[%swap3A_767, %swap3A_768, %swap3A_769] {strides = array<i32>} : memref<3x640x32xf32, #tpu.memory_space<vmem>>, vector<1x1x16xf32>,
      %swap3A_771 = vector.shape_cast %swap3A_770 : vector<1x1x16xf32> to vector<16xf32>
      %swap3A_772 = vector.shape_cast %mul3A_763 : vector<16xf32> to vector<1x1x16xf32>
      tpu.vector_store %arg7[%swap3A_767, %swap3A_768, %swap3A_769], %swap3A_772 {strides = array<i32>} : memref<3x640x32xf32, #tpu.memory_space<vmem>>, vector<1x1x16xf32>,
      %add3A_773 = arith.constant 3 : i32
      %add3A_774 = arith.addi %add3A_634, %add3A_773 : i32
      %get3A_775 = arith.constant 0 : i32
      %get3A_776 = arith.index_cast %get3A_775 : i32 to index
      %get3A_777 = arith.index_cast %add3A_774 : i32 to index
      %get3A_778 = arith.constant 16 : index
      %get3A_779 = tpu.vector_load %arg6[%get3A_776, %get3A_777, %get3A_778] {strides = array<i32>} : memref<3x640x32xf32, #tpu.memory_space<vmem>>, vector<1x1x16xf32>,
      %get3A_780 = vector.shape_cast %get3A_779 : vector<1x1x16xf32> to vector<16xf32>
      %mul3A_781 = arith.constant 5.65685415 : f32
      %mul3A_782 = vector.broadcast %mul3A_781 : f32 to vector<16xf32>
      %mul3A_783 = arith.mulf %get3A_780, %mul3A_782 : vector<16xf32>
      %add3A_784 = arith.constant 3 : i32
      %add3A_785 = arith.addi %add3A_634, %add3A_784 : i32
      %swap3A_786 = arith.constant 0 : i32
      %swap3A_787 = arith.index_cast %swap3A_786 : i32 to index
      %swap3A_788 = arith.index_cast %add3A_785 : i32 to index
      %swap3A_789 = arith.constant 16 : index
      %swap3A_790 = tpu.vector_load %arg7[%swap3A_787, %swap3A_788, %swap3A_789] {strides = array<i32>} : memref<3x640x32xf32, #tpu.memory_space<vmem>>, vector<1x1x16xf32>,
      %swap3A_791 = vector.shape_cast %swap3A_790 : vector<1x1x16xf32> to vector<16xf32>
      %swap3A_792 = vector.shape_cast %mul3A_783 : vector<16xf32> to vector<1x1x16xf32>
      tpu.vector_store %arg7[%swap3A_787, %swap3A_788, %swap3A_789], %swap3A_792 {strides = array<i32>} : memref<3x640x32xf32, #tpu.memory_space<vmem>>, vector<1x1x16xf32>,
    }
    %scan3A_569 = arith.constant 160 : i32
    %add3A_570 = arith.constant 101760 : i32
    %add3A_571 = arith.addi %mul3A_2, %add3A_570 : i32
    %dma_start3A_572 = arith.constant 0 : i32
    %dma_start3A_573 = arith.constant 0 : i32
    %dma_start3A_574 = arith.constant 0 : i32
    %dma_start3A_575 = tpu.memref_slice %arg7[%dma_start3A_572, %dma_start3A_573, %dma_start3A_574] : memref<3x640x32xf32, #tpu.memory_space<vmem>> -> memref<1x640x32xf32, #tpu.memory_space<vmem>>
    %dma_start3A_576 = tpu.memref_squeeze %dma_start3A_575 : memref<1x640x32xf32, #tpu.memory_space<vmem>> -> memref<640x32xf32, #tpu.memory_space<vmem>>
    %dma_start3A_577 = arith.constant 0 : i32
    %dma_start3A_578 = tpu.memref_slice %arg4[%add3A_571, %dma_start3A_577] : memref<3276800x32xf32, #tpu.memory_space<hbm>> -> memref<640x32xf32, #tpu.memory_space<hbm>>
    %dma_start3A_579 = arith.constant 0 : i32
    %dma_start3A_580 = tpu.memref_slice %arg4[%add3A_571, %dma_start3A_579] : memref<3276800x32xf32, #tpu.memory_space<hbm>> -> memref<640x32xf32, #tpu.memory_space<hbm>>
    %dma_start3A_581 = arith.constant 0 : i32
    %dma_start3A_582 = arith.constant 0 : i32
    %dma_start3A_583 = tpu.memref_slice %arg7[%dma_start3A_572, %dma_start3A_581, %dma_start3A_582] : memref<3x640x32xf32, #tpu.memory_space<vmem>> -> memref<1x640x32xf32, #tpu.memory_space<vmem>>
    %dma_start3A_584 = tpu.memref_squeeze %dma_start3A_583 : memref<1x640x32xf32, #tpu.memory_space<vmem>> -> memref<640x32xf32, #tpu.memory_space<vmem>>
    tpu.enqueue_dma source(%dma_start3A_584 : memref<640x32xf32, #tpu.memory_space<vmem>>) target(%dma_start3A_580 : memref<640x32xf32, #tpu.memory_space<hbm>>) target_semaphore(%arg14 : memref<!tpu.dma_semaphore, #tpu.memory_space<semaphore_mem>>)
    %add3A_585 = arith.constant 100480 : i32
    %add3A_586 = arith.addi %mul3A_2, %add3A_585 : i32
    %dma_wait3A_587 = arith.constant 1 : i32
    %dma_wait3A_588 = arith.constant 0 : i32
    %dma_wait3A_589 = arith.constant 0 : i32
    %dma_wait3A_590 = tpu.memref_slice %arg7[%dma_wait3A_587, %dma_wait3A_588, %dma_wait3A_589] : memref<3x640x32xf32, #tpu.memory_space<vmem>> -> memref<1x640x32xf32, #tpu.memory_space<vmem>>
    %dma_wait3A_591 = tpu.memref_squeeze %dma_wait3A_590 : memref<1x640x32xf32, #tpu.memory_space<vmem>> -> memref<640x32xf32, #tpu.memory_space<vmem>>
    %dma_wait3A_592 = arith.constant 0 : i32
    %dma_wait3A_593 = tpu.memref_slice %arg4[%add3A_586, %dma_wait3A_592] : memref<3276800x32xf32, #tpu.memory_space<hbm>> -> memref<640x32xf32, #tpu.memory_space<hbm>>
    %dma_wait3A_594 = arith.constant 0 : i32
    %dma_wait3A_595 = tpu.memref_slice %arg4[%add3A_586, %dma_wait3A_594] : memref<3276800x32xf32, #tpu.memory_space<hbm>> -> memref<640x32xf32, #tpu.memory_space<hbm>>
    %dma_wait3A_596 = arith.constant 0 : i32
    %dma_wait3A_597 = arith.constant 0 : i32
    %dma_wait3A_598 = tpu.memref_slice %arg7[%dma_wait3A_587, %dma_wait3A_596, %dma_wait3A_597] : memref<3x640x32xf32, #tpu.memory_space<vmem>> -> memref<1x640x32xf32, #tpu.memory_space<vmem>>
    %dma_wait3A_599 = tpu.memref_squeeze %dma_wait3A_598 : memref<1x640x32xf32, #tpu.memory_space<vmem>> -> memref<640x32xf32, #tpu.memory_space<vmem>>
    tpu.wait_dma2 semaphore(%arg15 : memref<!tpu.dma_semaphore, #tpu.memory_space<semaphore_mem>>) src(%dma_wait3A_599 : memref<640x32xf32, #tpu.memory_space<vmem>>) dst(%dma_wait3A_595 : memref<640x32xf32, #tpu.memory_space<hbm>>)
    %add3A_600 = arith.constant 101120 : i32
    %add3A_601 = arith.addi %mul3A_2, %add3A_600 : i32
    %dma_wait3A_602 = arith.constant 2 : i32
    %dma_wait3A_603 = arith.constant 0 : i32
    %dma_wait3A_604 = arith.constant 0 : i32
    %dma_wait3A_605 = tpu.memref_slice %arg7[%dma_wait3A_602, %dma_wait3A_603, %dma_wait3A_604] : memref<3x640x32xf32, #tpu.memory_space<vmem>> -> memref<1x640x32xf32, #tpu.memory_space<vmem>>
    %dma_wait3A_606 = tpu.memref_squeeze %dma_wait3A_605 : memref<1x640x32xf32, #tpu.memory_space<vmem>> -> memref<640x32xf32, #tpu.memory_space<vmem>>
    %dma_wait3A_607 = arith.constant 0 : i32
    %dma_wait3A_608 = tpu.memref_slice %arg4[%add3A_601, %dma_wait3A_607] : memref<3276800x32xf32, #tpu.memory_space<hbm>> -> memref<640x32xf32, #tpu.memory_space<hbm>>
    %dma_wait3A_609 = arith.constant 0 : i32
    %dma_wait3A_610 = tpu.memref_slice %arg4[%add3A_601, %dma_wait3A_609] : memref<3276800x32xf32, #tpu.memory_space<hbm>> -> memref<640x32xf32, #tpu.memory_space<hbm>>
    %dma_wait3A_611 = arith.constant 0 : i32
    %dma_wait3A_612 = arith.constant 0 : i32
    %dma_wait3A_613 = tpu.memref_slice %arg7[%dma_wait3A_602, %dma_wait3A_611, %dma_wait3A_612] : memref<3x640x32xf32, #tpu.memory_space<vmem>> -> memref<1x640x32xf32, #tpu.memory_space<vmem>>
    %dma_wait3A_614 = tpu.memref_squeeze %dma_wait3A_613 : memref<1x640x32xf32, #tpu.memory_space<vmem>> -> memref<640x32xf32, #tpu.memory_space<vmem>>
    tpu.wait_dma2 semaphore(%arg16 : memref<!tpu.dma_semaphore, #tpu.memory_space<semaphore_mem>>) src(%dma_wait3A_614 : memref<640x32xf32, #tpu.memory_space<vmem>>) dst(%dma_wait3A_610 : memref<640x32xf32, #tpu.memory_space<hbm>>)
    %add3A_615 = arith.constant 101760 : i32
    %add3A_616 = arith.addi %mul3A_2, %add3A_615 : i32
    %dma_wait3A_617 = arith.constant 0 : i32
    %dma_wait3A_618 = arith.constant 0 : i32
    %dma_wait3A_619 = arith.constant 0 : i32
    %dma_wait3A_620 = tpu.memref_slice %arg7[%dma_wait3A_617, %dma_wait3A_618, %dma_wait3A_619] : memref<3x640x32xf32, #tpu.memory_space<vmem>> -> memref<1x640x32xf32, #tpu.memory_space<vmem>>
    %dma_wait3A_621 = tpu.memref_squeeze %dma_wait3A_620 : memref<1x640x32xf32, #tpu.memory_space<vmem>> -> memref<640x32xf32, #tpu.memory_space<vmem>>
    %dma_wait3A_622 = arith.constant 0 : i32
    %dma_wait3A_623 = tpu.memref_slice %arg4[%add3A_616, %dma_wait3A_622] : memref<3276800x32xf32, #tpu.memory_space<hbm>> -> memref<640x32xf32, #tpu.memory_space<hbm>>
    %dma_wait3A_624 = arith.constant 0 : i32
    %dma_wait3A_625 = tpu.memref_slice %arg4[%add3A_616, %dma_wait3A_624] : memref<3276800x32xf32, #tpu.memory_space<hbm>> -> memref<640x32xf32, #tpu.memory_space<hbm>>
    %dma_wait3A_626 = arith.constant 0 : i32
    %dma_wait3A_627 = arith.constant 0 : i32
    %dma_wait3A_628 = tpu.memref_slice %arg7[%dma_wait3A_617, %dma_wait3A_626, %dma_wait3A_627] : memref<3x640x32xf32, #tpu.memory_space<vmem>> -> memref<1x640x32xf32, #tpu.memory_space<vmem>>
    %dma_wait3A_629 = tpu.memref_squeeze %dma_wait3A_628 : memref<1x640x32xf32, #tpu.memory_space<vmem>> -> memref<640x32xf32, #tpu.memory_space<vmem>>
    tpu.wait_dma2 semaphore(%arg14 : memref<!tpu.dma_semaphore, #tpu.memory_space<semaphore_mem>>) src(%dma_wait3A_629 : memref<640x32xf32, #tpu.memory_space<vmem>>) dst(%dma_wait3A_625 : memref<640x32xf32, #tpu.memory_space<hbm>>)
    return
  }
}

</mosaic_0001>

<sc_bundles>
// kernel: kernel.3.cloned.1.call-start
scs
__scs_entry_jumppad:
0x0: {  	(pc) =	sbr.rel $0x88, $3  }
0x1: {  	(tag) =	ssettag $0x0;
	lr =	simm.s32 $0x1  }
0x2: {  	[smem:$0x3F9F] =	sst lr;
	_ =	strace $0xD0000000  }
0x3: {  	_ = 	snop  }
0x4: {  	_ = 	snop  }
0x5: {  	_ = 	snop  }
0x6: {  	_ = 	snop  }
0x7: {  	_ = 	snop  }
__scs_overlays_trampoline_lowered:
0x8: {  	[smem:$0x3FAE] =	sst s0  }
0x9: {  	[smem:$0x3FAF] =	sst s1  }
0xa: {  	[smem:$0x3FB0] =	sst s2  }
0xb: {  	[smem:$0x3FB1] =	sst s3  }
0xc: {  	[smem:$0x3FB2] =	sst s4  }
0xd: {  	[smem:$0x3FB3] =	sst s5  }
0xe: {  	[smem:$0x3FB4] =	sst s6  }
0xf: {  	[smem:$0x3FB5] =	sst s7  }
0x10: {  	[smem:$0x3FB6] =	sst s8  }
0x11: {  	[smem:$0x3FB7] =	sst s9;
	s0 =	simm.s32 @!p0 $0x0  }
0x12: {  	s1 =	sld [smem:$0x3F9D];
	s0 =	simm.s32 @p0 $0x1  }
0x13: {  	[smem:$0x3FB8] =	sst s0;
	s0 =	simm.s32 @!p1 $0x0  }
0x14: {  	s2 =	sld [smem:$0x3F9C];
	s0 =	simm.s32 @p1 $0x1  }
0x15: {  	[smem:$0x3FB9] =	sst s0;
	s0 =	simm.s32 @!p2 $0x0  }
0x16: {  	s3 =	sld [smem:$0x3FDB];
	s0 =	simm.s32 @p2 $0x1  }
0x17: {  	s4 =	simm.s32 $0x1BF5;
	[smem:$0x3FBB] =	sst s0  }
0x18: {  	s0 =	sld [smem:$0x3F9E];
	_ =	swait.ge [sflag:s4], $0x0  }
0x19: {  	s7 =	sld [smem:$0x3F9F]  }
0x1a: {  	s8 =	sadd.s32 $0xFFFFE003, lr  }
0x1b: {  	s9 =	sadd.s32 $0xFFFFFEF7, lr;
	s5 =	simm.s32 $0xFFFFFFFF;
	p2 =	slt.u32 s8, $0xFFFFF086  }
0x1c: {  	p1 =	slt.u32 s9, $0xF7A;
	s5 =	simm.s32 @!p2 $0x0  }
0x1d: {  	s5 =	simm.s32 @p1 $0x1;
	p0 =	seq.s32 s7, s2  }
0x1e: {  	s7 =	smul.u32 @!p0 $0xF7A, s2;
	p2 =	seq.s32 @!p0 s5, $0x0  }
0x1f: {  	s9 =	smul.u32 $0xF7A, s1;
	s8 =	simm.s32 @!p0 $0x1BF5;
	p2 =	por !p2, p0  }
0x20: {  	[sflag:s8] =	ssyncset.s32 @!p0 $0xFFFFF086;
	s6 =	sadd.s32 @!p0 s3, s7;
	s7 =	simm.s32 @!p0 $0x108  }
0x21: {  	s3 =	sadd.s32 s3, s9;
	s6 =	sadd.s32 @!p0 $0x88, s6;
	s7 =	simm.s32 @p2 $0x1082  }
0x22: {  	[simem:s7], [sflag:s8] =	dma.local @!p0 [hbm:s6], $0xF7A  }
0x23: {  	s9 =	sor.u32 $0xD0000000, s2;
	s6 =	simm.s32 $0x108;
	_ =	swait.ge @!p0 [sflag:s8], $0x0  }
0x24: {  	s3 =	sadd.s32 $0x88, s3;
	s6 =	simm.s32 @!p1 $0x1082;
	[sflag:s4] =	ssyncset.s32 $0xFFFFF086  }
0x25: {  	[simem:s6], [sflag:s4] =	dma.local [hbm:s3], $0xF7A  }
0x26: {  	[smem:$0x3F9F] =	sst s1;
	(tag) =	ssettag s2;
	_ =	strace s9  }
0x27: {  	s1 =	sld [smem:$0x3FAF]  }
0x28: {  	s2 =	sld [smem:$0x3FB0]  }
0x29: {  	s4 =	sld [smem:$0x3FB2]  }
0x2a: {  	p0 =	seq.s32 s5, $0x0;
	s5 =	sld [smem:$0x3FB3]  }
0x2b: {  	s6 =	sld [smem:$0x3FB4]  }
0x2c: {  	s7 =	sld [smem:$0x3FB5]  }
0x2d: {  	s3 =	simm.s32 $0x108;
	s8 =	sld [smem:$0x3FB6]  }
0x2e: {  	s3 =	simm.s32 @!p0 $0x1082;
	s9 =	sld [smem:$0x3FB7]  }
0x2f: {  	lr =	sadd.s32 s0, s3;
	s0 =	sld [smem:$0x3FAE]  }
0x30: {  	s3 =	sld [smem:$0x3FB1]  }
0x31: {  	[smem:$0x3FBA] =	sst s10  }
0x32: {  	s10 =	sld [smem:$0x3FB8];
	_ =	sdelay $0x3  }
0x33: {  	p0 =	seq.s32 s10, $0x1;
	s10 =	sld [smem:$0x3FBA];
	_ =	sdelay $0x3  }
0x34: {  	[smem:$0x3FBA] =	sst s10  }
0x35: {  	s10 =	sld [smem:$0x3FB9];
	_ =	sdelay $0x3  }
0x36: {  	p1 =	seq.s32 s10, $0x1;
	s10 =	sld [smem:$0x3FBA];
	_ =	sdelay $0x3  }
0x37: {  	[smem:$0x3FBA] =	sst s10  }
0x38: {  	s10 =	sld [smem:$0x3FBB]  }
0x39: {  	_ = 	snop;
	(pc) =	sbr.ind lr, $3  }
0x3a: {  	_ = 	snop  }
0x3b: {  	_ = 	snop  }
0x3c: {  	p2 =	seq.s32 s10, $0x1;
	s10 =	sld [smem:$0x3FBA]  }
0x3d: {  	_ =	shalt  }
0x3e: {  	_ =	shalt  }
0x3f: {  	_ =	shalt  }
0x40: {  	_ =	shalt  }
0x41: {  	_ =	shalt  }
0x42: {  	_ =	shalt  }
0x43: {  	_ =	shalt  }
0x44: {  	_ =	shalt  }
0x45: {  	_ =	shalt  }
0x46: {  	_ =	shalt  }
0x47: {  	_ =	shalt  }
0x48: {  	_ =	shalt  }
0x49: {  	_ =	shalt  }
0x4a: {  	_ =	shalt  }
0x4b: {  	_ =	shalt  }
0x4c: {  	_ =	shalt  }
0x4d: {  	_ =	shalt  }
0x4e: {  	_ =	shalt  }
0x4f: {  	_ =	shalt  }
0x50: {  	_ =	shalt  }
0x51: {  	_ =	shalt  }
0x52: {  	_ =	shalt  }
0x53: {  	_ =	shalt  }
0x54: {  	_ =	shalt  }
0x55: {  	_ =	shalt  }
0x56: {  	_ =	shalt  }
0x57: {  	_ =	shalt  }
0x58: {  	_ =	shalt  }
0x59: {  	_ =	shalt  }
0x5a: {  	_ =	shalt  }
0x5b: {  	_ =	shalt  }
0x5c: {  	_ =	shalt  }
0x5d: {  	_ =	shalt  }
0x5e: {  	_ =	shalt  }
0x5f: {  	_ =	shalt  }
0x60: {  	_ =	shalt  }
0x61: {  	_ =	shalt  }
0x62: {  	_ =	shalt  }
0x63: {  	_ =	shalt  }
0x64: {  	_ =	shalt  }
0x65: {  	_ =	shalt  }
0x66: {  	_ =	shalt  }
0x67: {  	_ =	shalt  }
0x68: {  	_ =	shalt  }
0x69: {  	_ =	shalt  }
0x6a: {  	_ =	shalt  }
0x6b: {  	_ =	shalt  }
0x6c: {  	_ =	shalt  }
0x6d: {  	_ =	shalt  }
0x6e: {  	_ =	shalt  }
0x6f: {  	_ =	shalt  }
0x70: {  	_ =	shalt  }
0x71: {  	_ =	shalt  }
0x72: {  	_ =	shalt  }
0x73: {  	_ =	shalt  }
0x74: {  	_ =	shalt  }
0x75: {  	_ =	shalt  }
0x76: {  	_ =	shalt  }
0x77: {  	_ =	shalt  }
0x78: {  	_ =	shalt  }
0x79: {  	_ =	shalt  }
0x7a: {  	_ =	shalt  }
0x7b: {  	_ =	shalt  }
0x7c: {  	_ =	shalt  }
0x7d: {  	_ =	shalt  }
0x7e: {  	_ =	shalt  }
0x7f: {  	_ =	shalt  }
0x80: {  	_ =	shalt  }
0x81: {  	_ =	shalt  }
0x82: {  	_ =	shalt  }
0x83: {  	_ =	shalt  }
0x84: {  	_ =	shalt  }
0x85: {  	_ =	shalt  }
0x86: {  	_ =	shalt  }
0x87: {  	_ =	shalt  }
.Lfunc_end0:
.L_simem_size_0:
called_computation.1_lowered:
.L_overlay_start_0:
0x88: {  	s2 =	sld [smem:$0x3FD9]  }
0x89: {  	s3 =	sld [smem:$0x3FFE];
	_ =	sdelay $0x1  }
0x8a: {  	s1 =	srdreg.scid  }
0x8b: {  	s0 =	sand.u32 $0x1, s1  }
0x8c: {  	s17 =	sshll.u32 s0, $0xA;
	s2 =	sadd.s32 s3, s2  }
0x8d: {  	s2 =	sadd.s32 s2, s17  }
0x8e: {  	[smem:$0x3FC6] =	sst s2  }
0x8f: {  	_ = 	snop  }
0x90: {  	s2 =	sld [smem:$0x3FD0];
	(tm) =	ssettm $0x1  }
0x91: {  	s18 =	sld [smem:$0x3FFB];
	_ =	sdelay $0x3  }
0x92: {  	_ =	strace s18  }
0x93: {  	s3 =	sld [smem:$0x3FFC];
	_ =	sdelay $0x3  }
0x94: {  	_ =	strace s3  }
0x95: {  	s3 =	sld [smem:$0x3FFD];
	_ =	sdelay $0x3  }
0x96: {  	_ =	strace s3  }
0x97: {  	_ =	strace $0x8FFFFFFF  }
0x98: {  	s19 =	sld [smem:$0x3FDB];
	_ =	sdelay $0x1  }
0x99: {  	s4 =	simm.s32 $_scs_section_size  }
0x9a: {  	s5 =	simm.s32 $_size__tile_overlayer_lowered;
	s6 =	simm.s32 $_tile_overlayer_lowered  }
0x9b: {  	s22 =	simm.s32 $0x1BFF;
	s21 =	sshll.u32 s6, $0x1;
	s3 =	sadd.s32 s4, s19  }
0x9c: {  	s7 =	simm.s32 $0x0;
	s20 =	sshll.u32 s5, $0x1;
	s5 =	sadd.s32 s21, s3  }
0x9d: {  	[timem:s7], [sflag:s22] =	dma.local [hbm:s5], s20  }
0x9e: {  	_ =	swait.ge [sflag:s22], s20  }
0x9f: {  	s4 =	ssub.s32 $0x0, s20;
	[sflag:s22] =	ssyncset.done $0x0  }
0xa0: {  	[sflag:s22] =	ssyncadd.s32 s4;
	_ =	sdelay $0x1  }
0xa1: {  	s23 =	simm.s32 $0x1B8B  }
0xa2: {  	_ =	swait.ge [sflag:s23], $0x1  }
0xa3: {  	[sflag:s23] =	ssyncset.done $0x0  }
0xa4: {  	s25 =	simm.s32 $0x1B8E;
	s24 =	sld [smem:$0x3FFE];
	[sflag:s23] =	ssyncadd.s32 $0xFFFFFFFF  }
0xa5: {  	s26 =	simm.s32 $execute0_lowered;
	[smem:$0x3FD2] =	sst s25  }
0xa6: {  	s5 =	sshll.u32 s26, $0x1;
	_ =	strace $0x80000046;
	[dreg:$0x1] =	wrdreg $0xFFFFFFFF  }
0xa7: {  	s28 =	simm.s32 $_size_execute0_lowered;
	s3 =	sadd.s32 s3, s5;
	[dreg:$0x0] =	wrdreg $0x0  }
0xa8: {  	s5 =	sshll.u32 s28, $0x1;
	[dreg:$0x2] =	wrdreg s3  }
0xa9: {  	[dreg:$0x3] =	wrdreg s5  }
0xaa: {  	[dreg:$0x4] =	wrdreg $0xC0  }
0xab: {  	_ =	task [dreg:s7], $0x5FFFF  }
0xac: {  	[dreg:$0x1] =	wrdreg $0xFFFFFFFF  }
0xad: {  	[dreg:$0x0] =	wrdreg $0x60  }
0xae: {  	[dreg:$0x2] =	wrdreg s24  }
0xaf: {  	[dreg:$0x3] =	wrdreg s2  }
0xb0: {  	[dreg:$0x4] =	wrdreg $0x9  }
0xb1: {  	_ =	task.clear_ibuf [dreg:s7], $0x5FFFF;
	_ =	strace $0x90000046  }
0xb2: {  	s29 =	simm.s32 $0x9;
	_ =	strace $0x80000048  }
0xb3: {  	_ =	swait.ge [sflag:s29], $0x1  }
0xb4: {  	[sflag:s29] =	ssyncadd.s32 $0xFFFFFFFF  }
0xb5: {  	_ =	strace $0x90000048  }
0xb6: {  	_ =	sfence  }
0xb7: {  	s30 =	sld [smem:$0x0];
	_ =	sdelay $0x2  }
0xb8: {  	s31 =	sshll.u32 s1, $0xD;
	s1 =	sshrl.u32 s1, $0x2  }
0xb9: {  	s3 =	sand.u32 $0x4000, s31;
	s1 =	sadd.s32 s1, s30  }
0xba: {  	s0 =	sor.u32 s3, s0;
	s1 =	sshll.u32 s1, $0x11  }
0xbb: {  	s0 =	sor.u32 s1, s0  }
0xbc: {  	s0 =	sadd.s32 $0x8F2B, s0  }
0xbd: {  	[sflag:s0] =	ssyncadd.remote.s32 $0x1  }
0xbe: {  	_ =	sfence.sel $0xFFFF  }
0xbf: {  	[dreg:$0x0] =	wrdreg $0xFFFFFFFF;
	(pc) =	sbr.abs _section_cstart, $3  }
0xc0: {  	[dreg:$0x1] =	wrdreg $0xFFFFFFFF  }
0xc1: {  	_ =	task.clear_ibuf [dreg:s7], $0x2FFFF;
	_ =	strace $0x9FFFFFFF  }
0xc2: {  	(tm) =	ssettm $0x7FFFFFFF  }
0xc3: {  	_ =	shalt  }
tec
execute0_lowered:
.L_overlay_start_1:
0x0: {  	(tag) =	ssettag $0x1  }
0x1: {  	s0 =	rddreg [dreg:$0x0]  }
0x2: {  	s2 =	rddreg [dreg:$0x1]  }
0x3: {  	s1 =	srdreg.scid;
	s4 =	stileid.u32  }
0x4: {  	s3 =	simm.s32 $0x0;
	s1 =	sand.u32 $0x1, s1;
	s4 =	sshll.u32 s4, $0x1  }
0x5: {  	s28 =	simm.s32 $0x1;
	s29 =	simm.s32 $0x280;
	s6 =	sor.u32 s1, s4  }
0x6: {  	s30 =	simm.s32 $0x780;
	s31 =	simm.s32 $0x2;
	s7 =	smul.u32 $0x3200, s6  }
0x7: {  	[smem:$0x7FF] =	sst s3;
	s5 =	sadd.s32 $0xFA6C00, s0;
	s24 =	smul.u32 $0x19000, s6  }
0x8: {  	_ =	strace $0x80000047;
	s23 =	ssub.s32 $0x2, s1;
	s25 =	smul.u32 $0x64000, s6  }
0x9: {  	s4 =	sadd.s32 $0x800, s0;
	s8 =	sshrl.u32 s23, $0x1;
	s26 =	smul.u32 $0xA0, s6  }
0xa: {  	s6 =	smul.u32 $0x320000, s6;
	s0 =	ssub.s32 s23, s8;
	s9 =	sadd.s32 s4, s7  }
0xb: {  	s13 =	sadd.s32 s2, s25;
	s0 =	smax.u32 s0, $0x1;
	[dreg:$0x3] =	wrdreg s9  }
0xc: {  	s14 =	sor.u32 $0x6, s26;
	s15 =	sor.u32 $0x780, s24;
	[dreg:$0x10] =	wrdreg s0  }
0xd: {  	s16 =	sor.u32 $0x7, s26;
	s10 =	sadd.s32 $0x50, s9;
	[dreg:$0x7] =	wrdreg s13  }
0xe: {  	s17 =	sor.u32 $0xA00, s24;
	s11 =	sadd.s32 $0xA0, s9;
	[dreg:$0x4] =	wrdreg s10  }
0xf: {  	s21 =	sshrl.u32 s24, $0x3;
	s12 =	sadd.s32 $0xF0, s9;
	[dreg:$0x5] =	wrdreg s11  }
0x10: {  	s6 =	sshrl.u32 s6, $0x3;
	s18 =	sadd.s32 $0x140, s9;
	[dreg:$0x6] =	wrdreg s12  }
0x11: {  	s19 =	sadd.s32 $0xA00, s13;
	s20 =	sadd.s32 $0x190, s9;
	[dreg:$0x8] =	wrdreg s18  }
0x12: {  	s7 =	sadd.s32 s4, s21;
	s23 =	sadd.s32 s2, s6;
	[dreg:$0x9] =	wrdreg s19  }
0x13: {  	s9 =	simm.s32 $0x4;
	s21 =	simm.s32 $0x19780;
	[dreg:$0xa] =	wrdreg s20  }
0x14: {  	s18 =	sor.u32 $0x8, s26;
	s19 =	sor.u32 $0xC80, s24;
	s22 =	sadd.s32 $0x31B0, s7  }
0x15: {  	s6 =	sadd.s32 $0x61800, s23;
	s24 =	sadd.s32 $0x62200, s23;
	[dreg:$0xb] =	wrdreg s22  }
0x16: {  	s25 =	sadd.s32 $0x62C00, s23;
	s1 =	sadd.s32 $0x63600, s23;
	[dreg:$0xc] =	wrdreg s6  }
0x17: {  	s26 =	sadd.s32 $0x1400, s13;
	s7 =	simm.s32 $0x3;
	[dreg:$0xd] =	wrdreg s24  }
0x18: {  	s11 =	simm.s32 $0xF780;
	s12 =	simm.s32 $0x5;
	[dreg:$0xe] =	wrdreg s25  }
0x19: {  	s20 =	simm.s32 $0x6;
	s23 =	simm.s32 $0x8;
	[dreg:$0xf] =	wrdreg s1  }
0x1a: {  	[dreg:$0x11] =	wrdreg s26;
	s1 =	simm.s32 $0x500;
	s22 =	simm.s32 $0x7  }
0x1b: {  	s24 =	simm.s32 $0x9;
	s6 =	simm.s32 $0x0;
	s26 =	simm.s32 $0x0  }
.LBB2_1:
0x1c: {  	[dreg:$0x12] =	wrdreg s6  }
0x1d: {  	s0 =	rddreg [dreg:$0x3]  }
0x1e: {  	[tilespmem:s3], [sflag:$0x1] =	stream.linear.gather [hbm4b:s0+s3], $0x280, $0x38;
	[tilespmem:$0x1E780] =	vst v63  }
0x1f: {  	_ =	swait.ge [sflag:s28], $0x280  }
0x20: {  	[sflag:s28] =	ssyncset.done $0x0  }
0x21: {  	[sflag:s28] =	ssyncadd.s32 $0xFFFFFD80  }
0x22: {  	[tilespmem:s30], [sflag:$0x4] =	stream.indirect.gather [hbm4b:s5+s29], $0x20, s3, s29, $0xb8;
	[tilespmem:$0x1E780] =	vst v63  }
0x23: {  	s6 =	rddreg [dreg:$0x4]  }
0x24: {  	[tilespmem:s29], [sflag:$0x2] =	stream.linear.gather [hbm4b:s6+s3], $0x280, $0x38;
	[tilespmem:$0x1E780] =	vst v63  }
0x25: {  	_ =	swait.ge [sflag:s31], $0x280  }
0x26: {  	[sflag:s31] =	ssyncset.done $0x0  }
0x27: {  	s8 =	simm.s32 $0x5780;
	[sflag:s31] =	ssyncadd.s32 $0xFFFFFD80  }
0x28: {  	[tilespmem:s8], [sflag:$0x5] =	stream.indirect.gather [hbm4b:s5+s29], $0x20, s29, s29, $0xb8;
	[tilespmem:$0x1E780] =	vst v63  }
0x29: {  	s10 =	rddreg [dreg:$0x5]  }
0x2a: {  	[tilespmem:s1], [sflag:$0x3] =	stream.linear.gather [hbm4b:s10+s3], $0x280, $0x38;
	[tilespmem:$0x1E780] =	vst v63  }
0x2b: {  	_ =	swait.ge [sflag:s7], $0x280  }
0x2c: {  	[sflag:s7] =	ssyncset.done $0x0  }
0x2d: {  	s13 =	simm.s32 $0xA780;
	[sflag:s7] =	ssyncadd.s32 $0xFFFFFD80  }
0x2e: {  	[tilespmem:s13], [sflag:$0x6] =	stream.indirect.gather [hbm4b:s5+s29], $0x20, s1, s29, $0xb8;
	[tilespmem:$0x1E780] =	vst v63  }
0x2f: {  	_ =	swait.ge [sflag:s9], $0x5000  }
0x30: {  	[sflag:s9] =	ssyncset.done $0x0  }
0x31: {  	s0 =	simm.s32 $0x0;
	s25 =	rddreg [dreg:$0x6];
	[sflag:s9] =	ssyncadd.s32 $0xFFFFB000  }
0x32: {  	[tilespmem:s3], [sflag:$0x1] =	stream.linear.gather [hbm4b:s25+s3], $0x280, $0x38;
	[tilespmem:$0x1E780] =	vst v63  }
0x33: {  	v1 =	vld [tilespmem:s0+$0x7F0]  }
0x34: {  	v5 =	vld [tilespmem:s0+$0x780]  }
0x35: {  	v6 =	vld [tilespmem:s0+$0x790]  }
0x36: {  	v4 =	vld [tilespmem:s0+$0x7A0]  }
0x37: {  	v3 =	vld [tilespmem:s0+$0x7B0]  }
0x38: {  	v0 =	vld [tilespmem:s0+$0x7C0];
	v7 =	vmul.f32 $5.656854150e+00, v1  }
0x39: {  	v1 =	vld [tilespmem:s0+$0x7D0];
	v5 =	vmul.f32 $5.656854150e+00, v5  }
0x3a: {  	s6 =	simm.s32 $0x80;
	s8 =	simm.s32 $0x400;
	v2 =	vld [tilespmem:s0+$0x7E0];
	v6 =	vmul.f32 $5.656854150e+00, v6;
	[tilespmem:s0+$0xF7F0] =	vst v7  }
.LBB2_2:
0x3b: {  	p0 =	sne.s32 s8, $0x13E00;
	v7 =	vld [tilespmem:s6+$0x7F0];
	[tilespmem:s0+$0xF780] =	vst v5;
	v4 =	vmul.f32 $5.656854150e+00, v4  }
0x3c: {  	v5 =	vld [tilespmem:s6+$0x780];
	[tilespmem:s0+$0xF790] =	vst v6;
	v3 =	vmul.f32 $5.656854150e+00, v3  }
0x3d: {  	v6 =	vld [tilespmem:s6+$0x790];
	[tilespmem:s0+$0xF7A0] =	vst v4;
	v0 =	vmul.f32 $5.656854150e+00, v0  }
.Ltmp0:
0x3e: {  	v4 =	vld [tilespmem:s6+$0x7A0];
	[tilespmem:s0+$0xF7B0] =	vst v3;
	v1 =	vmul.f32 $5.656854150e+00, v1;
	(pc) =	sbr.rel @p0 .LBB2_2-.Ltmp0, $4  }
0x3f: {  	v3 =	vld [tilespmem:s6+$0x7B0];
	[tilespmem:s0+$0xF7C0] =	vst v0;
	v2 =	vmul.f32 $5.656854150e+00, v2  }
0x40: {  	v0 =	vld [tilespmem:s6+$0x7C0];
	v7 =	vmul.f32 $5.656854150e+00, v7;
	[tilespmem:s0+$0xF7D0] =	vst v1  }
0x41: {  	v5 =	vmul.f32 $5.656854150e+00, v5;
	v1 =	vld [tilespmem:s6+$0x7D0];
	[tilespmem:s0+$0xF7E0] =	vst v2;
	s0 =	smov.u32 s6  }
0x42: {  	s6 =	sshra.s32 s8, $0x2;
	s8 =	sadd.s32 $0x200, s8;
	v6 =	vmul.f32 $5.656854150e+00, v6;
	v2 =	vld [tilespmem:s0+$0x7E0];
	[tilespmem:s0+$0xF7F0] =	vst v7  }
0x43: {  	v7 =	vld [tilespmem:s6+$0x7F0];
	[tilespmem:s0+$0xF780] =	vst v5;
	v4 =	vmul.f32 $5.656854150e+00, v4  }
0x44: {  	v5 =	vld [tilespmem:s6+$0x780];
	[tilespmem:s0+$0xF790] =	vst v6;
	v3 =	vmul.f32 $5.656854150e+00, v3  }
0x45: {  	v6 =	vld [tilespmem:s6+$0x790];
	[tilespmem:s0+$0xF7A0] =	vst v4;
	v0 =	vmul.f32 $5.656854150e+00, v0  }
0x46: {  	v4 =	vld [tilespmem:s6+$0x7A0];
	[tilespmem:s0+$0xF7B0] =	vst v3;
	v1 =	vmul.f32 $5.656854150e+00, v1  }
0x47: {  	v3 =	vld [tilespmem:s6+$0x7B0];
	[tilespmem:s0+$0xF7C0] =	vst v0;
	v2 =	vmul.f32 $5.656854150e+00, v2  }
0x48: {  	v0 =	vld [tilespmem:s6+$0x7C0];
	[tilespmem:s0+$0xF7D0] =	vst v1;
	v7 =	vmul.f32 $5.656854150e+00, v7  }
0x49: {  	v1 =	vld [tilespmem:s6+$0x7D0];
	[tilespmem:s0+$0xF7E0] =	vst v2;
	v2 =	vmul.f32 $5.656854150e+00, v5  }
0x4a: {  	v5 =	vld [tilespmem:s6+$0x7E0];
	v6 =	vmul.f32 $5.656854150e+00, v6;
	[tilespmem:s6+$0xF7F0] =	vst v7  }
0x4b: {  	[tilespmem:s6+$0xF780] =	vst v2;
	v2 =	vmul.f32 $5.656854150e+00, v4  }
0x4c: {  	[tilespmem:s6+$0xF790] =	vst v6;
	v3 =	vmul.f32 $5.656854150e+00, v3  }
0x4d: {  	[tilespmem:s6+$0xF7A0] =	vst v2;
	v0 =	vmul.f32 $5.656854150e+00, v0  }
0x4e: {  	[tilespmem:s6+$0xF7B0] =	vst v3;
	v1 =	vmul.f32 $5.656854150e+00, v1  }
0x4f: {  	[tilespmem:s6+$0xF7C0] =	vst v0;
	v0 =	vmul.f32 $5.656854150e+00, v5  }
0x50: {  	[tilespmem:s6+$0xF7D0] =	vst v1  }
0x51: {  	[tilespmem:s6+$0xF7E0] =	vst v0  }
0x52: {  	_ =	swait.ge [sflag:s28], $0x280  }
0x53: {  	[sflag:s28] =	ssyncset.done $0x0  }
0x54: {  	s10 =	simm.s32 $0x0;
	[sflag:s28] =	ssyncadd.s32 $0xFFFFFD80  }
0x55: {  	[tilespmem:s30], [sflag:$0x4] =	stream.indirect.gather [hbm4b:s5+s29], $0x20, s10, s29, $0xb8;
	[tilespmem:$0x1E780] =	vst v63  }
0x56: {  	s13 =	rddreg [dreg:$0x7]  }
0x57: {  	[hbm4b:s13+s10] =	stream.linear.scatter [tilespmem:s11], [sflag:$0x7], $0x5000, $0x38;
	[tilespmem:$0x1E780] =	vst v63  }
0x58: {  	_ =	swait.ge [sflag:s12], $0x5000  }
0x59: {  	[sflag:s12] =	ssyncset.done $0x0  }
0x5a: {  	s0 =	simm.s32 $0x0;
	s25 =	rddreg [dreg:$0x8];
	[sflag:s12] =	ssyncadd.s32 $0xFFFFB000  }
0x5b: {  	[tilespmem:s29], [sflag:$0x2] =	stream.linear.gather [hbm4b:s25+s10], $0x280, $0x38;
	[tilespmem:$0x1E780] =	vst v63  }
0x5c: {  	v1 =	vld [tilespmem:s0+$0x57F0]  }
0x5d: {  	v5 =	vld [tilespmem:s0+$0x5780]  }
0x5e: {  	v6 =	vld [tilespmem:s0+$0x5790]  }
0x5f: {  	v4 =	vld [tilespmem:s0+$0x57A0]  }
0x60: {  	v3 =	vld [tilespmem:s0+$0x57B0]  }
0x61: {  	v0 =	vld [tilespmem:s0+$0x57C0];
	v7 =	vmul.f32 $5.656854150e+00, v1  }
0x62: {  	v1 =	vld [tilespmem:s0+$0x57D0];
	v5 =	vmul.f32 $5.656854150e+00, v5  }
0x63: {  	s8 =	simm.s32 $0x400;
	s6 =	simm.s32 $0x80;
	v2 =	vld [tilespmem:s0+$0x57E0];
	v6 =	vmul.f32 $5.656854150e+00, v6;
	[tilespmem:s0+$0x147F0] =	vst v7  }
.LBB2_4:
0x64: {  	p0 =	sne.s32 s8, $0x13E00;
	v7 =	vld [tilespmem:s6+$0x57F0];
	[tilespmem:s0+$0x14780] =	vst v5;
	v4 =	vmul.f32 $5.656854150e+00, v4  }
0x65: {  	v5 =	vld [tilespmem:s6+$0x5780];
	[tilespmem:s0+$0x14790] =	vst v6;
	v3 =	vmul.f32 $5.656854150e+00, v3  }
0x66: {  	v6 =	vld [tilespmem:s6+$0x5790];
	[tilespmem:s0+$0x147A0] =	vst v4;
	v0 =	vmul.f32 $5.656854150e+00, v0  }
.Ltmp1:
0x67: {  	v4 =	vld [tilespmem:s6+$0x57A0];
	[tilespmem:s0+$0x147B0] =	vst v3;
	v1 =	vmul.f32 $5.656854150e+00, v1;
	(pc) =	sbr.rel @p0 .LBB2_4-.Ltmp1, $4  }
0x68: {  	v3 =	vld [tilespmem:s6+$0x57B0];
	[tilespmem:s0+$0x147C0] =	vst v0;
	v2 =	vmul.f32 $5.656854150e+00, v2  }
0x69: {  	v0 =	vld [tilespmem:s6+$0x57C0];
	v7 =	vmul.f32 $5.656854150e+00, v7;
	[tilespmem:s0+$0x147D0] =	vst v1  }
0x6a: {  	v5 =	vmul.f32 $5.656854150e+00, v5;
	v1 =	vld [tilespmem:s6+$0x57D0];
	[tilespmem:s0+$0x147E0] =	vst v2;
	s0 =	smov.u32 s6  }
0x6b: {  	s6 =	sshra.s32 s8, $0x2;
	s8 =	sadd.s32 $0x200, s8;
	v6 =	vmul.f32 $5.656854150e+00, v6;
	v2 =	vld [tilespmem:s0+$0x57E0];
	[tilespmem:s0+$0x147F0] =	vst v7  }
0x6c: {  	v7 =	vld [tilespmem:s6+$0x57F0];
	[tilespmem:s0+$0x14780] =	vst v5;
	v4 =	vmul.f32 $5.656854150e+00, v4  }
0x6d: {  	v5 =	vld [tilespmem:s6+$0x5780];
	[tilespmem:s0+$0x14790] =	vst v6;
	v3 =	vmul.f32 $5.656854150e+00, v3  }
0x6e: {  	v6 =	vld [tilespmem:s6+$0x5790];
	[tilespmem:s0+$0x147A0] =	vst v4;
	v0 =	vmul.f32 $5.656854150e+00, v0  }
0x6f: {  	v4 =	vld [tilespmem:s6+$0x57A0];
	[tilespmem:s0+$0x147B0] =	vst v3;
	v1 =	vmul.f32 $5.656854150e+00, v1  }
0x70: {  	v3 =	vld [tilespmem:s6+$0x57B0];
	[tilespmem:s0+$0x147C0] =	vst v0;
	v2 =	vmul.f32 $5.656854150e+00, v2  }
0x71: {  	v0 =	vld [tilespmem:s6+$0x57C0];
	[tilespmem:s0+$0x147D0] =	vst v1;
	v7 =	vmul.f32 $5.656854150e+00, v7  }
0x72: {  	v1 =	vld [tilespmem:s6+$0x57D0];
	[tilespmem:s0+$0x147E0] =	vst v2;
	v2 =	vmul.f32 $5.656854150e+00, v5  }
0x73: {  	v5 =	vld [tilespmem:s6+$0x57E0];
	v6 =	vmul.f32 $5.656854150e+00, v6;
	[tilespmem:s6+$0x147F0] =	vst v7  }
0x74: {  	[tilespmem:s6+$0x14780] =	vst v2;
	v2 =	vmul.f32 $5.656854150e+00, v4  }
0x75: {  	[tilespmem:s6+$0x14790] =	vst v6;
	v3 =	vmul.f32 $5.656854150e+00, v3  }
0x76: {  	[tilespmem:s6+$0x147A0] =	vst v2;
	v0 =	vmul.f32 $5.656854150e+00, v0  }
0x77: {  	[tilespmem:s6+$0x147B0] =	vst v3;
	v1 =	vmul.f32 $5.656854150e+00, v1  }
0x78: {  	[tilespmem:s6+$0x147C0] =	vst v0;
	v0 =	vmul.f32 $5.656854150e+00, v5  }
0x79: {  	[tilespmem:s6+$0x147D0] =	vst v1  }
0x7a: {  	[tilespmem:s6+$0x147E0] =	vst v0  }
0x7b: {  	_ =	swait.ge [sflag:s31], $0x280  }
0x7c: {  	[sflag:s31] =	ssyncset.done $0x0  }
0x7d: {  	s8 =	simm.s32 $0x5780;
	[sflag:s31] =	ssyncadd.s32 $0xFFFFFD80  }
0x7e: {  	[tilespmem:s8], [sflag:$0x5] =	stream.indirect.gather [hbm4b:s5+s29], $0x20, s29, s29, $0xb8;
	[tilespmem:$0x1E780] =	vst v63  }
0x7f: {  	s10 =	simm.s32 $0x0;
	s13 =	rddreg [dreg:$0x9];
	s8 =	simm.s32 $0x14780  }
0x80: {  	[hbm4b:s13+s10] =	stream.linear.scatter [tilespmem:s8], [sflag:$0x8], $0x5000, $0x38;
	[tilespmem:$0x1E780] =	vst v63  }
0x81: {  	_ =	swait.ge [sflag:s20], $0x5000  }
0x82: {  	[sflag:s20] =	ssyncset.done $0x0  }
0x83: {  	s0 =	simm.s32 $0x0;
	s25 =	rddreg [dreg:$0xa];
	[sflag:s20] =	ssyncadd.s32 $0xFFFFB000  }
0x84: {  	[tilespmem:s1], [sflag:$0x3] =	stream.linear.gather [hbm4b:s25+s10], $0x280, $0x38;
	[tilespmem:$0x1E780] =	vst v63  }
0x85: {  	v1 =	vld [tilespmem:s0+$0xA7F0]  }
0x86: {  	v5 =	vld [tilespmem:s0+$0xA780]  }
0x87: {  	v6 =	vld [tilespmem:s0+$0xA790]  }
0x88: {  	v4 =	vld [tilespmem:s0+$0xA7A0]  }
0x89: {  	v3 =	vld [tilespmem:s0+$0xA7B0]  }
0x8a: {  	v0 =	vld [tilespmem:s0+$0xA7C0];
	v7 =	vmul.f32 $5.656854150e+00, v1  }
0x8b: {  	v1 =	vld [tilespmem:s0+$0xA7D0];
	v5 =	vmul.f32 $5.656854150e+00, v5  }
0x8c: {  	s6 =	simm.s32 $0x80;
	s8 =	simm.s32 $0x400;
	v2 =	vld [tilespmem:s0+$0xA7E0];
	v6 =	vmul.f32 $5.656854150e+00, v6;
	[tilespmem:s0+$0x197F0] =	vst v7  }
.LBB2_6:
0x8d: {  	p0 =	sne.s32 s8, $0x13E00;
	v7 =	vld [tilespmem:s6+$0xA7F0];
	[tilespmem:s0+$0x19780] =	vst v5;
	v4 =	vmul.f32 $5.656854150e+00, v4  }
0x8e: {  	v5 =	vld [tilespmem:s6+$0xA780];
	[tilespmem:s0+$0x19790] =	vst v6;
	v3 =	vmul.f32 $5.656854150e+00, v3  }
0x8f: {  	v6 =	vld [tilespmem:s6+$0xA790];
	[tilespmem:s0+$0x197A0] =	vst v4;
	v0 =	vmul.f32 $5.656854150e+00, v0  }
.Ltmp2:
0x90: {  	v4 =	vld [tilespmem:s6+$0xA7A0];
	[tilespmem:s0+$0x197B0] =	vst v3;
	v1 =	vmul.f32 $5.656854150e+00, v1;
	(pc) =	sbr.rel @p0 .LBB2_6-.Ltmp2, $4  }
0x91: {  	v3 =	vld [tilespmem:s6+$0xA7B0];
	[tilespmem:s0+$0x197C0] =	vst v0;
	v2 =	vmul.f32 $5.656854150e+00, v2  }
0x92: {  	v0 =	vld [tilespmem:s6+$0xA7C0];
	v7 =	vmul.f32 $5.656854150e+00, v7;
	[tilespmem:s0+$0x197D0] =	vst v1  }
0x93: {  	v5 =	vmul.f32 $5.656854150e+00, v5;
	v1 =	vld [tilespmem:s6+$0xA7D0];
	[tilespmem:s0+$0x197E0] =	vst v2;
	s0 =	smov.u32 s6  }
0x94: {  	s6 =	sshra.s32 s8, $0x2;
	s8 =	sadd.s32 $0x200, s8;
	v6 =	vmul.f32 $5.656854150e+00, v6;
	v2 =	vld [tilespmem:s0+$0xA7E0];
	[tilespmem:s0+$0x197F0] =	vst v7  }
0x95: {  	v7 =	vld [tilespmem:s6+$0xA7F0];
	[tilespmem:s0+$0x19780] =	vst v5;
	v4 =	vmul.f32 $5.656854150e+00, v4  }
0x96: {  	v5 =	vld [tilespmem:s6+$0xA780];
	[tilespmem:s0+$0x19790] =	vst v6;
	v3 =	vmul.f32 $5.656854150e+00, v3  }
0x97: {  	v6 =	vld [tilespmem:s6+$0xA790];
	[tilespmem:s0+$0x197A0] =	vst v4;
	v0 =	vmul.f32 $5.656854150e+00, v0  }
0x98: {  	v4 =	vld [tilespmem:s6+$0xA7A0];
	[tilespmem:s0+$0x197B0] =	vst v3;
	v1 =	vmul.f32 $5.656854150e+00, v1  }
0x99: {  	v3 =	vld [tilespmem:s6+$0xA7B0];
	[tilespmem:s0+$0x197C0] =	vst v0;
	v2 =	vmul.f32 $5.656854150e+00, v2  }
0x9a: {  	v0 =	vld [tilespmem:s6+$0xA7C0];
	[tilespmem:s0+$0x197D0] =	vst v1;
	v7 =	vmul.f32 $5.656854150e+00, v7  }
0x9b: {  	v1 =	vld [tilespmem:s6+$0xA7D0];
	[tilespmem:s0+$0x197E0] =	vst v2;
	v60 =	vmul.f32 $5.656854150e+00, v5  }
0x9c: {  	v61 =	vld [tilespmem:s6+$0xA7E0];
	v6 =	vmul.f32 $5.656854150e+00, v6;
	[tilespmem:s6+$0x197F0] =	vst v7  }
0x9d: {  	[tilespmem:s6+$0x19780] =	vst v60;
	v62 =	vmul.f32 $5.656854150e+00, v4  }
0x9e: {  	[tilespmem:s6+$0x19790] =	vst v6;
	v3 =	vmul.f32 $5.656854150e+00, v3  }
0x9f: {  	[tilespmem:s6+$0x197A0] =	vst v62;
	v0 =	vmul.f32 $5.656854150e+00, v0  }
0xa0: {  	[tilespmem:s6+$0x197B0] =	vst v3;
	v1 =	vmul.f32 $5.656854150e+00, v1  }
0xa1: {  	[tilespmem:s6+$0x197C0] =	vst v0;
	v63 =	vmul.f32 $5.656854150e+00, v61  }
0xa2: {  	[tilespmem:s6+$0x197D0] =	vst v1  }
0xa3: {  	[tilespmem:s6+$0x197E0] =	vst v63  }
0xa4: {  	_ =	swait.ge [sflag:s7], $0x280  }
0xa5: {  	[sflag:s7] =	ssyncset.done $0x0  }
0xa6: {  	s13 =	simm.s32 $0xA780;
	[sflag:s7] =	ssyncadd.s32 $0xFFFFFD80  }
0xa7: {  	[tilespmem:s13], [sflag:$0x6] =	stream.indirect.gather [hbm4b:s5+s29], $0x20, s1, s29, $0xb8;
	[tilespmem:$0x1E780] =	vst v63  }
0xa8: {  	s10 =	simm.s32 $0x0;
	s25 =	rddreg [dreg:$0x11]  }
0xa9: {  	[hbm4b:s25+s26] =	stream.linear.scatter [tilespmem:s21], [sflag:$0x9], $0x5000, $0x38;
	[tilespmem:$0x1E780] =	vst v63  }
.LBB2_8:
0xaa: {  	s6 =	smul.u32 $0x3, s10;
	_ =	sdelay $0x1  }
0xab: {  	s0 =	sadd.s32 s6, s14  }
0xac: {  	_ =	swait.ge [sflag:s9], $0x5000;
	s0 =	smul.u32 $0x50, s0  }
0xad: {  	[sflag:s9] =	ssyncset.done $0x0  }
0xae: {  	[sflag:s9] =	ssyncadd.s32 $0xFFFFB000;
	s0 =	sadd.s32 s4, s0  }
0xaf: {  	[tilespmem:s26], [sflag:$0x1] =	stream.linear.gather [hbm4b:s0+s26], $0x280, $0x38;
	[tilespmem:$0x1E780] =	vst v63  }
0xb0: {  	_ =	swait.ge [sflag:s22], $0x5000  }
0xb1: {  	[sflag:s22] =	ssyncset.done $0x0  }
0xb2: {  	s0 =	simm.s32 $0x0;
	[sflag:s22] =	ssyncadd.s32 $0xFFFFB000  }
0xb3: {  	v1 =	vld [tilespmem:s0+$0x7F0]  }
0xb4: {  	v5 =	vld [tilespmem:s0+$0x780]  }
0xb5: {  	v6 =	vld [tilespmem:s0+$0x790]  }
0xb6: {  	v4 =	vld [tilespmem:s0+$0x7A0]  }
0xb7: {  	v3 =	vld [tilespmem:s0+$0x7B0]  }
0xb8: {  	v0 =	vld [tilespmem:s0+$0x7C0];
	v7 =	vmul.f32 $5.656854150e+00, v1  }
0xb9: {  	v1 =	vld [tilespmem:s0+$0x7D0];
	v5 =	vmul.f32 $5.656854150e+00, v5  }
0xba: {  	s25 =	simm.s32 $0x80;
	s8 =	simm.s32 $0x400;
	v2 =	vld [tilespmem:s0+$0x7E0];
	v6 =	vmul.f32 $5.656854150e+00, v6;
	[tilespmem:s0+$0xF7F0] =	vst v7  }
.LBB2_9:
0xbb: {  	p0 =	sne.s32 s8, $0x13E00;
	v7 =	vld [tilespmem:s25+$0x7F0];
	[tilespmem:s0+$0xF780] =	vst v5;
	v4 =	vmul.f32 $5.656854150e+00, v4  }
0xbc: {  	v5 =	vld [tilespmem:s25+$0x780];
	[tilespmem:s0+$0xF790] =	vst v6;
	v3 =	vmul.f32 $5.656854150e+00, v3  }
0xbd: {  	v6 =	vld [tilespmem:s25+$0x790];
	[tilespmem:s0+$0xF7A0] =	vst v4;
	v0 =	vmul.f32 $5.656854150e+00, v0  }
.Ltmp3:
0xbe: {  	v4 =	vld [tilespmem:s25+$0x7A0];
	[tilespmem:s0+$0xF7B0] =	vst v3;
	v1 =	vmul.f32 $5.656854150e+00, v1;
	(pc) =	sbr.rel @p0 .LBB2_9-.Ltmp3, $4  }
0xbf: {  	v3 =	vld [tilespmem:s25+$0x7B0];
	[tilespmem:s0+$0xF7C0] =	vst v0;
	v2 =	vmul.f32 $5.656854150e+00, v2  }
0xc0: {  	v0 =	vld [tilespmem:s25+$0x7C0];
	v7 =	vmul.f32 $5.656854150e+00, v7;
	[tilespmem:s0+$0xF7D0] =	vst v1  }
0xc1: {  	v5 =	vmul.f32 $5.656854150e+00, v5;
	v1 =	vld [tilespmem:s25+$0x7D0];
	[tilespmem:s0+$0xF7E0] =	vst v2;
	s0 =	smov.u32 s25  }
0xc2: {  	s25 =	sshra.s32 s8, $0x2;
	s8 =	sadd.s32 $0x200, s8;
	v6 =	vmul.f32 $5.656854150e+00, v6;
	v2 =	vld [tilespmem:s0+$0x7E0];
	[tilespmem:s0+$0xF7F0] =	vst v7  }
0xc3: {  	v7 =	vld [tilespmem:s25+$0x7F0];
	[tilespmem:s0+$0xF780] =	vst v5;
	v4 =	vmul.f32 $5.656854150e+00, v4  }
0xc4: {  	v5 =	vld [tilespmem:s25+$0x780];
	[tilespmem:s0+$0xF790] =	vst v6;
	v3 =	vmul.f32 $5.656854150e+00, v3  }
0xc5: {  	v6 =	vld [tilespmem:s25+$0x790];
	[tilespmem:s0+$0xF7A0] =	vst v4;
	v0 =	vmul.f32 $5.656854150e+00, v0  }
0xc6: {  	v4 =	vld [tilespmem:s25+$0x7A0];
	[tilespmem:s0+$0xF7B0] =	vst v3;
	v1 =	vmul.f32 $5.656854150e+00, v1  }
0xc7: {  	v3 =	vld [tilespmem:s25+$0x7B0];
	[tilespmem:s0+$0xF7C0] =	vst v0;
	v2 =	vmul.f32 $5.656854150e+00, v2  }
0xc8: {  	v0 =	vld [tilespmem:s25+$0x7C0];
	[tilespmem:s0+$0xF7D0] =	vst v1;
	v7 =	vmul.f32 $5.656854150e+00, v7  }
0xc9: {  	v1 =	vld [tilespmem:s25+$0x7D0];
	[tilespmem:s0+$0xF7E0] =	vst v2;
	v2 =	vmul.f32 $5.656854150e+00, v5  }
0xca: {  	v5 =	vld [tilespmem:s25+$0x7E0];
	v6 =	vmul.f32 $5.656854150e+00, v6;
	[tilespmem:s25+$0xF7F0] =	vst v7  }
0xcb: {  	[tilespmem:s25+$0xF780] =	vst v2;
	v2 =	vmul.f32 $5.656854150e+00, v4  }
0xcc: {  	[tilespmem:s25+$0xF790] =	vst v6;
	v3 =	vmul.f32 $5.656854150e+00, v3  }
0xcd: {  	[tilespmem:s25+$0xF7A0] =	vst v2;
	v0 =	vmul.f32 $5.656854150e+00, v0  }
0xce: {  	[tilespmem:s25+$0xF7B0] =	vst v3;
	v1 =	vmul.f32 $5.656854150e+00, v1  }
0xcf: {  	[tilespmem:s25+$0xF7C0] =	vst v0;
	v0 =	vmul.f32 $5.656854150e+00, v5  }
0xd0: {  	[tilespmem:s25+$0xF7D0] =	vst v1  }
0xd1: {  	[tilespmem:s25+$0xF7E0] =	vst v0;
	s25 =	smul.u32 $0x780, s10  }
0xd2: {  	_ =	swait.ge [sflag:s28], $0x280  }
0xd3: {  	[sflag:s28] =	ssyncset.done $0x0;
	s8 =	sadd.s32 s25, s15  }
0xd4: {  	s0 =	simm.s32 $0x0;
	[sflag:s28] =	ssyncadd.s32 $0xFFFFFD80;
	s8 =	sshll.u32 s8, $0x2  }
0xd5: {  	[tilespmem:s30], [sflag:$0x4] =	stream.indirect.gather [hbm4b:s5+s29], $0x20, s0, s29, $0xb8;
	[tilespmem:$0x1E780] =	vst v63  }
0xd6: {  	s8 =	sand.u32 $0x1FFFFE00, s8  }
0xd7: {  	s13 =	sadd.s32 s6, s16;
	s8 =	sadd.s32 s2, s8  }
0xd8: {  	[hbm4b:s8+s0] =	stream.linear.scatter [tilespmem:s11], [sflag:$0x7], $0x5000, $0x38;
	[tilespmem:$0x1E780] =	vst v63  }
0xd9: {  	s8 =	smul.u32 $0x50, s13;
	_ =	swait.ge [sflag:s12], $0x5000  }
0xda: {  	[sflag:s12] =	ssyncset.done $0x0  }
0xdb: {  	s8 =	sadd.s32 s4, s8;
	[sflag:s12] =	ssyncadd.s32 $0xFFFFB000  }
0xdc: {  	[tilespmem:s29], [sflag:$0x2] =	stream.linear.gather [hbm4b:s8+s0], $0x280, $0x38;
	[tilespmem:$0x1E780] =	vst v63  }
0xdd: {  	_ =	swait.ge [sflag:s23], $0x5000  }
0xde: {  	[sflag:s23] =	ssyncset.done $0x0  }
0xdf: {  	s8 =	simm.s32 $0x0;
	[sflag:s23] =	ssyncadd.s32 $0xFFFFB000  }
0xe0: {  	v1 =	vld [tilespmem:s8+$0x57F0]  }
0xe1: {  	v5 =	vld [tilespmem:s8+$0x5780]  }
0xe2: {  	v6 =	vld [tilespmem:s8+$0x5790]  }
0xe3: {  	v4 =	vld [tilespmem:s8+$0x57A0]  }
0xe4: {  	v3 =	vld [tilespmem:s8+$0x57B0]  }
0xe5: {  	v0 =	vld [tilespmem:s8+$0x57C0];
	v7 =	vmul.f32 $5.656854150e+00, v1  }
0xe6: {  	v1 =	vld [tilespmem:s8+$0x57D0];
	v5 =	vmul.f32 $5.656854150e+00, v5  }
0xe7: {  	s13 =	simm.s32 $0x400;
	s0 =	simm.s32 $0x80;
	v2 =	vld [tilespmem:s8+$0x57E0];
	v6 =	vmul.f32 $5.656854150e+00, v6;
	[tilespmem:s8+$0x147F0] =	vst v7  }
.LBB2_11:
0xe8: {  	p0 =	sne.s32 s13, $0x13E00;
	v7 =	vld [tilespmem:s0+$0x57F0];
	[tilespmem:s8+$0x14780] =	vst v5;
	v4 =	vmul.f32 $5.656854150e+00, v4  }
0xe9: {  	v5 =	vld [tilespmem:s0+$0x5780];
	[tilespmem:s8+$0x14790] =	vst v6;
	v3 =	vmul.f32 $5.656854150e+00, v3  }
0xea: {  	v6 =	vld [tilespmem:s0+$0x5790];
	[tilespmem:s8+$0x147A0] =	vst v4;
	v0 =	vmul.f32 $5.656854150e+00, v0  }
.Ltmp4:
0xeb: {  	v4 =	vld [tilespmem:s0+$0x57A0];
	[tilespmem:s8+$0x147B0] =	vst v3;
	v1 =	vmul.f32 $5.656854150e+00, v1;
	(pc) =	sbr.rel @p0 .LBB2_11-.Ltmp4, $4  }
0xec: {  	v3 =	vld [tilespmem:s0+$0x57B0];
	[tilespmem:s8+$0x147C0] =	vst v0;
	v2 =	vmul.f32 $5.656854150e+00, v2  }
0xed: {  	v0 =	vld [tilespmem:s0+$0x57C0];
	v7 =	vmul.f32 $5.656854150e+00, v7;
	[tilespmem:s8+$0x147D0] =	vst v1  }
0xee: {  	v5 =	vmul.f32 $5.656854150e+00, v5;
	v1 =	vld [tilespmem:s0+$0x57D0];
	[tilespmem:s8+$0x147E0] =	vst v2;
	s8 =	smov.u32 s0  }
0xef: {  	s0 =	sshra.s32 s13, $0x2;
	s13 =	sadd.s32 $0x200, s13;
	v6 =	vmul.f32 $5.656854150e+00, v6;
	v2 =	vld [tilespmem:s8+$0x57E0];
	[tilespmem:s8+$0x147F0] =	vst v7  }
0xf0: {  	v7 =	vld [tilespmem:s0+$0x57F0];
	[tilespmem:s8+$0x14780] =	vst v5;
	v4 =	vmul.f32 $5.656854150e+00, v4  }
0xf1: {  	v5 =	vld [tilespmem:s0+$0x5780];
	[tilespmem:s8+$0x14790] =	vst v6;
	v3 =	vmul.f32 $5.656854150e+00, v3  }
0xf2: {  	v6 =	vld [tilespmem:s0+$0x5790];
	[tilespmem:s8+$0x147A0] =	vst v4;
	v0 =	vmul.f32 $5.656854150e+00, v0  }
0xf3: {  	v4 =	vld [tilespmem:s0+$0x57A0];
	[tilespmem:s8+$0x147B0] =	vst v3;
	v1 =	vmul.f32 $5.656854150e+00, v1  }
0xf4: {  	v3 =	vld [tilespmem:s0+$0x57B0];
	[tilespmem:s8+$0x147C0] =	vst v0;
	v2 =	vmul.f32 $5.656854150e+00, v2  }
0xf5: {  	v0 =	vld [tilespmem:s0+$0x57C0];
	[tilespmem:s8+$0x147D0] =	vst v1;
	v7 =	vmul.f32 $5.656854150e+00, v7  }
0xf6: {  	v1 =	vld [tilespmem:s0+$0x57D0];
	[tilespmem:s8+$0x147E0] =	vst v2;
	v2 =	vmul.f32 $5.656854150e+00, v5  }
0xf7: {  	v5 =	vld [tilespmem:s0+$0x57E0];
	v6 =	vmul.f32 $5.656854150e+00, v6;
	[tilespmem:s0+$0x147F0] =	vst v7  }
0xf8: {  	[tilespmem:s0+$0x14780] =	vst v2;
	v2 =	vmul.f32 $5.656854150e+00, v4  }
0xf9: {  	[tilespmem:s0+$0x14790] =	vst v6;
	v3 =	vmul.f32 $5.656854150e+00, v3  }
0xfa: {  	[tilespmem:s0+$0x147A0] =	vst v2;
	v0 =	vmul.f32 $5.656854150e+00, v0  }
0xfb: {  	[tilespmem:s0+$0x147B0] =	vst v3;
	v1 =	vmul.f32 $5.656854150e+00, v1  }
0xfc: {  	[tilespmem:s0+$0x147C0] =	vst v0;
	v0 =	vmul.f32 $5.656854150e+00, v5  }
0xfd: {  	[tilespmem:s0+$0x147D0] =	vst v1  }
0xfe: {  	[tilespmem:s0+$0x147E0] =	vst v0  }
0xff: {  	_ =	swait.ge [sflag:s31], $0x280  }
0x100: {  	s8 =	sadd.s32 s25, s17;
	[sflag:s31] =	ssyncset.done $0x0  }
0x101: {  	s13 =	simm.s32 $0x5780;
	s0 =	sshll.u32 s8, $0x2;
	[sflag:s31] =	ssyncadd.s32 $0xFFFFFD80  }
0x102: {  	[tilespmem:s13], [sflag:$0x5] =	stream.indirect.gather [hbm4b:s5+s29], $0x20, s29, s29, $0xb8;
	[tilespmem:$0x1E780] =	vst v63  }
0x103: {  	s8 =	simm.s32 $0x0;
	s0 =	sadd.s32 s2, s0;
	s13 =	simm.s32 $0x14780  }
0x104: {  	[hbm4b:s0+s8] =	stream.linear.scatter [tilespmem:s13], [sflag:$0x8], $0x5000, $0x38;
	[tilespmem:$0x1E780] =	vst v63  }
0x105: {  	s13 =	sadd.s32 s6, s18  }
0x106: {  	_ =	swait.ge [sflag:s20], $0x5000;
	s0 =	smul.u32 $0x50, s13  }
0x107: {  	[sflag:s20] =	ssyncset.done $0x0  }
0x108: {  	[sflag:s20] =	ssyncadd.s32 $0xFFFFB000;
	s0 =	sadd.s32 s4, s0  }
0x109: {  	[tilespmem:s1], [sflag:$0x3] =	stream.linear.gather [hbm4b:s0+s8], $0x280, $0x38;
	[tilespmem:$0x1E780] =	vst v63  }
0x10a: {  	_ =	swait.ge [sflag:s24], $0x5000  }
0x10b: {  	[sflag:s24] =	ssyncset.done $0x0  }
0x10c: {  	s6 =	simm.s32 $0x0;
	[sflag:s24] =	ssyncadd.s32 $0xFFFFB000  }
0x10d: {  	v1 =	vld [tilespmem:s6+$0xA7F0]  }
0x10e: {  	v5 =	vld [tilespmem:s6+$0xA780]  }
0x10f: {  	v6 =	vld [tilespmem:s6+$0xA790]  }
0x110: {  	v4 =	vld [tilespmem:s6+$0xA7A0]  }
0x111: {  	v3 =	vld [tilespmem:s6+$0xA7B0]  }
0x112: {  	v0 =	vld [tilespmem:s6+$0xA7C0];
	v7 =	vmul.f32 $5.656854150e+00, v1  }
0x113: {  	v1 =	vld [tilespmem:s6+$0xA7D0];
	v5 =	vmul.f32 $5.656854150e+00, v5  }
0x114: {  	s0 =	simm.s32 $0x80;
	s8 =	simm.s32 $0x400;
	v2 =	vld [tilespmem:s6+$0xA7E0];
	v6 =	vmul.f32 $5.656854150e+00, v6;
	[tilespmem:s6+$0x197F0] =	vst v7  }
.LBB2_13:
0x115: {  	p0 =	sne.s32 s8, $0x13E00;
	v7 =	vld [tilespmem:s0+$0xA7F0];
	[tilespmem:s6+$0x19780] =	vst v5;
	v4 =	vmul.f32 $5.656854150e+00, v4  }
0x116: {  	v5 =	vld [tilespmem:s0+$0xA780];
	[tilespmem:s6+$0x19790] =	vst v6;
	v3 =	vmul.f32 $5.656854150e+00, v3  }
0x117: {  	v6 =	vld [tilespmem:s0+$0xA790];
	[tilespmem:s6+$0x197A0] =	vst v4;
	v0 =	vmul.f32 $5.656854150e+00, v0  }
.Ltmp5:
0x118: {  	v4 =	vld [tilespmem:s0+$0xA7A0];
	[tilespmem:s6+$0x197B0] =	vst v3;
	v1 =	vmul.f32 $5.656854150e+00, v1;
	(pc) =	sbr.rel @p0 .LBB2_13-.Ltmp5, $4  }
0x119: {  	v3 =	vld [tilespmem:s0+$0xA7B0];
	[tilespmem:s6+$0x197C0] =	vst v0;
	v2 =	vmul.f32 $5.656854150e+00, v2  }
0x11a: {  	v0 =	vld [tilespmem:s0+$0xA7C0];
	v7 =	vmul.f32 $5.656854150e+00, v7;
	[tilespmem:s6+$0x197D0] =	vst v1  }
0x11b: {  	v5 =	vmul.f32 $5.656854150e+00, v5;
	v1 =	vld [tilespmem:s0+$0xA7D0];
	[tilespmem:s6+$0x197E0] =	vst v2;
	s6 =	smov.u32 s0  }
0x11c: {  	s0 =	sshra.s32 s8, $0x2;
	s8 =	sadd.s32 $0x200, s8;
	v6 =	vmul.f32 $5.656854150e+00, v6;
	v2 =	vld [tilespmem:s6+$0xA7E0];
	[tilespmem:s6+$0x197F0] =	vst v7  }
0x11d: {  	v7 =	vld [tilespmem:s0+$0xA7F0];
	[tilespmem:s6+$0x19780] =	vst v5;
	v4 =	vmul.f32 $5.656854150e+00, v4  }
0x11e: {  	v5 =	vld [tilespmem:s0+$0xA780];
	[tilespmem:s6+$0x19790] =	vst v6;
	v3 =	vmul.f32 $5.656854150e+00, v3  }
0x11f: {  	v6 =	vld [tilespmem:s0+$0xA790];
	[tilespmem:s6+$0x197A0] =	vst v4;
	v0 =	vmul.f32 $5.656854150e+00, v0  }
0x120: {  	v4 =	vld [tilespmem:s0+$0xA7A0];
	[tilespmem:s6+$0x197B0] =	vst v3;
	v1 =	vmul.f32 $5.656854150e+00, v1  }
0x121: {  	v3 =	vld [tilespmem:s0+$0xA7B0];
	[tilespmem:s6+$0x197C0] =	vst v0;
	v2 =	vmul.f32 $5.656854150e+00, v2  }
0x122: {  	v0 =	vld [tilespmem:s0+$0xA7C0];
	[tilespmem:s6+$0x197D0] =	vst v1;
	v7 =	vmul.f32 $5.656854150e+00, v7  }
0x123: {  	v1 =	vld [tilespmem:s0+$0xA7D0];
	[tilespmem:s6+$0x197E0] =	vst v2;
	v60 =	vmul.f32 $5.656854150e+00, v5  }
0x124: {  	v61 =	vld [tilespmem:s0+$0xA7E0];
	v6 =	vmul.f32 $5.656854150e+00, v6;
	[tilespmem:s0+$0x197F0] =	vst v7  }
0x125: {  	[tilespmem:s0+$0x19780] =	vst v60;
	v62 =	vmul.f32 $5.656854150e+00, v4  }
0x126: {  	[tilespmem:s0+$0x19790] =	vst v6;
	v3 =	vmul.f32 $5.656854150e+00, v3  }
0x127: {  	[tilespmem:s0+$0x197A0] =	vst v62;
	v0 =	vmul.f32 $5.656854150e+00, v0  }
0x128: {  	[tilespmem:s0+$0x197B0] =	vst v3;
	v1 =	vmul.f32 $5.656854150e+00, v1  }
0x129: {  	[tilespmem:s0+$0x197C0] =	vst v0;
	v63 =	vmul.f32 $5.656854150e+00, v61  }
0x12a: {  	[tilespmem:s0+$0x197D0] =	vst v1  }
0x12b: {  	s10 =	sadd.s32 $0x1, s10;
	[tilespmem:s0+$0x197E0] =	vst v63  }
0x12c: {  	s25 =	sadd.s32 s25, s19;
	p0 =	sne.s32 s10, $0x33;
	_ =	swait.ge [sflag:s7], $0x280  }
.Ltmp6:
0x12d: {  	s0 =	sshll.u32 s25, $0x2;
	[sflag:s7] =	ssyncset.done $0x0;
	(pc) =	sbr.rel @p0 .LBB2_8-.Ltmp6, $4  }
0x12e: {  	s13 =	simm.s32 $0xA780;
	s0 =	sand.u32 $0x1FFFFE00, s0;
	[sflag:s7] =	ssyncadd.s32 $0xFFFFFD80  }
0x12f: {  	[tilespmem:s13], [sflag:$0x6] =	stream.indirect.gather [hbm4b:s5+s29], $0x20, s1, s29, $0xb8;
	[tilespmem:$0x1E780] =	vst v63  }
0x130: {  	s0 =	sadd.s32 s2, s0  }
0x131: {  	[hbm4b:s0+s3] =	stream.linear.scatter [tilespmem:s21], [sflag:$0x9], $0x5000, $0x38;
	[tilespmem:$0x1E780] =	vst v63  }
0x132: {  	_ =	swait.ge [sflag:s9], $0x5000  }
0x133: {  	[sflag:s9] =	ssyncset.done $0x0  }
0x134: {  	s0 =	simm.s32 $0x0;
	s6 =	rddreg [dreg:$0xb];
	[sflag:s9] =	ssyncadd.s32 $0xFFFFB000  }
0x135: {  	[tilespmem:s0], [sflag:$0x1] =	stream.linear.gather [hbm4b:s6+s0], $0x280, $0x38;
	[tilespmem:$0x1E780] =	vst v63  }
0x136: {  	_ =	swait.ge [sflag:s22], $0x5000  }
0x137: {  	[sflag:s22] =	ssyncset.done $0x0  }
0x138: {  	s6 =	simm.s32 $0x0;
	[sflag:s22] =	ssyncadd.s32 $0xFFFFB000  }
0x139: {  	v1 =	vld [tilespmem:s6+$0x7F0]  }
0x13a: {  	v5 =	vld [tilespmem:s6+$0x780]  }
0x13b: {  	v6 =	vld [tilespmem:s6+$0x790]  }
0x13c: {  	v4 =	vld [tilespmem:s6+$0x7A0]  }
0x13d: {  	v3 =	vld [tilespmem:s6+$0x7B0]  }
0x13e: {  	v0 =	vld [tilespmem:s6+$0x7C0];
	v7 =	vmul.f32 $5.656854150e+00, v1  }
0x13f: {  	v1 =	vld [tilespmem:s6+$0x7D0];
	v5 =	vmul.f32 $5.656854150e+00, v5  }
0x140: {  	s8 =	simm.s32 $0x400;
	s0 =	simm.s32 $0x80;
	v2 =	vld [tilespmem:s6+$0x7E0];
	v6 =	vmul.f32 $5.656854150e+00, v6;
	[tilespmem:s6+$0xF7F0] =	vst v7  }
.LBB2_16:
0x141: {  	p0 =	sne.s32 s8, $0x13E00;
	v7 =	vld [tilespmem:s0+$0x7F0];
	[tilespmem:s6+$0xF780] =	vst v5;
	v4 =	vmul.f32 $5.656854150e+00, v4  }
0x142: {  	v5 =	vld [tilespmem:s0+$0x780];
	[tilespmem:s6+$0xF790] =	vst v6;
	v3 =	vmul.f32 $5.656854150e+00, v3  }
0x143: {  	v6 =	vld [tilespmem:s0+$0x790];
	[tilespmem:s6+$0xF7A0] =	vst v4;
	v0 =	vmul.f32 $5.656854150e+00, v0  }
.Ltmp7:
0x144: {  	v4 =	vld [tilespmem:s0+$0x7A0];
	[tilespmem:s6+$0xF7B0] =	vst v3;
	v1 =	vmul.f32 $5.656854150e+00, v1;
	(pc) =	sbr.rel @p0 .LBB2_16-.Ltmp7, $4  }
0x145: {  	v3 =	vld [tilespmem:s0+$0x7B0];
	[tilespmem:s6+$0xF7C0] =	vst v0;
	v2 =	vmul.f32 $5.656854150e+00, v2  }
0x146: {  	v0 =	vld [tilespmem:s0+$0x7C0];
	v7 =	vmul.f32 $5.656854150e+00, v7;
	[tilespmem:s6+$0xF7D0] =	vst v1  }
0x147: {  	v5 =	vmul.f32 $5.656854150e+00, v5;
	v1 =	vld [tilespmem:s0+$0x7D0];
	[tilespmem:s6+$0xF7E0] =	vst v2;
	s6 =	smov.u32 s0  }
0x148: {  	s0 =	sshra.s32 s8, $0x2;
	s8 =	sadd.s32 $0x200, s8;
	v6 =	vmul.f32 $5.656854150e+00, v6;
	v2 =	vld [tilespmem:s6+$0x7E0];
	[tilespmem:s6+$0xF7F0] =	vst v7  }
0x149: {  	v7 =	vld [tilespmem:s0+$0x7F0];
	[tilespmem:s6+$0xF780] =	vst v5;
	v4 =	vmul.f32 $5.656854150e+00, v4  }
0x14a: {  	v5 =	vld [tilespmem:s0+$0x780];
	[tilespmem:s6+$0xF790] =	vst v6;
	v3 =	vmul.f32 $5.656854150e+00, v3  }
0x14b: {  	v6 =	vld [tilespmem:s0+$0x790];
	[tilespmem:s6+$0xF7A0] =	vst v4;
	v0 =	vmul.f32 $5.656854150e+00, v0  }
0x14c: {  	v4 =	vld [tilespmem:s0+$0x7A0];
	[tilespmem:s6+$0xF7B0] =	vst v3;
	v1 =	vmul.f32 $5.656854150e+00, v1  }
0x14d: {  	v3 =	vld [tilespmem:s0+$0x7B0];
	[tilespmem:s6+$0xF7C0] =	vst v0;
	v2 =	vmul.f32 $5.656854150e+00, v2  }
0x14e: {  	v0 =	vld [tilespmem:s0+$0x7C0];
	[tilespmem:s6+$0xF7D0] =	vst v1;
	v7 =	vmul.f32 $5.656854150e+00, v7  }
0x14f: {  	v1 =	vld [tilespmem:s0+$0x7D0];
	[tilespmem:s6+$0xF7E0] =	vst v2;
	v2 =	vmul.f32 $5.656854150e+00, v5  }
0x150: {  	v5 =	vld [tilespmem:s0+$0x7E0];
	v6 =	vmul.f32 $5.656854150e+00, v6;
	[tilespmem:s0+$0xF7F0] =	vst v7  }
0x151: {  	[tilespmem:s0+$0xF780] =	vst v2;
	v2 =	vmul.f32 $5.656854150e+00, v4  }
0x152: {  	[tilespmem:s0+$0xF790] =	vst v6;
	v3 =	vmul.f32 $5.656854150e+00, v3  }
0x153: {  	[tilespmem:s0+$0xF7A0] =	vst v2;
	v0 =	vmul.f32 $5.656854150e+00, v0  }
0x154: {  	[tilespmem:s0+$0xF7B0] =	vst v3;
	v1 =	vmul.f32 $5.656854150e+00, v1  }
0x155: {  	[tilespmem:s0+$0xF7C0] =	vst v0;
	v0 =	vmul.f32 $5.656854150e+00, v5  }
0x156: {  	[tilespmem:s0+$0xF7D0] =	vst v1  }
0x157: {  	[tilespmem:s0+$0xF7E0] =	vst v0  }
0x158: {  	_ =	swait.ge [sflag:s28], $0x280  }
0x159: {  	[sflag:s28] =	ssyncset.done $0x0  }
0x15a: {  	s13 =	simm.s32 $0x0;
	[sflag:s28] =	ssyncadd.s32 $0xFFFFFD80  }
0x15b: {  	[tilespmem:s30], [sflag:$0x4] =	stream.indirect.gather [hbm4b:s5+s29], $0x20, s13, s29, $0xb8;
	[tilespmem:$0x1E780] =	vst v63  }
0x15c: {  	s25 =	rddreg [dreg:$0xc]  }
0x15d: {  	[hbm4b:s25+s13] =	stream.linear.scatter [tilespmem:s11], [sflag:$0x7], $0x5000, $0x38;
	[tilespmem:$0x1E780] =	vst v63  }
0x15e: {  	_ =	swait.ge [sflag:s12], $0x5000  }
0x15f: {  	[sflag:s12] =	ssyncset.done $0x0  }
0x160: {  	[sflag:s12] =	ssyncadd.s32 $0xFFFFB000  }
0x161: {  	_ =	swait.ge [sflag:s23], $0x5000  }
0x162: {  	[sflag:s23] =	ssyncset.done $0x0  }
0x163: {  	s6 =	simm.s32 $0x0;
	[sflag:s23] =	ssyncadd.s32 $0xFFFFB000  }
0x164: {  	v1 =	vld [tilespmem:s6+$0x57F0]  }
0x165: {  	v5 =	vld [tilespmem:s6+$0x5780]  }
0x166: {  	v6 =	vld [tilespmem:s6+$0x5790]  }
0x167: {  	v4 =	vld [tilespmem:s6+$0x57A0]  }
0x168: {  	v3 =	vld [tilespmem:s6+$0x57B0]  }
0x169: {  	v0 =	vld [tilespmem:s6+$0x57C0];
	v7 =	vmul.f32 $5.656854150e+00, v1  }
0x16a: {  	v1 =	vld [tilespmem:s6+$0x57D0];
	v5 =	vmul.f32 $5.656854150e+00, v5  }
0x16b: {  	s8 =	simm.s32 $0x400;
	s0 =	simm.s32 $0x80;
	v2 =	vld [tilespmem:s6+$0x57E0];
	v6 =	vmul.f32 $5.656854150e+00, v6;
	[tilespmem:s6+$0x147F0] =	vst v7  }
.LBB2_18:
0x16c: {  	p0 =	sne.s32 s8, $0x13E00;
	v7 =	vld [tilespmem:s0+$0x57F0];
	[tilespmem:s6+$0x14780] =	vst v5;
	v4 =	vmul.f32 $5.656854150e+00, v4  }
0x16d: {  	v5 =	vld [tilespmem:s0+$0x5780];
	[tilespmem:s6+$0x14790] =	vst v6;
	v3 =	vmul.f32 $5.656854150e+00, v3  }
0x16e: {  	v6 =	vld [tilespmem:s0+$0x5790];
	[tilespmem:s6+$0x147A0] =	vst v4;
	v0 =	vmul.f32 $5.656854150e+00, v0  }
.Ltmp8:
0x16f: {  	v4 =	vld [tilespmem:s0+$0x57A0];
	[tilespmem:s6+$0x147B0] =	vst v3;
	v1 =	vmul.f32 $5.656854150e+00, v1;
	(pc) =	sbr.rel @p0 .LBB2_18-.Ltmp8, $4  }
0x170: {  	v3 =	vld [tilespmem:s0+$0x57B0];
	[tilespmem:s6+$0x147C0] =	vst v0;
	v2 =	vmul.f32 $5.656854150e+00, v2  }
0x171: {  	v0 =	vld [tilespmem:s0+$0x57C0];
	v7 =	vmul.f32 $5.656854150e+00, v7;
	[tilespmem:s6+$0x147D0] =	vst v1  }
0x172: {  	v5 =	vmul.f32 $5.656854150e+00, v5;
	v1 =	vld [tilespmem:s0+$0x57D0];
	[tilespmem:s6+$0x147E0] =	vst v2;
	s6 =	smov.u32 s0  }
0x173: {  	s0 =	sshra.s32 s8, $0x2;
	s8 =	sadd.s32 $0x200, s8;
	v6 =	vmul.f32 $5.656854150e+00, v6;
	v2 =	vld [tilespmem:s6+$0x57E0];
	[tilespmem:s6+$0x147F0] =	vst v7  }
0x174: {  	v7 =	vld [tilespmem:s0+$0x57F0];
	[tilespmem:s6+$0x14780] =	vst v5;
	v4 =	vmul.f32 $5.656854150e+00, v4  }
0x175: {  	v5 =	vld [tilespmem:s0+$0x5780];
	[tilespmem:s6+$0x14790] =	vst v6;
	v3 =	vmul.f32 $5.656854150e+00, v3  }
0x176: {  	v6 =	vld [tilespmem:s0+$0x5790];
	[tilespmem:s6+$0x147A0] =	vst v4;
	v0 =	vmul.f32 $5.656854150e+00, v0  }
0x177: {  	v4 =	vld [tilespmem:s0+$0x57A0];
	[tilespmem:s6+$0x147B0] =	vst v3;
	v1 =	vmul.f32 $5.656854150e+00, v1  }
0x178: {  	v3 =	vld [tilespmem:s0+$0x57B0];
	[tilespmem:s6+$0x147C0] =	vst v0;
	v2 =	vmul.f32 $5.656854150e+00, v2  }
0x179: {  	v0 =	vld [tilespmem:s0+$0x57C0];
	[tilespmem:s6+$0x147D0] =	vst v1;
	v7 =	vmul.f32 $5.656854150e+00, v7  }
0x17a: {  	v1 =	vld [tilespmem:s0+$0x57D0];
	[tilespmem:s6+$0x147E0] =	vst v2;
	v2 =	vmul.f32 $5.656854150e+00, v5  }
0x17b: {  	v5 =	vld [tilespmem:s0+$0x57E0];
	v6 =	vmul.f32 $5.656854150e+00, v6;
	[tilespmem:s0+$0x147F0] =	vst v7  }
0x17c: {  	[tilespmem:s0+$0x14780] =	vst v2;
	v2 =	vmul.f32 $5.656854150e+00, v4  }
0x17d: {  	[tilespmem:s0+$0x14790] =	vst v6;
	v3 =	vmul.f32 $5.656854150e+00, v3  }
0x17e: {  	[tilespmem:s0+$0x147A0] =	vst v2;
	v0 =	vmul.f32 $5.656854150e+00, v0  }
0x17f: {  	[tilespmem:s0+$0x147B0] =	vst v3;
	v1 =	vmul.f32 $5.656854150e+00, v1  }
0x180: {  	[tilespmem:s0+$0x147C0] =	vst v0;
	v0 =	vmul.f32 $5.656854150e+00, v5  }
0x181: {  	[tilespmem:s0+$0x147D0] =	vst v1  }
0x182: {  	s13 =	simm.s32 $0x0;
	s25 =	rddreg [dreg:$0xd];
	s8 =	simm.s32 $0x14780;
	[tilespmem:s0+$0x147E0] =	vst v0  }
0x183: {  	[hbm4b:s25+s13] =	stream.linear.scatter [tilespmem:s8], [sflag:$0x8], $0x5000, $0x38;
	[tilespmem:$0x1E780] =	vst v63  }
0x184: {  	_ =	swait.ge [sflag:s20], $0x5000  }
0x185: {  	[sflag:s20] =	ssyncset.done $0x0  }
0x186: {  	[sflag:s20] =	ssyncadd.s32 $0xFFFFB000  }
0x187: {  	_ =	swait.ge [sflag:s24], $0x5000  }
0x188: {  	[sflag:s24] =	ssyncset.done $0x0  }
0x189: {  	s6 =	simm.s32 $0x0;
	[sflag:s24] =	ssyncadd.s32 $0xFFFFB000  }
0x18a: {  	v1 =	vld [tilespmem:s6+$0xA7F0]  }
0x18b: {  	v5 =	vld [tilespmem:s6+$0xA780]  }
0x18c: {  	v6 =	vld [tilespmem:s6+$0xA790]  }
0x18d: {  	v4 =	vld [tilespmem:s6+$0xA7A0]  }
0x18e: {  	v3 =	vld [tilespmem:s6+$0xA7B0]  }
0x18f: {  	v0 =	vld [tilespmem:s6+$0xA7C0];
	v7 =	vmul.f32 $5.656854150e+00, v1  }
0x190: {  	v1 =	vld [tilespmem:s6+$0xA7D0];
	v5 =	vmul.f32 $5.656854150e+00, v5  }
0x191: {  	s0 =	simm.s32 $0x80;
	s8 =	simm.s32 $0x400;
	v2 =	vld [tilespmem:s6+$0xA7E0];
	v6 =	vmul.f32 $5.656854150e+00, v6;
	[tilespmem:s6+$0x197F0] =	vst v7  }
.LBB2_20:
0x192: {  	p0 =	sne.s32 s8, $0x13E00;
	v7 =	vld [tilespmem:s0+$0xA7F0];
	[tilespmem:s6+$0x19780] =	vst v5;
	v4 =	vmul.f32 $5.656854150e+00, v4  }
0x193: {  	v5 =	vld [tilespmem:s0+$0xA780];
	[tilespmem:s6+$0x19790] =	vst v6;
	v3 =	vmul.f32 $5.656854150e+00, v3  }
0x194: {  	v6 =	vld [tilespmem:s0+$0xA790];
	[tilespmem:s6+$0x197A0] =	vst v4;
	v0 =	vmul.f32 $5.656854150e+00, v0  }
.Ltmp9:
0x195: {  	v4 =	vld [tilespmem:s0+$0xA7A0];
	[tilespmem:s6+$0x197B0] =	vst v3;
	v1 =	vmul.f32 $5.656854150e+00, v1;
	(pc) =	sbr.rel @p0 .LBB2_20-.Ltmp9, $4  }
0x196: {  	v3 =	vld [tilespmem:s0+$0xA7B0];
	[tilespmem:s6+$0x197C0] =	vst v0;
	v2 =	vmul.f32 $5.656854150e+00, v2  }
0x197: {  	v0 =	vld [tilespmem:s0+$0xA7C0];
	v7 =	vmul.f32 $5.656854150e+00, v7;
	[tilespmem:s6+$0x197D0] =	vst v1  }
0x198: {  	v5 =	vmul.f32 $5.656854150e+00, v5;
	v1 =	vld [tilespmem:s0+$0xA7D0];
	[tilespmem:s6+$0x197E0] =	vst v2;
	s6 =	smov.u32 s0  }
0x199: {  	s0 =	sshra.s32 s8, $0x2;
	s8 =	sadd.s32 $0x200, s8;
	v6 =	vmul.f32 $5.656854150e+00, v6;
	v2 =	vld [tilespmem:s6+$0xA7E0];
	[tilespmem:s6+$0x197F0] =	vst v7  }
0x19a: {  	v7 =	vld [tilespmem:s0+$0xA7F0];
	[tilespmem:s6+$0x19780] =	vst v5;
	v4 =	vmul.f32 $5.656854150e+00, v4  }
0x19b: {  	v5 =	vld [tilespmem:s0+$0xA780];
	[tilespmem:s6+$0x19790] =	vst v6;
	v3 =	vmul.f32 $5.656854150e+00, v3  }
0x19c: {  	v6 =	vld [tilespmem:s0+$0xA790];
	[tilespmem:s6+$0x197A0] =	vst v4;
	v0 =	vmul.f32 $5.656854150e+00, v0  }
0x19d: {  	v4 =	vld [tilespmem:s0+$0xA7A0];
	[tilespmem:s6+$0x197B0] =	vst v3;
	v1 =	vmul.f32 $5.656854150e+00, v1  }
0x19e: {  	v3 =	vld [tilespmem:s0+$0xA7B0];
	[tilespmem:s6+$0x197C0] =	vst v0;
	v2 =	vmul.f32 $5.656854150e+00, v2  }
0x19f: {  	v0 =	vld [tilespmem:s0+$0xA7C0];
	[tilespmem:s6+$0x197D0] =	vst v1;
	v7 =	vmul.f32 $5.656854150e+00, v7  }
0x1a0: {  	v1 =	vld [tilespmem:s0+$0xA7D0];
	[tilespmem:s6+$0x197E0] =	vst v2;
	v2 =	vmul.f32 $5.656854150e+00, v5  }
0x1a1: {  	v5 =	vld [tilespmem:s0+$0xA7E0];
	v6 =	vmul.f32 $5.656854150e+00, v6;
	[tilespmem:s0+$0x197F0] =	vst v7  }
0x1a2: {  	[tilespmem:s0+$0x19780] =	vst v2;
	v2 =	vmul.f32 $5.656854150e+00, v4  }
0x1a3: {  	[tilespmem:s0+$0x19790] =	vst v6;
	v3 =	vmul.f32 $5.656854150e+00, v3  }
0x1a4: {  	[tilespmem:s0+$0x197A0] =	vst v2;
	v0 =	vmul.f32 $5.656854150e+00, v0  }
0x1a5: {  	[tilespmem:s0+$0x197B0] =	vst v3;
	v1 =	vmul.f32 $5.656854150e+00, v1  }
0x1a6: {  	[tilespmem:s0+$0x197C0] =	vst v0;
	v0 =	vmul.f32 $5.656854150e+00, v5  }
0x1a7: {  	[tilespmem:s0+$0x197D0] =	vst v1  }
0x1a8: {  	s13 =	simm.s32 $0x0;
	s25 =	rddreg [dreg:$0xe];
	[tilespmem:s0+$0x197E0] =	vst v0  }
0x1a9: {  	[hbm4b:s25+s13] =	stream.linear.scatter [tilespmem:s21], [sflag:$0x9], $0x5000, $0x38;
	[tilespmem:$0x1E780] =	vst v63  }
0x1aa: {  	_ =	swait.ge [sflag:s9], $0x5000  }
0x1ab: {  	[sflag:s9] =	ssyncset.done $0x0  }
0x1ac: {  	[sflag:s9] =	ssyncadd.s32 $0xFFFFB000  }
0x1ad: {  	_ =	swait.ge [sflag:s22], $0x5000  }
0x1ae: {  	[sflag:s22] =	ssyncset.done $0x0  }
0x1af: {  	s6 =	simm.s32 $0x0;
	[sflag:s22] =	ssyncadd.s32 $0xFFFFB000  }
0x1b0: {  	v1 =	vld [tilespmem:s6+$0x7F0]  }
0x1b1: {  	v5 =	vld [tilespmem:s6+$0x780]  }
0x1b2: {  	v6 =	vld [tilespmem:s6+$0x790]  }
0x1b3: {  	v4 =	vld [tilespmem:s6+$0x7A0]  }
0x1b4: {  	v3 =	vld [tilespmem:s6+$0x7B0]  }
0x1b5: {  	v0 =	vld [tilespmem:s6+$0x7C0];
	v7 =	vmul.f32 $5.656854150e+00, v1  }
0x1b6: {  	v1 =	vld [tilespmem:s6+$0x7D0];
	v5 =	vmul.f32 $5.656854150e+00, v5  }
0x1b7: {  	s8 =	simm.s32 $0x400;
	s0 =	simm.s32 $0x80;
	v2 =	vld [tilespmem:s6+$0x7E0];
	v6 =	vmul.f32 $5.656854150e+00, v6;
	[tilespmem:s6+$0xF7F0] =	vst v7  }
.LBB2_22:
0x1b8: {  	p0 =	sne.s32 s8, $0x13E00;
	v7 =	vld [tilespmem:s0+$0x7F0];
	[tilespmem:s6+$0xF780] =	vst v5;
	v4 =	vmul.f32 $5.656854150e+00, v4  }
0x1b9: {  	v5 =	vld [tilespmem:s0+$0x780];
	[tilespmem:s6+$0xF790] =	vst v6;
	v3 =	vmul.f32 $5.656854150e+00, v3  }
0x1ba: {  	v6 =	vld [tilespmem:s0+$0x790];
	[tilespmem:s6+$0xF7A0] =	vst v4;
	v0 =	vmul.f32 $5.656854150e+00, v0  }
.Ltmp10:
0x1bb: {  	v4 =	vld [tilespmem:s0+$0x7A0];
	[tilespmem:s6+$0xF7B0] =	vst v3;
	v1 =	vmul.f32 $5.656854150e+00, v1;
	(pc) =	sbr.rel @p0 .LBB2_22-.Ltmp10, $4  }
0x1bc: {  	v3 =	vld [tilespmem:s0+$0x7B0];
	[tilespmem:s6+$0xF7C0] =	vst v0;
	v2 =	vmul.f32 $5.656854150e+00, v2  }
0x1bd: {  	v0 =	vld [tilespmem:s0+$0x7C0];
	v7 =	vmul.f32 $5.656854150e+00, v7;
	[tilespmem:s6+$0xF7D0] =	vst v1  }
0x1be: {  	v5 =	vmul.f32 $5.656854150e+00, v5;
	v1 =	vld [tilespmem:s0+$0x7D0];
	[tilespmem:s6+$0xF7E0] =	vst v2;
	s6 =	smov.u32 s0  }
0x1bf: {  	s0 =	sshra.s32 s8, $0x2;
	s8 =	sadd.s32 $0x200, s8;
	v6 =	vmul.f32 $5.656854150e+00, v6;
	v2 =	vld [tilespmem:s6+$0x7E0];
	[tilespmem:s6+$0xF7F0] =	vst v7  }
0x1c0: {  	v7 =	vld [tilespmem:s0+$0x7F0];
	[tilespmem:s6+$0xF780] =	vst v5;
	v4 =	vmul.f32 $5.656854150e+00, v4  }
0x1c1: {  	v5 =	vld [tilespmem:s0+$0x780];
	[tilespmem:s6+$0xF790] =	vst v6;
	v3 =	vmul.f32 $5.656854150e+00, v3  }
0x1c2: {  	v6 =	vld [tilespmem:s0+$0x790];
	[tilespmem:s6+$0xF7A0] =	vst v4;
	v0 =	vmul.f32 $5.656854150e+00, v0  }
0x1c3: {  	v4 =	vld [tilespmem:s0+$0x7A0];
	[tilespmem:s6+$0xF7B0] =	vst v3;
	v1 =	vmul.f32 $5.656854150e+00, v1  }
0x1c4: {  	v3 =	vld [tilespmem:s0+$0x7B0];
	[tilespmem:s6+$0xF7C0] =	vst v0;
	v2 =	vmul.f32 $5.656854150e+00, v2  }
0x1c5: {  	v0 =	vld [tilespmem:s0+$0x7C0];
	[tilespmem:s6+$0xF7D0] =	vst v1;
	v7 =	vmul.f32 $5.656854150e+00, v7  }
0x1c6: {  	v1 =	vld [tilespmem:s0+$0x7D0];
	[tilespmem:s6+$0xF7E0] =	vst v2;
	v60 =	vmul.f32 $5.656854150e+00, v5  }
0x1c7: {  	v61 =	vld [tilespmem:s0+$0x7E0];
	v6 =	vmul.f32 $5.656854150e+00, v6;
	[tilespmem:s0+$0xF7F0] =	vst v7  }
0x1c8: {  	[tilespmem:s0+$0xF780] =	vst v60;
	v62 =	vmul.f32 $5.656854150e+00, v4  }
0x1c9: {  	[tilespmem:s0+$0xF790] =	vst v6;
	v3 =	vmul.f32 $5.656854150e+00, v3  }
0x1ca: {  	[tilespmem:s0+$0xF7A0] =	vst v62;
	v0 =	vmul.f32 $5.656854150e+00, v0  }
0x1cb: {  	[tilespmem:s0+$0xF7B0] =	vst v3;
	v1 =	vmul.f32 $5.656854150e+00, v1  }
0x1cc: {  	[tilespmem:s0+$0xF7C0] =	vst v0;
	v63 =	vmul.f32 $5.656854150e+00, v61  }
0x1cd: {  	[tilespmem:s0+$0xF7D0] =	vst v1  }
0x1ce: {  	s10 =	rddreg [dreg:$0xf];
	[tilespmem:s0+$0xF7E0] =	vst v63  }
0x1cf: {  	[hbm4b:s10+s3] =	stream.linear.scatter [tilespmem:s11], [sflag:$0x7], $0x5000, $0x38;
	[tilespmem:$0x1E780] =	vst v63  }
0x1d0: {  	_ =	swait.ge [sflag:s23], $0x5000  }
0x1d1: {  	[sflag:s23] =	ssyncset.done $0x0  }
0x1d2: {  	[sflag:s23] =	ssyncadd.s32 $0xFFFFB000  }
0x1d3: {  	_ =	swait.ge [sflag:s24], $0x5000  }
0x1d4: {  	[sflag:s24] =	ssyncset.done $0x0  }
0x1d5: {  	[sflag:s24] =	ssyncadd.s32 $0xFFFFB000  }
0x1d6: {  	_ =	swait.ge [sflag:s22], $0x5000  }
0x1d7: {  	s13 =	rddreg [dreg:$0x12]  }
0x1d8: {  	s25 =	rddreg [dreg:$0x10];
	s6 =	sadd.s32 $0x1, s13  }
0x1d9: {  	p0 =	sne.s32 s6, s25  }
.Ltmp11:
0x1da: {  	_ = 	snop;
	(pc) =	sbr.rel @p0 .LBB2_1-.Ltmp11, $3  }
0x1db: {  	_ =	sdelay $0x1  }
0x1dc: {  	[sflag:s22] =	ssyncset.done $0x0  }
0x1dd: {  	[sflag:s22] =	ssyncadd.s32 $0xFFFFB000  }
0x1de: {  	_ =	sfence.sel $0x180000  }
0x1df: {  	[bflag:$0x0] =	sbarrier.arrive $0xFFFF  }
0x1e0: {  	_ =	strace $0x90000047  }
0x1e1: {  	s0 =	stileid.u32;
	[bflag:$0x2] =	sbarrier.arrive $0xFFFF  }
0x1e2: {  	p0 =	sne.s32 s0, $0x0;
	s0 =	rddreg [dreg:$0x2]  }
0x1e3: {  	s0 =	sadd.s32 @!p0 $0x100000, s0  }
0x1e4: {  	[sflag:s0] =	ssyncadd.tile.s32 @!p0 $0x1;
	_ =	shalt  }
.Lfunc_end2:
_tile_overlayer_lowered:
.L_overlay_start_2:
0x1e5: {  	(tag) =	ssettag $0x2  }
0x1e6: {  	s0 =	rddreg [dreg:$0x0];
	s2 =	stileid.u32  }
0x1e7: {  	s1 =	rddreg [dreg:$0x1];
	p0 =	sne.s32 s2, $0x0  }
0x1e8: {  	s3 =	rddreg [dreg:$0x2];
	[bflag:$0x3] =	sbarrier.arrive $0xFFFF;
	s2 =	simm.s32 @!p0 $0x1C0A  }
0x1e9: {  	[timem:s3], [sflag:s2] =	dma.local @!p0 [hbm:s0], s1  }
0x1ea: {  	s0 =	simm.s32 @!p0 $0xA  }
0x1eb: {  	_ =	swait.ge @!p0 [sflag:s0], s1  }
0x1ec: {  	s1 =	ssub.s32 @!p0 $0x0, s1;
	[sflag:s0] =	ssyncset.done @!p0 $0x0  }
0x1ed: {  	[sflag:s0] =	ssyncadd.s32 @!p0 s1  }
0x1ee: {  	[bflag:$0x3] =	sbarrier.arrive $0xFFFF  }
0x1ef: {  	_ =	shalt  }

// kernel: sparse-core-data-format-call.cloned.1.call-start
scs
called_computation_lowered:
.L_overlay_start_0:
0x0: {  	s2 =	sld [smem:$0x3FD9]  }
0x1: {  	s3 =	sld [smem:$0x3FFE];
	_ =	sdelay $0x1  }
0x2: {  	s1 =	srdreg.scid  }
0x3: {  	s0 =	sand.u32 $0x1, s1  }
0x4: {  	s18 =	sshll.u32 s0, $0xA;
	s2 =	sadd.s32 s3, s2  }
0x5: {  	s2 =	sadd.s32 s2, s18  }
0x6: {  	[smem:$0x3FC6] =	sst s2  }
0x7: {  	_ = 	snop  }
0x8: {  	s2 =	sld [smem:$0x3FD0];
	(tm) =	ssettm $0x1  }
0x9: {  	s19 =	sld [smem:$0x3FFB];
	_ =	sdelay $0x3  }
0xa: {  	_ =	strace s19  }
0xb: {  	s3 =	sld [smem:$0x3FFC];
	_ =	sdelay $0x3  }
0xc: {  	_ =	strace s3  }
0xd: {  	s3 =	sld [smem:$0x3FFD];
	_ =	sdelay $0x3  }
0xe: {  	_ =	strace s3  }
0xf: {  	_ =	strace $0x8FFFFFFF  }
0x10: {  	s20 =	sld [smem:$0x3FDB];
	_ =	sdelay $0x1  }
0x11: {  	s4 =	simm.s32 $_scs_section_size  }
0x12: {  	s5 =	simm.s32 $_size__tile_overlayer_lowered;
	s6 =	simm.s32 $_tile_overlayer_lowered  }
0x13: {  	s23 =	simm.s32 $0x1BFF;
	s22 =	sshll.u32 s6, $0x1;
	s3 =	sadd.s32 s4, s20  }
0x14: {  	s7 =	simm.s32 $0x0;
	s21 =	sshll.u32 s5, $0x1;
	s5 =	sadd.s32 s22, s3  }
0x15: {  	[timem:s7], [sflag:s23] =	dma.local [hbm:s5], s21  }
0x16: {  	_ =	swait.ge [sflag:s23], s21  }
0x17: {  	s4 =	ssub.s32 $0x0, s21;
	[sflag:s23] =	ssyncset.done $0x0  }
0x18: {  	[sflag:s23] =	ssyncadd.s32 s4;
	_ =	sdelay $0x1  }
0x19: {  	s24 =	simm.s32 $0x1B8B  }
0x1a: {  	_ =	swait.ge [sflag:s24], $0x1  }
0x1b: {  	[sflag:s24] =	ssyncset.done $0x0  }
0x1c: {  	s26 =	simm.s32 $0x1B8E;
	s25 =	sld [smem:$0x3FFE];
	[sflag:s24] =	ssyncadd.s32 $0xFFFFFFFF  }
0x1d: {  	s27 =	simm.s32 $execute0_lowered;
	[smem:$0x3FD2] =	sst s26  }
0x1e: {  	s5 =	sshll.u32 s27, $0x1;
	_ =	strace $0x80000049;
	[dreg:$0x1] =	wrdreg $0xFFFFFFFF  }
0x1f: {  	s28 =	simm.s32 $_size_execute0_lowered;
	s3 =	sadd.s32 s3, s5;
	[dreg:$0x0] =	wrdreg $0x0  }
0x20: {  	s5 =	sshll.u32 s28, $0x1;
	[dreg:$0x2] =	wrdreg s3  }
0x21: {  	[dreg:$0x3] =	wrdreg s5  }
0x22: {  	[dreg:$0x4] =	wrdreg $0xC0  }
0x23: {  	_ =	task [dreg:s7], $0x5FFFF  }
0x24: {  	[dreg:$0x1] =	wrdreg $0xFFFFFFFF  }
0x25: {  	[dreg:$0x0] =	wrdreg $0x60  }
0x26: {  	[dreg:$0x2] =	wrdreg s25  }
0x27: {  	[dreg:$0x3] =	wrdreg s2  }
0x28: {  	[dreg:$0x4] =	wrdreg $0x9  }
0x29: {  	_ =	task.clear_ibuf [dreg:s7], $0x5FFFF;
	_ =	strace $0x90000049  }
0x2a: {  	s29 =	simm.s32 $0x9;
	_ =	strace $0x8000004B  }
0x2b: {  	_ =	swait.ge [sflag:s29], $0x1  }
0x2c: {  	[sflag:s29] =	ssyncadd.s32 $0xFFFFFFFF  }
0x2d: {  	_ =	strace $0x9000004B  }
0x2e: {  	_ =	sfence  }
0x2f: {  	s30 =	sld [smem:$0x0];
	_ =	sdelay $0x2  }
0x30: {  	s31 =	sshll.u32 s1, $0xD;
	s1 =	sshrl.u32 s1, $0x2  }
0x31: {  	s3 =	sand.u32 $0x4000, s31;
	s1 =	sadd.s32 s1, s30  }
0x32: {  	s0 =	sor.u32 s3, s0;
	s1 =	sshll.u32 s1, $0x11  }
0x33: {  	s0 =	sor.u32 s1, s0  }
0x34: {  	s0 =	sadd.s32 $0x8F2B, s0  }
0x35: {  	[sflag:s0] =	ssyncadd.remote.s32 $0x1  }
0x36: {  	_ =	sfence.sel $0xFFFF  }
0x37: {  	[dreg:$0x0] =	wrdreg $0xFFFFFFFF;
	(pc) =	sbr.abs _section_cstart, $3  }
0x38: {  	[dreg:$0x1] =	wrdreg $0xFFFFFFFF  }
0x39: {  	_ =	task.clear_ibuf [dreg:s7], $0x2FFFF;
	_ =	strace $0x9FFFFFFF  }
0x3a: {  	(tm) =	ssettm $0x7FFFFFFF  }
0x3b: {  	_ =	shalt  }
tec
execute0_lowered:
.L_overlay_start_1:
0x0: {  	(tag) =	ssettag $0x1  }
0x1: {  	s0 =	srdreg.scid  }
0x2: {  	s1 =	sshll.u32 s0, $0x4  }
0x3: {  	s0 =	stileid.u32;
	s1 =	sand.u32 $0x10, s1  }
0x4: {  	s1 =	sor.u32 s0, s1  }
0x5: {  	s6 =	rddreg [dreg:$0x0];
	s4 =	simm.s32 $0x1;
	s2 =	sshll.u32 s1, $0x7  }
0x6: {  	s7 =	simm.s32 $0x2;
	s12 =	simm.s32 $0x0;
	s1 =	ssub.s32 $0x4000, s2  }
0x7: {  	s8 =	simm.s32 $0x20000;
	s13 =	simm.s32 $0x0;
	s3 =	sand.u32 $0xF80, s1  }
0x8: {  	s9 =	simm.s32 $0x0;
	s5 =	sshrl.u32 s1, $0xC;
	p0 =	sne.s32 s3, $0x0  }
.Ltmp0:
0x9: {  	s1 =	rddreg [dreg:$0x2];
	s4 =	simm.s32 @!p0 $0x0;
	(pc) =	sbr.rel .LBB1_1-.Ltmp0, $4  }
0xa: {  	s11 =	simm.s32 $0x0;
	s3 =	rddreg [dreg:$0x1];
	s5 =	sadd.s32 s4, s5  }
0xb: {  	_ =	strace $0x8000004A;
	s4 =	simm.s32 $0x1;
	s5 =	smul.u32 $0xC8, s5  }
0xc: {  	s6 =	sadd.s32 $0x800, s6;
	s10 =	smov.u32 s2;
	[sflag:s4] =	ssyncpa.u1 $0x0  }
0xd: {  	p0 =	por $0x0, $0x0;
	[sflag:s7] =	ssyncpa.u1 $0x0;
	s7 =	sor.u32 $0x1, s5  }
.LBB1_4:
0xe: {  	s16 =	sshll.u32 s13, $0x3;
	s17 =	sand.u32 $0x78, s13  }
0xf: {  	s30 =	sand.u32 $0xF800, s13;
	s12 =	sshll.u32 s12, $0x10;
	s16 =	sand.u32 $0x3C00, s16  }
0x10: {  	s31 =	sand.u32 $0x7, s13;
	s16 =	sor.u32 s17, s16;
	s17 =	sadd.s32 s3, s30  }
0x11: {  	s13 =	sshll.u32 s31, $0x12;
	s16 =	sshrl.u32 s16, $0x3;
	s12 =	sadd.s32 s12, s17  }
0x12: {  	[tilespmem:s15+$0x0 ss:$0x81] =	vst.msk $0xffff, v0;
	s13 =	sor.u32 $0x400, s13;
	s12 =	sadd.s32 s16, s12  }
0x13: {  	[hbm4b:s12+s13] =	stream.strided.scatter [tilespmem:s14], [sflag:$0x2], $0x1000, s8, s13, $0x20;
	[tilespmem:$0x4040] =	vst v63  }
.LBB1_5:
0x14: {  	s14 =	sadd.s32 $0x1, s9  }
0x15: {  	s12 =	sadd.s32 $0x1000, s10;
	s16 =	smov.u32 s10;
	p2 =	sgt.s32 s14, $0xC7  }
0x16: {  	s16 =	smov.u32 @p2 s12  }
0x17: {  	s14 =	simm.s32 @p2 $0x0;
	p2 =	sgt.s32 s16, $0x3FFF  }
0x18: {  	s16 =	smov.u32 @p2 s2;
	p2 =	sne.s32 s11, s7  }
.Ltmp1:
0x19: {  	p1 =	slt.u32 s11, $0x2;
	(pc) =	sbr.rel @!p2 .LBB1_6-.Ltmp1, $4  }
0x1a: {  	s15 =	simm.s32 @!p1 $0x2  }
0x1b: {  	s13 =	smov.u32 s10;
	p0 =	por !p0, !p0;
	_ =	swait.ge @!p1 [sflag:s15], $0x1000  }
0x1c: {  	s12 =	smov.u32 s9;
	[sflag:s15] =	ssyncset.done @!p1 $0x0;
	s9 =	smov.u32 s14  }
0x1d: {  	s11 =	sadd.s32 $0x1, s11;
	[sflag:s15] =	ssyncadd.s32 @!p1 $0xFFFFF000;
	s10 =	smov.u32 s16  }
.LBB1_1:
0x1e: {  	p1 =	sge.u32 s11, s5  }
0x1f: {  	s14 =	sand.u32 @!p1 $0x1FFFFFF, s9  }
0x20: {  	s15 =	smulhi.u32 @!p1 $0x147AE15, s14;
	_ =	sdelay $0x1  }
0x21: {  	s15 =	smul.u32 @!p1 $0xC8, s15  }
0x22: {  	s16 =	sxor.u32 @!p1 $0xFFFFFFFF, s11;
	s17 =	smul.u32 @!p1 $0xC80, s10  }
0x23: {  	s31 =	sadd.s32 $0xFFFFFFFF, s11;
	s16 =	sshll.u32 @!p1 s16, $0xC;
	s14 =	ssub.s32 @!p1 s14, s15  }
0x24: {  	s15 =	sand.u32 @!p1 $0x1000, s16;
	s16 =	sadd.s32 @!p1 s6, s17;
	s14 =	sshll.u32 @!p1 s14, $0x4  }
0x25: {  	s17 =	simm.s32 @!p1 $0x6400;
	s14 =	sadd.s32 @!p1 s14, s16;
	s16 =	simm.s32 @!p1 $0x20  }
0x26: {  	[tilespmem:s15], [sflag:$0x1] =	stream.strided.gather @!p1 [hbm4b:s14+s16], $0x1000, s17, s16, $0x38;
	[tilespmem:$0x4040] =	vst v63  }
0x27: {  	p1 =	sge.u32 s31, s5  }
.Ltmp2:
0x28: {  	_ = 	snop;
	(pc) =	sbr.rel @p1 .LBB1_5-.Ltmp2, $1  }
0x29: {  	_ =	sdelay $0x3  }
0x2a: {  	s14 =	simm.s32 $0x1  }
0x2b: {  	_ =	swait.ge [sflag:s4], $0x1000;
	s14 =	simm.s32 @!p0 $0x0  }
0x2c: {  	[sflag:s4] =	ssyncset.done $0x0;
	s15 =	sshll.u32 s14, $0xC  }
0x2d: {  	[sflag:s4] =	ssyncadd.s32 $0xFFFFF000;
	s18 =	sor.u32 $0x10, s15  }
0x2e: {  	s14 =	smul.u32 $0x4080, s14;
	v1 =	vld [tilespmem:s18+$0x0]  }
0x2f: {  	s30 =	sand.u32 $0x1, s11;
	v0 =	vld [tilespmem:s18+$0xFFFFFFF0]  }
0x30: {  	s15 =	smul.u32 $0x4080, s30;
	s14 =	sshrl.u32 s14, $0x2  }
0x31: {  	s16 =	sor.u32 $0x2000, s14  }
0x32: {  	s31 =	sshrl.u32 s15, $0x2;
	s15 =	sadd.s32 $0x0, s16  }
0x33: {  	s17 =	simm.s32 $0x4;
	s18 =	sadd.s32 $0x20, s18;
	s14 =	sor.u32 $0x2000, s31;
	[tilespmem:s15+$0x810 ss:$0x81] =	vst.msk $0xffff, v1  }
.LBB1_3:
0x34: {  	v1 =	vld [tilespmem:s18+$0x0];
	p1 =	sne.s32 s17, $0x1FC;
	[tilespmem:s15+$0x0 ss:$0x81] =	vst.msk $0xffff, v0;
	s15 =	smov.u32 s17;
	s17 =	sadd.s32 $0x4, s17  }
.Ltmp3:
0x35: {  	v0 =	vld [tilespmem:s18+$0xFFFFFFF0];
	(pc) =	sbr.rel @p1 .LBB1_3-.Ltmp3, $4  }
0x36: {  	_ = 	snop  }
0x37: {  	s15 =	sshra.s32 s15, $0x2  }
0x38: {  	s15 =	sadd.s32 s15, s16  }
0x39: {  	s18 =	sadd.s32 $0x20, s18;
	[tilespmem:s15+$0x810 ss:$0x81] =	vst.msk $0xffff, v1  }
.Ltmp4:
0x3a: {  	_ = 	snop;
	(pc) =	sbr.rel .LBB1_4-.Ltmp4, $1  }
0x3b: {  	_ =	sdelay $0x3  }
.LBB1_6:
0x3c: {  	_ =	sfence.sel $0x180000  }
0x3d: {  	s2 =	simm.s32 $0x1;
	[bflag:$0x0] =	sbarrier.arrive $0xFFFF  }
0x3e: {  	s31 =	simm.s32 $0x2;
	[sflag:s2] =	ssyncpa.u1 $0x1  }
0x3f: {  	[sflag:s31] =	ssyncpa.u1 $0x1  }
0x40: {  	p0 =	sne.s32 s0, $0x0;
	_ =	strace $0x9000004A  }
0x41: {  	s0 =	sadd.s32 @!p0 $0x100000, s1;
	[bflag:$0x2] =	sbarrier.arrive $0xFFFF  }
0x42: {  	[sflag:s0] =	ssyncadd.tile.s32 @!p0 $0x1;
	_ =	shalt  }
.Lfunc_end1:
_tile_overlayer_lowered:
.L_overlay_start_2:
0x43: {  	(tag) =	ssettag $0x2  }
0x44: {  	s0 =	rddreg [dreg:$0x0];
	s2 =	stileid.u32  }
0x45: {  	s1 =	rddreg [dreg:$0x1];
	p0 =	sne.s32 s2, $0x0  }
0x46: {  	s3 =	rddreg [dreg:$0x2];
	[bflag:$0x3] =	sbarrier.arrive $0xFFFF;
	s2 =	simm.s32 @!p0 $0x1C01  }
0x47: {  	[timem:s3], [sflag:s2] =	dma.local @!p0 [hbm:s0], s1  }
0x48: {  	s0 =	simm.s32 @!p0 $0x1  }
0x49: {  	_ =	swait.ge @!p0 [sflag:s0], s1  }
0x4a: {  	s1 =	ssub.s32 @!p0 $0x0, s1;
	[sflag:s0] =	ssyncset.done @!p0 $0x0  }
0x4b: {  	[sflag:s0] =	ssyncadd.s32 @!p0 s1  }
0x4c: {  	[bflag:$0x3] =	sbarrier.arrive $0xFFFF  }
0x4d: {  	_ =	shalt  }

</sc_bundles>
